<compile_context>
chip_gen: v7x
topology: tpu7x:2x2x1
jax: 0.10.2.dev20260603
libtpu: 0.0.44.dev20260713+nightly
codegen_flags: <defaults>
</compile_context>

<pallas_src>
import functools

import jax
import jax.numpy as jnp
from jax import lax
from jax.experimental import pallas as pl
from jax.experimental.pallas import tpu as pltpu
from jax.experimental.pallas import tpu_sc as plsc

NA = 50000
NP = 50000
NE = 800000
DIN = 128
H = 64
HH = 32

NC, NS = 2, 16
ACC_N = 50048
RPT = ACC_N // NS
SUB = 256
NEP = 819200
EROWS = NEP // SUB
RPT_E = EROWS // NS
KS = 2
NIT = RPT_E // KS
NIT2 = NIT // 2
NBUF = 3
LOOK = 2
OUT_SC = min(KS, NBUF)
OUT_BUFS = [(KS - OUT_SC + i) % NBUF for i in range(OUT_SC)]
PAD_SEG = 50000

_f32 = jnp.float32


def _sc_mesh():
    return plsc.VectorSubcoreMesh(
        core_axis_name="c", subcore_axis_name="s", num_cores=NC, num_subcores=NS)


def _seg_passes(tables, g_list, s_list, deg_pass0, z2d, z1d, ones1):
    n_pass = len(tables)
    n_deg = 2 if deg_pass0 else 0
    out_type = [jax.ShapeDtypeStruct((NC, ACC_N, HH), _f32) for _ in range(n_pass)]
    out_type += [jax.ShapeDtypeStruct((ACC_N,), _f32)] * n_deg

    @functools.partial(
        pl.kernel,
        out_type=tuple(out_type),
        mesh=_sc_mesh(),
        compiler_params=pltpu.CompilerParams(use_tc_tiling_on_sc=False),
        scratch_types=[
            pltpu.VMEM_SHARED((ACC_N, HH), _f32),
            pltpu.VMEM_SHARED((ACC_N,), _f32),
            pltpu.VMEM((2, KS, SUB), jnp.int32),
            pltpu.VMEM((2, KS, SUB), jnp.int32),
        ] + [pltpu.VMEM((SUB, HH), _f32) for _ in range(NBUF)]
        + [pltpu.VMEM((SUB,), _f32)]
        + [pltpu.SemaphoreType.DMA] * (2 * NBUF + 3),
    )
    def sc_kernel(*refs):
        ins = refs[:3 * n_pass + 3]
        outs = refs[3 * n_pass + 3:3 * n_pass + 3 + n_pass + n_deg]
        scr = refs[3 * n_pass + 3 + n_pass + n_deg:]
        tab_refs = ins[0:n_pass]
        g_refs = ins[n_pass:2 * n_pass]
        s_refs = ins[2 * n_pass:3 * n_pass]
        z2_hbm, z1_hbm, one_hbm = ins[3 * n_pass:3 * n_pass + 3]
        sum_outs = outs[:n_pass]
        deg_outs = outs[n_pass:]
        acc, cnt, gidx, sidx = scr[0:4]
        rows = scr[4:4 + NBUF]
        onev = scr[4 + NBUF]
        sems = scr[5 + NBUF:]
        semG = sems[0:NBUF]
        semS = sems[NBUF:2 * NBUF]
        semI = sems[2 * NBUF:2 * NBUF + 2]
        semC = sems[2 * NBUF + 2]

        c = lax.axis_index("c")
        s = lax.axis_index("s")
        r0 = s * RPT
        e_base = s * RPT_E
        pltpu.sync_copy(one_hbm, onev)

        def drain_scatter(b):
            pltpu.make_async_copy(
                z2_hbm.at[pl.ds(0, SUB)], rows[b], semS[b]).wait()

        def drain_cnt():
            pltpu.make_async_copy(
                z1_hbm.at[pl.ds(0, SUB)], onev, semC).wait()

        def run_pass(tab_hbm, g_hbm, s_hbm, out_hbm, do_deg):
            pltpu.sync_copy(z2_hbm, acc.at[pl.ds(r0, RPT)])
            if do_deg:
                pltpu.sync_copy(z1_hbm, cnt.at[pl.ds(r0, RPT)])
            plsc.subcore_barrier()

            def idx_fire(j, sl):
                row0 = e_base + j * KS
                pltpu.async_copy(g_hbm.at[pl.ds(row0, KS)], gidx.at[sl], semI[sl])
                pltpu.async_copy(s_hbm.at[pl.ds(row0, KS)], sidx.at[sl], semI[sl])

            def idx_wait(sl):
                for _ in range(2):
                    pltpu.make_async_copy(
                        g_hbm.at[pl.ds(e_base, KS)], gidx.at[sl], semI[sl]).wait()

            pltpu.sync_copy(g_hbm.at[pl.ds(e_base, KS)], gidx.at[0])
            pltpu.sync_copy(s_hbm.at[pl.ds(e_base, KS)], sidx.at[0])

            def one_iter(j2, jj):
                j = j2 * 2 + jj
                sl = jj
                not_first = (j2 > 0) if jj == 0 else None

                def guarded(body):
                    if not_first is None:
                        body()
                    else:
                        pl.when(not_first)(body)

                guarded(lambda: [drain_scatter(b) for b in OUT_BUFS] and None)
                if do_deg:
                    guarded(lambda: [drain_cnt() for _ in range(KS)] and None)
                guarded(lambda: idx_wait(sl))
                if jj == 0:
                    idx_fire(j + 1, 1)
                else:
                    pl.when(j2 < NIT2 - 1)(lambda: idx_fire(j + 1, 0))
                for k in range(KS + LOOK):
                    if k < KS:
                        b = k % NBUF
                        if k >= NBUF:
                            drain_scatter(b)
                        pltpu.async_copy(
                            tab_hbm.at[c].at[gidx.at[sl, k]], rows[b], semG[b])
                    kr = k - LOOK
                    if kr >= 0:
                        br = kr % NBUF
                        pltpu.make_async_copy(
                            tab_hbm.at[c].at[gidx.at[sl, kr]], rows[br],
                            semG[br]).wait()
                        pltpu.async_copy(rows[br], acc.at[sidx.at[sl, kr]],
                                         semS[br], add=True)
                        if do_deg:
                            @pl.when(c == 0)
                            def _():
                                pltpu.async_copy(
                                    onev, cnt.at[sidx.at[sl, kr]], semC, add=True)
                            @pl.when(c == 1)
                            def _():
                                pltpu.async_copy(
                                    onev, cnt.at[gidx.at[sl, kr]], semC, add=True)
                return None

            def outer(j2, carry):
                one_iter(j2, 0)
                one_iter(j2, 1)
                return carry

            lax.fori_loop(0, NIT2, outer, 0)

            for b in OUT_BUFS:
                drain_scatter(b)
            if do_deg:
                for _ in range(KS):
                    drain_cnt()
            plsc.subcore_barrier()

            pltpu.sync_copy(acc.at[pl.ds(r0, RPT)],
                            out_hbm.at[c].at[pl.ds(r0, RPT)])
            if do_deg:
                @pl.when(c == 0)
                def _():
                    pltpu.sync_copy(cnt.at[pl.ds(r0, RPT)],
                                    deg_outs[0].at[pl.ds(r0, RPT)])
                @pl.when(c == 1)
                def _():
                    pltpu.sync_copy(cnt.at[pl.ds(r0, RPT)],
                                    deg_outs[1].at[pl.ds(r0, RPT)])
            plsc.subcore_barrier()

        for p in range(n_pass):
            run_pass(tab_refs[p], g_refs[p], s_refs[p], sum_outs[p],
                     deg_pass0 and p == 0)

    args = list(tables) + list(g_list) + list(s_list) + [z2d, z1d, ones1]
    return sc_kernel(*args)


_R = 1000
_G = NA // _R


def _tc_project(x_author, W_proj, b_proj, paper_emb):
    def body(x_ref, w_ref, b_ref, pe_ref, xa_ref, xp_ref):
        xa = jnp.dot(x_ref[...], w_ref[...],
                     preferred_element_type=_f32) + b_ref[...]
        xa_ref[0] = xa[:, :HH]
        xa_ref[1] = xa[:, HH:]
        pe = pe_ref[...]
        xp_ref[0] = pe[:, :HH]
        xp_ref[1] = pe[:, HH:]

    return pl.pallas_call(
        body,
        grid=(_G,),
        in_specs=[
            pl.BlockSpec((_R, DIN), lambda i: (i, 0)),
            pl.BlockSpec((DIN, H), lambda i: (0, 0)),
            pl.BlockSpec((1, H), lambda i: (0, 0)),
            pl.BlockSpec((_R, H), lambda i: (i, 0)),
        ],
        out_specs=[
            pl.BlockSpec((NC, _R, HH), lambda i: (0, i, 0)),
            pl.BlockSpec((NC, _R, HH), lambda i: (0, i, 0)),
        ],
        out_shape=[
            jax.ShapeDtypeStruct((NC, ACC_N, HH), _f32),
            jax.ShapeDtypeStruct((NC, ACC_N, HH), _f32),
        ],
    )(x_author, W_proj, b_proj.reshape(1, H), paper_emb)


def _tc_conv1(s1, s2, degp, dega, xa_st, xp_st,
              W1l_ap, b1l_ap, W1r_ap, W1l_pa, b1l_pa, W1r_pa):
    def body(s1_ref, s2_ref, dp_ref, da_ref, xa_ref, xp_ref,
             wlap_ref, blap_ref, wrap_ref, wlpa_ref, blpa_ref, wrpa_ref,
             p1_ref, a1_ref):
        s1b = jnp.concatenate([s1_ref[0], s1_ref[1]], axis=1)
        m1 = s1b / jnp.maximum(dp_ref[...], 1.0)
        xp = jnp.concatenate([xp_ref[0], xp_ref[1]], axis=1)
        p1 = jax.nn.relu(
            jnp.dot(m1, wlap_ref[...], preferred_element_type=_f32)
            + blap_ref[...]
            + jnp.dot(xp, wrap_ref[...], preferred_element_type=_f32))
        p1_ref[...] = p1
        s2b = jnp.concatenate([s2_ref[0], s2_ref[1]], axis=1)
        m2 = s2b / jnp.maximum(da_ref[...], 1.0)
        xa = jnp.concatenate([xa_ref[0], xa_ref[1]], axis=1)
        a1 = jax.nn.relu(
            jnp.dot(m2, wlpa_ref[...], preferred_element_type=_f32)
            + blpa_ref[...]
            + jnp.dot(xa, wrpa_ref[...], preferred_element_type=_f32))
        a1_ref[0] = a1[:, :HH]
        a1_ref[1] = a1[:, HH:]

    half = lambda: pl.BlockSpec((NC, _R, HH), lambda i: (0, i, 0))
    col = lambda: pl.BlockSpec((_R, 1), lambda i: (i, 0))
    wmat = lambda: pl.BlockSpec((H, H), lambda i: (0, 0))
    wvec = lambda: pl.BlockSpec((1, H), lambda i: (0, 0))
    return pl.pallas_call(
        body,
        grid=(_G,),
        in_specs=[half(), half(), col(), col(), half(), half(),
                  wmat(), wvec(), wmat(), wmat(), wvec(), wmat()],
        out_specs=[
            pl.BlockSpec((_R, H), lambda i: (i, 0)),
            pl.BlockSpec((NC, _R, HH), lambda i: (0, i, 0)),
        ],
        out_shape=[
            jax.ShapeDtypeStruct((NP, H), _f32),
            jax.ShapeDtypeStruct((NC, ACC_N, HH), _f32),
        ],
    )(s1, s2, degp, dega, xa_st, xp_st,
      W1l_ap, b1l_ap.reshape(1, H), W1r_ap,
      W1l_pa, b1l_pa.reshape(1, H), W1r_pa)


def _tc_conv2_head(s3, degp, p1, W2l_ap, b2l_ap, W2r_ap,
                   W_lin1, b_lin1, W_lin2, b_lin2):
    def body(s3_ref, dp_ref, p1_ref, wl_ref, bl_ref, wr_ref,
             w1_ref, b1_ref, w2_ref, b2_ref, o_ref):
        s3b = jnp.concatenate([s3_ref[0], s3_ref[1]], axis=1)
        m3 = s3b / jnp.maximum(dp_ref[...], 1.0)
        p2 = jax.nn.relu(
            jnp.dot(m3, wl_ref[...], preferred_element_type=_f32)
            + bl_ref[...]
            + jnp.dot(p1_ref[...], wr_ref[...], preferred_element_type=_f32))
        h = jax.nn.relu(
            jnp.dot(p2, w1_ref[...], preferred_element_type=_f32) + b1_ref[...])
        o_ref[...] = jnp.dot(h, w2_ref[...],
                             preferred_element_type=_f32) + b2_ref[...]

    return pl.pallas_call(
        body,
        grid=(_G,),
        in_specs=[
            pl.BlockSpec((NC, _R, HH), lambda i: (0, i, 0)),
            pl.BlockSpec((_R, 1), lambda i: (i, 0)),
            pl.BlockSpec((_R, H), lambda i: (i, 0)),
            pl.BlockSpec((H, H), lambda i: (0, 0)),
            pl.BlockSpec((1, H), lambda i: (0, 0)),
            pl.BlockSpec((H, H), lambda i: (0, 0)),
            pl.BlockSpec((H, H), lambda i: (0, 0)),
            pl.BlockSpec((1, H), lambda i: (0, 0)),
            pl.BlockSpec((H, 1), lambda i: (0, 0)),
            pl.BlockSpec((1, 1), lambda i: (0, 0)),
        ],
        out_specs=pl.BlockSpec((_R, 1), lambda i: (i, 0)),
        out_shape=jax.ShapeDtypeStruct((NP, 1), _f32),
    )(s3, degp, p1, W2l_ap, b2l_ap.reshape(1, H), W2r_ap,
      W_lin1, b_lin1.reshape(1, H), W_lin2, b_lin2.reshape(1, 1))


def kernel(x_author, edge_index, W_proj, b_proj, paper_emb,
           W1l_ap, b1l_ap, W1r_ap, W1l_pa, b1l_pa, W1r_pa,
           W2l_ap, b2l_ap, W2r_ap, W2l_pa, b2l_pa, W2r_pa,
           W_lin1, b_lin1, W_lin2, b_lin2):
    src = edge_index[0].astype(jnp.int32)
    dst = edge_index[1].astype(jnp.int32)
    padv = jnp.full((NEP - NE,), PAD_SEG, jnp.int32)
    src2d = jnp.concatenate([src, padv]).reshape(EROWS, SUB)
    dst2d = jnp.concatenate([dst, padv]).reshape(EROWS, SUB)
    z2d = jnp.zeros((RPT, HH), _f32)
    z1d = jnp.zeros((RPT,), _f32)
    ones1 = jnp.ones((SUB,), _f32)

    xa_st, xp_st = _tc_project(x_author, W_proj, b_proj, paper_emb)

    s1, s2, degp, dega = _seg_passes(
        [xa_st, xp_st], [src2d, dst2d], [dst2d, src2d], True,
        z2d, z1d, ones1)

    degp = degp.reshape(ACC_N, 1)
    dega = dega.reshape(ACC_N, 1)
    p1, a1_st = _tc_conv1(s1, s2, degp, dega, xa_st, xp_st,
                          W1l_ap, b1l_ap, W1r_ap, W1l_pa, b1l_pa, W1r_pa)

    (s3,) = _seg_passes([a1_st], [src2d], [dst2d], False, z2d, z1d, ones1)

    return _tc_conv2_head(s3, degp, p1, W2l_ap, b2l_ap, W2r_ap,
                          W_lin1, b_lin1, W_lin2, b_lin2)

# --- scband reference (transcript-rebuilt; emitter-appended) ---
"""Pipeline reference for scband-bipartite-citation-gnn-37967510896698 (READ-ONLY COPY).

The authoritative reference and input builder live on the scoring server;
editing this copy changes nothing except your own understanding.
"""

import jax, jax.numpy as jnp
import numpy as np

NUM_AUTHORS = 50000
NUM_PAPERS = 50000
N_EDGES = 800000
D_IN = 128
H = 64


def _lin_init(key, fan_in, fan_out):
    return jax.random.normal(key, (fan_in, fan_out), dtype=jnp.float32) / np.sqrt(fan_in)


def setup_inputs(seed: int = 0):
    key = jax.random.key(seed)
    k = lambda i: jax.random.fold_in(key, i)
    inp = {}
    inp['x_author'] = jax.random.normal(k(0), (NUM_AUTHORS, D_IN), dtype=jnp.float32)
    src = jax.random.randint(k(1), (N_EDGES,), 0, NUM_AUTHORS)
    dst = jax.random.randint(k(2), (N_EDGES,), 0, NUM_PAPERS)
    inp['edge_index'] = jnp.stack([src, dst])
    # author_proj: Linear(D_IN, H)
    inp['W_proj'] = _lin_init(k(3), D_IN, H)
    inp['b_proj'] = jnp.zeros((H,), dtype=jnp.float32)
    # paper embedding table
    inp['paper_emb'] = jax.random.normal(k(4), (NUM_PAPERS, H), dtype=jnp.float32)
    # conv1 SAGEConv author->paper ('writes'): lin_l (bias) on aggregated, lin_r (no bias) on root
    inp['W1l_ap'] = _lin_init(k(5), H, H)
    inp['b1l_ap'] = jnp.zeros((H,), dtype=jnp.float32)
    inp['W1r_ap'] = _lin_init(k(6), H, H)
    # conv1 SAGEConv paper->author ('written_by')
    inp['W1l_pa'] = _lin_init(k(7), H, H)
    inp['b1l_pa'] = jnp.zeros((H,), dtype=jnp.float32)
    inp['W1r_pa'] = _lin_init(k(8), H, H)
    # conv2 SAGEConv author->paper
    inp['W2l_ap'] = _lin_init(k(9), H, H)
    inp['b2l_ap'] = jnp.zeros((H,), dtype=jnp.float32)
    inp['W2r_ap'] = _lin_init(k(10), H, H)
    # conv2 SAGEConv paper->author
    inp['W2l_pa'] = _lin_init(k(11), H, H)
    inp['b2l_pa'] = jnp.zeros((H,), dtype=jnp.float32)
    inp['W2r_pa'] = _lin_init(k(12), H, H)
    # output MLP
    inp['W_lin1'] = _lin_init(k(13), H, H)
    inp['b_lin1'] = jnp.zeros((H,), dtype=jnp.float32)
    inp['W_lin2'] = _lin_init(k(14), H, 1)
    inp['b_lin2'] = jnp.zeros((1,), dtype=jnp.float32)
    return inp


def _mean_aggr(msg, idx, num_segments):
    s = jax.ops.segment_sum(msg, idx, num_segments=num_segments)
    c = jax.ops.segment_sum(jnp.ones((idx.shape[0],), jnp.float32), idx, num_segments=num_segments)
    return s / jnp.maximum(c, 1.0)[:, None]


def _sage(x_src, x_dst, src, dst, Wl, bl, Wr, num_dst):
    m = _mean_aggr(jnp.take(x_src, src, axis=0), dst, num_dst)
    return m @ Wl + bl + x_dst @ Wr


def reference(x_author, edge_index, W_proj, b_proj, paper_emb, W1l_ap, b1l_ap, W1r_ap, W1l_pa, b1l_pa, W1r_pa, W2l_ap, b2l_ap, W2r_ap, W2l_pa, b2l_pa, W2r_pa, W_lin1, b_lin1, W_lin2, b_lin2):
    src = edge_index[0]
    dst = edge_index[1]
    # input projections (dropout is identity in eval mode)
    x_a = x_author @ W_proj + b_proj
    x_p = paper_emb
    # conv1 (HeteroConv: each node type receives from exactly one relation)
    p1 = jax.nn.relu(_sage(x_a, x_p, src, dst, W1l_ap, b1l_ap, W1r_ap, NUM_PAPERS))
    a1 = jax.nn.relu(_sage(x_p, x_a, dst, src, W1l_pa, b1l_pa, W1r_pa, NUM_AUTHORS))
    # conv2
    p2 = jax.nn.relu(_sage(a1, p1, src, dst, W2l_ap, b2l_ap, W2r_ap, NUM_PAPERS))
    a2 = jax.nn.relu(_sage(p1, a1, dst, src, W2l_pa, b2l_pa, W2r_pa, NUM_AUTHORS))  # computed but unused, as in original
    # paper head MLP
    h = jax.nn.relu(p2 @ W_lin1 + b_lin1)
    out = h @ W_lin2 + b_lin2
    return out

if __name__ == "__main__":
    import jax
    _d = setup_inputs()
    print(jax.jit(kernel)(*tuple(_d.values())))

</pallas_src>

<mosaic_0001>
#map = affine_map<(d0, d1) -> (0, 0, 0)>
#map1 = affine_map<(d0, d1) -> (0, 0)>
#map2 = affine_map<(d0, d1) -> (0)>
module attributes {stable_mosaic.version = 14 : i64} {
  func.func @sc_kernel(%arg0: i32, %arg1: i32, %arg2: memref<2x50048x32xf32, #tpu.memory_space<hbm>>, %arg3: memref<2x50048x32xf32, #tpu.memory_space<hbm>>, %arg4: memref<3200x256xi32, #tpu.memory_space<hbm>>, %arg5: memref<3200x256xi32, #tpu.memory_space<hbm>>, %arg6: memref<3200x256xi32, #tpu.memory_space<hbm>>, %arg7: memref<3200x256xi32, #tpu.memory_space<hbm>>, %arg8: memref<3128x32xf32, #tpu.memory_space<hbm>>, %arg9: memref<3128xf32, #tpu.memory_space<hbm>>, %arg10: memref<256xf32, #tpu.memory_space<hbm>>, %arg11: memref<2x50048x32xf32, #tpu.memory_space<hbm>>, %arg12: memref<2x50048x32xf32, #tpu.memory_space<hbm>>, %arg13: memref<50048xf32, #tpu.memory_space<hbm>>, %arg14: memref<50048xf32, #tpu.memory_space<hbm>>, %arg15: memref<50048x32xf32, #tpu.memory_space<vmem_shared>>, %arg16: memref<50048xf32, #tpu.memory_space<vmem_shared>>, %arg17: memref<2x2x256xi32, #tpu.memory_space<vmem>>, %arg18: memref<2x2x256xi32, #tpu.memory_space<vmem>>, %arg19: memref<256x32xf32, #tpu.memory_space<vmem>>, %arg20: memref<256x32xf32, #tpu.memory_space<vmem>>, %arg21: memref<256x32xf32, #tpu.memory_space<vmem>>, %arg22: memref<256xf32, #tpu.memory_space<vmem>>, %arg23: memref<!tpu.dma_semaphore, #tpu.memory_space<semaphore_mem>>, %arg24: memref<!tpu.dma_semaphore, #tpu.memory_space<semaphore_mem>>, %arg25: memref<!tpu.dma_semaphore, #tpu.memory_space<semaphore_mem>>, %arg26: memref<!tpu.dma_semaphore, #tpu.memory_space<semaphore_mem>>, %arg27: memref<!tpu.dma_semaphore, #tpu.memory_space<semaphore_mem>>, %arg28: memref<!tpu.dma_semaphore, #tpu.memory_space<semaphore_mem>>, %arg29: memref<!tpu.dma_semaphore, #tpu.memory_space<semaphore_mem>>, %arg30: memref<!tpu.dma_semaphore, #tpu.memory_space<semaphore_mem>>, %arg31: memref<!tpu.dma_semaphore, #tpu.memory_space<semaphore_mem>>) attributes {dimension_semantics = [#tpu.dimension_semantics<core_parallel>, #tpu.dimension_semantics<subcore_parallel>], iteration_bounds = array<i64: 2, 16>, scalar_prefetch = 0 : i64, scratch_operands = 17 : i64, tpu.core_type = #tpu.core_type<sc_vector_subcore>, window_params = [{transform_indices = #map}, {transform_indices = #map}, {transform_indices = #map1}, {transform_indices = #map1}, {transform_indices = #map1}, {transform_indices = #map1}, {transform_indices = #map1}, {transform_indices = #map2}, {transform_indices = #map2}, {transform_indices = #map}, {transform_indices = #map}, {transform_indices = #map2}, {transform_indices = #map2}]} {
    %mul3A = arith.constant 3128 : i32
    %mul3A_0 = arith.muli %arg1, %mul3A : i32
    %mul3A_1 = arith.constant 200 : i32
    %mul3A_2 = arith.muli %arg1, %mul3A_1 : i32
    "tpu.region"() ({
      %run_scoped3A_60 = tpu.sem_alloc : memref<!tpu.dma_semaphore, #tpu.memory_space<semaphore_mem>>
      tpu.enqueue_dma source(%arg10 : memref<256xf32, #tpu.memory_space<hbm>>) target(%arg22 : memref<256xf32, #tpu.memory_space<vmem>>) target_semaphore(%run_scoped3A_60 : memref<!tpu.dma_semaphore, #tpu.memory_space<semaphore_mem>>)
      tpu.wait_dma2 semaphore(%run_scoped3A_60 : memref<!tpu.dma_semaphore, #tpu.memory_space<semaphore_mem>>) src(%arg10 : memref<256xf32, #tpu.memory_space<hbm>>) dst(%arg22 : memref<256xf32, #tpu.memory_space<vmem>>)
      tpu.yield
    }) : () -> ()
    "tpu.region"() ({
      %run_scoped3A_60 = tpu.sem_alloc : memref<!tpu.dma_semaphore, #tpu.memory_space<semaphore_mem>>
      %dma_start3A = arith.constant 0 : i32
      %dma_start3A_61 = tpu.memref_slice %arg15[%mul3A_0, %dma_start3A] : memref<50048x32xf32, #tpu.memory_space<vmem_shared>> -> memref<3128x32xf32, #tpu.memory_space<vmem_shared>>
      tpu.enqueue_dma source(%arg8 : memref<3128x32xf32, #tpu.memory_space<hbm>>) target(%dma_start3A_61 : memref<3128x32xf32, #tpu.memory_space<vmem_shared>>) target_semaphore(%run_scoped3A_60 : memref<!tpu.dma_semaphore, #tpu.memory_space<semaphore_mem>>)
      %dma_wait3A_62 = arith.constant 0 : i32
      %dma_wait3A_63 = tpu.memref_slice %arg15[%mul3A_0, %dma_wait3A_62] : memref<50048x32xf32, #tpu.memory_space<vmem_shared>> -> memref<3128x32xf32, #tpu.memory_space<vmem_shared>>
      tpu.wait_dma2 semaphore(%run_scoped3A_60 : memref<!tpu.dma_semaphore, #tpu.memory_space<semaphore_mem>>) src(%arg8 : memref<3128x32xf32, #tpu.memory_space<hbm>>) dst(%dma_wait3A_63 : memref<3128x32xf32, #tpu.memory_space<vmem_shared>>)
      tpu.yield
    }) : () -> ()
    "tpu.region"() ({
      %run_scoped3A_60 = tpu.sem_alloc : memref<!tpu.dma_semaphore, #tpu.memory_space<semaphore_mem>>
      %dma_start3A = tpu.memref_slice %arg16[%mul3A_0] : memref<50048xf32, #tpu.memory_space<vmem_shared>> -> memref<3128xf32, #tpu.memory_space<vmem_shared>>
      tpu.enqueue_dma source(%arg9 : memref<3128xf32, #tpu.memory_space<hbm>>) target(%dma_start3A : memref<3128xf32, #tpu.memory_space<vmem_shared>>) target_semaphore(%run_scoped3A_60 : memref<!tpu.dma_semaphore, #tpu.memory_space<semaphore_mem>>)
      %dma_wait3A_61 = tpu.memref_slice %arg16[%mul3A_0] : memref<50048xf32, #tpu.memory_space<vmem_shared>> -> memref<3128xf32, #tpu.memory_space<vmem_shared>>
      tpu.wait_dma2 semaphore(%run_scoped3A_60 : memref<!tpu.dma_semaphore, #tpu.memory_space<semaphore_mem>>) src(%arg9 : memref<3128xf32, #tpu.memory_space<hbm>>) dst(%dma_wait3A_61 : memref<3128xf32, #tpu.memory_space<vmem_shared>>)
      tpu.yield
    }) : () -> ()
    %barrier3A = arith.constant 0 : index
    tpu.barrier barrier_id(%barrier3A)
    %run_scoped3A = arith.constant 0 : i32
    "tpu.region"() ({
      %run_scoped3A_60 = tpu.sem_alloc : memref<!tpu.dma_semaphore, #tpu.memory_space<semaphore_mem>>
      %dma_start3A = arith.constant 0 : i32
      %dma_start3A_61 = arith.constant 0 : i32
      %dma_start3A_62 = tpu.memref_slice %arg17[%run_scoped3A, %dma_start3A, %dma_start3A_61] : memref<2x2x256xi32, #tpu.memory_space<vmem>> -> memref<1x2x256xi32, #tpu.memory_space<vmem>>
      %dma_start3A_63 = tpu.memref_squeeze %dma_start3A_62 : memref<1x2x256xi32, #tpu.memory_space<vmem>> -> memref<2x256xi32, #tpu.memory_space<vmem>>
      %dma_start3A_64 = arith.constant 0 : i32
      %dma_start3A_65 = tpu.memref_slice %arg4[%mul3A_2, %dma_start3A_64] : memref<3200x256xi32, #tpu.memory_space<hbm>> -> memref<2x256xi32, #tpu.memory_space<hbm>>
      %dma_start3A_66 = arith.constant 0 : i32
      %dma_start3A_67 = arith.constant 0 : i32
      %dma_start3A_68 = tpu.memref_slice %arg17[%run_scoped3A, %dma_start3A_66, %dma_start3A_67] : memref<2x2x256xi32, #tpu.memory_space<vmem>> -> memref<1x2x256xi32, #tpu.memory_space<vmem>>
      %dma_start3A_69 = tpu.memref_squeeze %dma_start3A_68 : memref<1x2x256xi32, #tpu.memory_space<vmem>> -> memref<2x256xi32, #tpu.memory_space<vmem>>
      %dma_start3A_70 = arith.constant 0 : i32
      %dma_start3A_71 = tpu.memref_slice %arg4[%mul3A_2, %dma_start3A_70] : memref<3200x256xi32, #tpu.memory_space<hbm>> -> memref<2x256xi32, #tpu.memory_space<hbm>>
      tpu.enqueue_dma source(%dma_start3A_71 : memref<2x256xi32, #tpu.memory_space<hbm>>) target(%dma_start3A_69 : memref<2x256xi32, #tpu.memory_space<vmem>>) target_semaphore(%run_scoped3A_60 : memref<!tpu.dma_semaphore, #tpu.memory_space<semaphore_mem>>)
      %dma_wait3A_72 = arith.constant 0 : i32
      %dma_wait3A_73 = arith.constant 0 : i32
      %dma_wait3A_74 = tpu.memref_slice %arg17[%run_scoped3A, %dma_wait3A_72, %dma_wait3A_73] : memref<2x2x256xi32, #tpu.memory_space<vmem>> -> memref<1x2x256xi32, #tpu.memory_space<vmem>>
      %dma_wait3A_75 = tpu.memref_squeeze %dma_wait3A_74 : memref<1x2x256xi32, #tpu.memory_space<vmem>> -> memref<2x256xi32, #tpu.memory_space<vmem>>
      %dma_wait3A_76 = arith.constant 0 : i32
      %dma_wait3A_77 = tpu.memref_slice %arg4[%mul3A_2, %dma_wait3A_76] : memref<3200x256xi32, #tpu.memory_space<hbm>> -> memref<2x256xi32, #tpu.memory_space<hbm>>
      %dma_wait3A_78 = arith.constant 0 : i32
      %dma_wait3A_79 = arith.constant 0 : i32
      %dma_wait3A_80 = tpu.memref_slice %arg17[%run_scoped3A, %dma_wait3A_78, %dma_wait3A_79] : memref<2x2x256xi32, #tpu.memory_space<vmem>> -> memref<1x2x256xi32, #tpu.memory_space<vmem>>
      %dma_wait3A_81 = tpu.memref_squeeze %dma_wait3A_80 : memref<1x2x256xi32, #tpu.memory_space<vmem>> -> memref<2x256xi32, #tpu.memory_space<vmem>>
      %dma_wait3A_82 = arith.constant 0 : i32
      %dma_wait3A_83 = tpu.memref_slice %arg4[%mul3A_2, %dma_wait3A_82] : memref<3200x256xi32, #tpu.memory_space<hbm>> -> memref<2x256xi32, #tpu.memory_space<hbm>>
      tpu.wait_dma2 semaphore(%run_scoped3A_60 : memref<!tpu.dma_semaphore, #tpu.memory_space<semaphore_mem>>) src(%dma_wait3A_83 : memref<2x256xi32, #tpu.memory_space<hbm>>) dst(%dma_wait3A_81 : memref<2x256xi32, #tpu.memory_space<vmem>>)
      tpu.yield
    }) : () -> ()
    %run_scoped3A_3 = arith.constant 0 : i32
    "tpu.region"() ({
      %run_scoped3A_60 = tpu.sem_alloc : memref<!tpu.dma_semaphore, #tpu.memory_space<semaphore_mem>>
      %dma_start3A = arith.constant 0 : i32
      %dma_start3A_61 = arith.constant 0 : i32
      %dma_start3A_62 = tpu.memref_slice %arg18[%run_scoped3A_3, %dma_start3A, %dma_start3A_61] : memref<2x2x256xi32, #tpu.memory_space<vmem>> -> memref<1x2x256xi32, #tpu.memory_space<vmem>>
      %dma_start3A_63 = tpu.memref_squeeze %dma_start3A_62 : memref<1x2x256xi32, #tpu.memory_space<vmem>> -> memref<2x256xi32, #tpu.memory_space<vmem>>
      %dma_start3A_64 = arith.constant 0 : i32
      %dma_start3A_65 = tpu.memref_slice %arg6[%mul3A_2, %dma_start3A_64] : memref<3200x256xi32, #tpu.memory_space<hbm>> -> memref<2x256xi32, #tpu.memory_space<hbm>>
      %dma_start3A_66 = arith.constant 0 : i32
      %dma_start3A_67 = arith.constant 0 : i32
      %dma_start3A_68 = tpu.memref_slice %arg18[%run_scoped3A_3, %dma_start3A_66, %dma_start3A_67] : memref<2x2x256xi32, #tpu.memory_space<vmem>> -> memref<1x2x256xi32, #tpu.memory_space<vmem>>
      %dma_start3A_69 = tpu.memref_squeeze %dma_start3A_68 : memref<1x2x256xi32, #tpu.memory_space<vmem>> -> memref<2x256xi32, #tpu.memory_space<vmem>>
      %dma_start3A_70 = arith.constant 0 : i32
      %dma_start3A_71 = tpu.memref_slice %arg6[%mul3A_2, %dma_start3A_70] : memref<3200x256xi32, #tpu.memory_space<hbm>> -> memref<2x256xi32, #tpu.memory_space<hbm>>
      tpu.enqueue_dma source(%dma_start3A_71 : memref<2x256xi32, #tpu.memory_space<hbm>>) target(%dma_start3A_69 : memref<2x256xi32, #tpu.memory_space<vmem>>) target_semaphore(%run_scoped3A_60 : memref<!tpu.dma_semaphore, #tpu.memory_space<semaphore_mem>>)
      %dma_wait3A_72 = arith.constant 0 : i32
      %dma_wait3A_73 = arith.constant 0 : i32
      %dma_wait3A_74 = tpu.memref_slice %arg18[%run_scoped3A_3, %dma_wait3A_72, %dma_wait3A_73] : memref<2x2x256xi32, #tpu.memory_space<vmem>> -> memref<1x2x256xi32, #tpu.memory_space<vmem>>
      %dma_wait3A_75 = tpu.memref_squeeze %dma_wait3A_74 : memref<1x2x256xi32, #tpu.memory_space<vmem>> -> memref<2x256xi32, #tpu.memory_space<vmem>>
      %dma_wait3A_76 = arith.constant 0 : i32
      %dma_wait3A_77 = tpu.memref_slice %arg6[%mul3A_2, %dma_wait3A_76] : memref<3200x256xi32, #tpu.memory_space<hbm>> -> memref<2x256xi32, #tpu.memory_space<hbm>>
      %dma_wait3A_78 = arith.constant 0 : i32
      %dma_wait3A_79 = arith.constant 0 : i32
      %dma_wait3A_80 = tpu.memref_slice %arg18[%run_scoped3A_3, %dma_wait3A_78, %dma_wait3A_79] : memref<2x2x256xi32, #tpu.memory_space<vmem>> -> memref<1x2x256xi32, #tpu.memory_space<vmem>>
      %dma_wait3A_81 = tpu.memref_squeeze %dma_wait3A_80 : memref<1x2x256xi32, #tpu.memory_space<vmem>> -> memref<2x256xi32, #tpu.memory_space<vmem>>
      %dma_wait3A_82 = arith.constant 0 : i32
      %dma_wait3A_83 = tpu.memref_slice %arg6[%mul3A_2, %dma_wait3A_82] : memref<3200x256xi32, #tpu.memory_space<hbm>> -> memref<2x256xi32, #tpu.memory_space<hbm>>
      tpu.wait_dma2 semaphore(%run_scoped3A_60 : memref<!tpu.dma_semaphore, #tpu.memory_space<semaphore_mem>>) src(%dma_wait3A_83 : memref<2x256xi32, #tpu.memory_space<hbm>>) dst(%dma_wait3A_81 : memref<2x256xi32, #tpu.memory_space<vmem>>)
      tpu.yield
    }) : () -> ()
    %scan3A = arith.constant 0 : i32
    %scan3A_4 = arith.constant 0 : i32
    %scan3A_5 = arith.constant 50 : i32
    %scan3A_6 = arith.addi %scan3A_4, %scan3A_5 : i32
    %scan3A_7 = arith.constant 1 : i32
    scf.for %scan3A_60 = %scan3A_4 to %scan3A_6 step %scan3A_7  : i32 {
      %mul3A_61 = arith.constant 2 : i32
      %mul3A_62 = arith.muli %scan3A_60, %mul3A_61 : i32
      %add3A = arith.constant 0 : i32
      %add3A_63 = arith.addi %mul3A_62, %add3A : i32
      %gt3A = arith.constant 0 : i32
      %gt3A_64 = arith.cmpi sgt, %scan3A_60, %gt3A : i32
      %convert_element_type3A_65 = arith.extui %gt3A_64 : i1 to i32
      %cond3A_66 = arith.constant 0 : i32
      %cond3A_67 = arith.cmpi ne, %convert_element_type3A_65, %cond3A_66 : i32
      scf.if %cond3A_67 {
        %dma_wait3A_326 = arith.constant 0 : i32
        %dma_wait3A_327 = arith.constant 0 : i32
        %dma_wait3A_328 = tpu.memref_slice %arg8[%dma_wait3A_326, %dma_wait3A_327] : memref<3128x32xf32, #tpu.memory_space<hbm>> -> memref<256x32xf32, #tpu.memory_space<hbm>>
        %dma_wait3A_329 = arith.constant 0 : i32
        %dma_wait3A_330 = arith.constant 0 : i32
        %dma_wait3A_331 = tpu.memref_slice %arg8[%dma_wait3A_329, %dma_wait3A_330] : memref<3128x32xf32, #tpu.memory_space<hbm>> -> memref<256x32xf32, #tpu.memory_space<hbm>>
        tpu.wait_dma2 semaphore(%arg26 : memref<!tpu.dma_semaphore, #tpu.memory_space<semaphore_mem>>) src(%dma_wait3A_331 : memref<256x32xf32, #tpu.memory_space<hbm>>) dst(%arg19 : memref<256x32xf32, #tpu.memory_space<vmem>>)
        %dma_wait3A_332 = arith.constant 0 : i32
        %dma_wait3A_333 = arith.constant 0 : i32
        %dma_wait3A_334 = tpu.memref_slice %arg8[%dma_wait3A_332, %dma_wait3A_333] : memref<3128x32xf32, #tpu.memory_space<hbm>> -> memref<256x32xf32, #tpu.memory_space<hbm>>
        %dma_wait3A_335 = arith.constant 0 : i32
        %dma_wait3A_336 = arith.constant 0 : i32
        %dma_wait3A_337 = tpu.memref_slice %arg8[%dma_wait3A_335, %dma_wait3A_336] : memref<3128x32xf32, #tpu.memory_space<hbm>> -> memref<256x32xf32, #tpu.memory_space<hbm>>
        tpu.wait_dma2 semaphore(%arg27 : memref<!tpu.dma_semaphore, #tpu.memory_space<semaphore_mem>>) src(%dma_wait3A_337 : memref<256x32xf32, #tpu.memory_space<hbm>>) dst(%arg20 : memref<256x32xf32, #tpu.memory_space<vmem>>)
      } else {
      }
      %convert_element_type3A_68 = arith.extui %gt3A_64 : i1 to i32
      %cond3A_69 = arith.constant 0 : i32
      %cond3A_70 = arith.cmpi ne, %convert_element_type3A_68, %cond3A_69 : i32
      scf.if %cond3A_70 {
        %dma_wait3A_326 = arith.constant 0 : i32
        %dma_wait3A_327 = tpu.memref_slice %arg9[%dma_wait3A_326] : memref<3128xf32, #tpu.memory_space<hbm>> -> memref<256xf32, #tpu.memory_space<hbm>>
        %dma_wait3A_328 = arith.constant 0 : i32
        %dma_wait3A_329 = tpu.memref_slice %arg9[%dma_wait3A_328] : memref<3128xf32, #tpu.memory_space<hbm>> -> memref<256xf32, #tpu.memory_space<hbm>>
        tpu.wait_dma2 semaphore(%arg31 : memref<!tpu.dma_semaphore, #tpu.memory_space<semaphore_mem>>) src(%dma_wait3A_329 : memref<256xf32, #tpu.memory_space<hbm>>) dst(%arg22 : memref<256xf32, #tpu.memory_space<vmem>>)
        %dma_wait3A_330 = arith.constant 0 : i32
        %dma_wait3A_331 = tpu.memref_slice %arg9[%dma_wait3A_330] : memref<3128xf32, #tpu.memory_space<hbm>> -> memref<256xf32, #tpu.memory_space<hbm>>
        %dma_wait3A_332 = arith.constant 0 : i32
        %dma_wait3A_333 = tpu.memref_slice %arg9[%dma_wait3A_332] : memref<3128xf32, #tpu.memory_space<hbm>> -> memref<256xf32, #tpu.memory_space<hbm>>
        tpu.wait_dma2 semaphore(%arg31 : memref<!tpu.dma_semaphore, #tpu.memory_space<semaphore_mem>>) src(%dma_wait3A_333 : memref<256xf32, #tpu.memory_space<hbm>>) dst(%arg22 : memref<256xf32, #tpu.memory_space<vmem>>)
      } else {
      }
      %convert_element_type3A_71 = arith.extui %gt3A_64 : i1 to i32
      %cond3A_72 = arith.constant 0 : i32
      %cond3A_73 = arith.cmpi ne, %convert_element_type3A_71, %cond3A_72 : i32
      scf.if %cond3A_73 {
        %dma_wait3A_326 = arith.constant 0 : i32
        %dma_wait3A_327 = arith.constant 0 : i32
        %dma_wait3A_328 = arith.constant 0 : i32
        %dma_wait3A_329 = tpu.memref_slice %arg17[%dma_wait3A_326, %dma_wait3A_327, %dma_wait3A_328] : memref<2x2x256xi32, #tpu.memory_space<vmem>> -> memref<1x2x256xi32, #tpu.memory_space<vmem>>
        %dma_wait3A_330 = tpu.memref_squeeze %dma_wait3A_329 : memref<1x2x256xi32, #tpu.memory_space<vmem>> -> memref<2x256xi32, #tpu.memory_space<vmem>>
        %dma_wait3A_331 = arith.constant 0 : i32
        %dma_wait3A_332 = tpu.memref_slice %arg4[%mul3A_2, %dma_wait3A_331] : memref<3200x256xi32, #tpu.memory_space<hbm>> -> memref<2x256xi32, #tpu.memory_space<hbm>>
        %dma_wait3A_333 = arith.constant 0 : i32
        %dma_wait3A_334 = arith.constant 0 : i32
        %dma_wait3A_335 = tpu.memref_slice %arg17[%dma_wait3A_326, %dma_wait3A_333, %dma_wait3A_334] : memref<2x2x256xi32, #tpu.memory_space<vmem>> -> memref<1x2x256xi32, #tpu.memory_space<vmem>>
        %dma_wait3A_336 = tpu.memref_squeeze %dma_wait3A_335 : memref<1x2x256xi32, #tpu.memory_space<vmem>> -> memref<2x256xi32, #tpu.memory_space<vmem>>
        %dma_wait3A_337 = arith.constant 0 : i32
        %dma_wait3A_338 = tpu.memref_slice %arg4[%mul3A_2, %dma_wait3A_337] : memref<3200x256xi32, #tpu.memory_space<hbm>> -> memref<2x256xi32, #tpu.memory_space<hbm>>
        tpu.wait_dma2 semaphore(%arg29 : memref<!tpu.dma_semaphore, #tpu.memory_space<semaphore_mem>>) src(%dma_wait3A_338 : memref<2x256xi32, #tpu.memory_space<hbm>>) dst(%dma_wait3A_336 : memref<2x256xi32, #tpu.memory_space<vmem>>)
        %dma_wait3A_339 = arith.constant 0 : i32
        %dma_wait3A_340 = arith.constant 0 : i32
        %dma_wait3A_341 = arith.constant 0 : i32
        %dma_wait3A_342 = tpu.memref_slice %arg17[%dma_wait3A_339, %dma_wait3A_340, %dma_wait3A_341] : memref<2x2x256xi32, #tpu.memory_space<vmem>> -> memref<1x2x256xi32, #tpu.memory_space<vmem>>
        %dma_wait3A_343 = tpu.memref_squeeze %dma_wait3A_342 : memref<1x2x256xi32, #tpu.memory_space<vmem>> -> memref<2x256xi32, #tpu.memory_space<vmem>>
        %dma_wait3A_344 = arith.constant 0 : i32
        %dma_wait3A_345 = tpu.memref_slice %arg4[%mul3A_2, %dma_wait3A_344] : memref<3200x256xi32, #tpu.memory_space<hbm>> -> memref<2x256xi32, #tpu.memory_space<hbm>>
        %dma_wait3A_346 = arith.constant 0 : i32
        %dma_wait3A_347 = arith.constant 0 : i32
        %dma_wait3A_348 = tpu.memref_slice %arg17[%dma_wait3A_339, %dma_wait3A_346, %dma_wait3A_347] : memref<2x2x256xi32, #tpu.memory_space<vmem>> -> memref<1x2x256xi32, #tpu.memory_space<vmem>>
        %dma_wait3A_349 = tpu.memref_squeeze %dma_wait3A_348 : memref<1x2x256xi32, #tpu.memory_space<vmem>> -> memref<2x256xi32, #tpu.memory_space<vmem>>
        %dma_wait3A_350 = arith.constant 0 : i32
        %dma_wait3A_351 = tpu.memref_slice %arg4[%mul3A_2, %dma_wait3A_350] : memref<3200x256xi32, #tpu.memory_space<hbm>> -> memref<2x256xi32, #tpu.memory_space<hbm>>
        tpu.wait_dma2 semaphore(%arg29 : memref<!tpu.dma_semaphore, #tpu.memory_space<semaphore_mem>>) src(%dma_wait3A_351 : memref<2x256xi32, #tpu.memory_space<hbm>>) dst(%dma_wait3A_349 : memref<2x256xi32, #tpu.memory_space<vmem>>)
      } else {
      }
      %add3A_74 = arith.constant 1 : i32
      %add3A_75 = arith.addi %add3A_63, %add3A_74 : i32
      %mul3A_76 = arith.constant 2 : i32
      %mul3A_77 = arith.muli %add3A_75, %mul3A_76 : i32
      %add3A_78 = arith.addi %mul3A_2, %mul3A_77 : i32
      %dma_start3A = arith.constant 1 : i32
      %dma_start3A_79 = arith.constant 0 : i32
      %dma_start3A_80 = arith.constant 0 : i32
      %dma_start3A_81 = tpu.memref_slice %arg17[%dma_start3A, %dma_start3A_79, %dma_start3A_80] : memref<2x2x256xi32, #tpu.memory_space<vmem>> -> memref<1x2x256xi32, #tpu.memory_space<vmem>>
      %dma_start3A_82 = tpu.memref_squeeze %dma_start3A_81 : memref<1x2x256xi32, #tpu.memory_space<vmem>> -> memref<2x256xi32, #tpu.memory_space<vmem>>
      %dma_start3A_83 = arith.constant 0 : i32
      %dma_start3A_84 = tpu.memref_slice %arg4[%add3A_78, %dma_start3A_83] : memref<3200x256xi32, #tpu.memory_space<hbm>> -> memref<2x256xi32, #tpu.memory_space<hbm>>
      %dma_start3A_85 = arith.constant 0 : i32
      %dma_start3A_86 = arith.constant 0 : i32
      %dma_start3A_87 = tpu.memref_slice %arg17[%dma_start3A, %dma_start3A_85, %dma_start3A_86] : memref<2x2x256xi32, #tpu.memory_space<vmem>> -> memref<1x2x256xi32, #tpu.memory_space<vmem>>
      %dma_start3A_88 = tpu.memref_squeeze %dma_start3A_87 : memref<1x2x256xi32, #tpu.memory_space<vmem>> -> memref<2x256xi32, #tpu.memory_space<vmem>>
      %dma_start3A_89 = arith.constant 0 : i32
      %dma_start3A_90 = tpu.memref_slice %arg4[%add3A_78, %dma_start3A_89] : memref<3200x256xi32, #tpu.memory_space<hbm>> -> memref<2x256xi32, #tpu.memory_space<hbm>>
      tpu.enqueue_dma source(%dma_start3A_90 : memref<2x256xi32, #tpu.memory_space<hbm>>) target(%dma_start3A_88 : memref<2x256xi32, #tpu.memory_space<vmem>>) target_semaphore(%arg30 : memref<!tpu.dma_semaphore, #tpu.memory_space<semaphore_mem>>)
      %dma_start3A_91 = arith.constant 1 : i32
      %dma_start3A_92 = arith.constant 0 : i32
      %dma_start3A_93 = arith.constant 0 : i32
      %dma_start3A_94 = tpu.memref_slice %arg18[%dma_start3A_91, %dma_start3A_92, %dma_start3A_93] : memref<2x2x256xi32, #tpu.memory_space<vmem>> -> memref<1x2x256xi32, #tpu.memory_space<vmem>>
      %dma_start3A_95 = tpu.memref_squeeze %dma_start3A_94 : memref<1x2x256xi32, #tpu.memory_space<vmem>> -> memref<2x256xi32, #tpu.memory_space<vmem>>
      %dma_start3A_96 = arith.constant 0 : i32
      %dma_start3A_97 = tpu.memref_slice %arg6[%add3A_78, %dma_start3A_96] : memref<3200x256xi32, #tpu.memory_space<hbm>> -> memref<2x256xi32, #tpu.memory_space<hbm>>
      %dma_start3A_98 = arith.constant 0 : i32
      %dma_start3A_99 = arith.constant 0 : i32
      %dma_start3A_100 = tpu.memref_slice %arg18[%dma_start3A_91, %dma_start3A_98, %dma_start3A_99] : memref<2x2x256xi32, #tpu.memory_space<vmem>> -> memref<1x2x256xi32, #tpu.memory_space<vmem>>
      %dma_start3A_101 = tpu.memref_squeeze %dma_start3A_100 : memref<1x2x256xi32, #tpu.memory_space<vmem>> -> memref<2x256xi32, #tpu.memory_space<vmem>>
      %dma_start3A_102 = arith.constant 0 : i32
      %dma_start3A_103 = tpu.memref_slice %arg6[%add3A_78, %dma_start3A_102] : memref<3200x256xi32, #tpu.memory_space<hbm>> -> memref<2x256xi32, #tpu.memory_space<hbm>>
      tpu.enqueue_dma source(%dma_start3A_103 : memref<2x256xi32, #tpu.memory_space<hbm>>) target(%dma_start3A_101 : memref<2x256xi32, #tpu.memory_space<vmem>>) target_semaphore(%arg30 : memref<!tpu.dma_semaphore, #tpu.memory_space<semaphore_mem>>)
      %dma_start3A_104 = arith.constant 0 : i32
      %dma_start3A_105 = arith.constant 0 : i32
      %dma_start3A_106 = arith.constant 0 : i32
      %dma_start3A_107 = tpu.memref_slice %arg17[%dma_start3A_104, %dma_start3A_105, %dma_start3A_106] : memref<2x2x256xi32, #tpu.memory_space<vmem>> -> memref<1x1x256xi32, #tpu.memory_space<vmem>>
      %dma_start3A_108 = tpu.memref_squeeze %dma_start3A_107 : memref<1x1x256xi32, #tpu.memory_space<vmem>> -> memref<256xi32, #tpu.memory_space<vmem>>
      %dma_start3A_109 = arith.constant 0 : i32
      %dma_start3A_110 = arith.constant 0 : i32
      %dma_start3A_111 = tpu.memref_slice %arg2[%arg0, %dma_start3A_109, %dma_start3A_110] : memref<2x50048x32xf32, #tpu.memory_space<hbm>> -> memref<1x50048x32xf32, #tpu.memory_space<hbm>>
      %dma_start3A_112 = tpu.memref_squeeze %dma_start3A_111 : memref<1x50048x32xf32, #tpu.memory_space<hbm>> -> memref<50048x32xf32, #tpu.memory_space<hbm>>
      %dma_start3A_113 = arith.constant 0 : i32
      %dma_start3A_114 = arith.constant 0 : i32
      %dma_start3A_115 = tpu.memref_slice %dma_start3A_112[%dma_start3A_113, %dma_start3A_114] : memref<50048x32xf32, #tpu.memory_space<hbm>> -> memref<50048x32xf32, #tpu.memory_space<hbm>>
      tpu.enqueue_indirect_dma source(%dma_start3A_115 : memref<50048x32xf32, #tpu.memory_space<hbm>>) target(%arg19 : memref<256x32xf32, #tpu.memory_space<vmem>>) offsets(%dma_start3A_108 : memref<256xi32, #tpu.memory_space<vmem>>) semaphore(%arg23 : memref<!tpu.dma_semaphore, #tpu.memory_space<semaphore_mem>>)
      %dma_start3A_116 = arith.constant 0 : i32
      %dma_start3A_117 = arith.constant 1 : i32
      %dma_start3A_118 = arith.constant 0 : i32
      %dma_start3A_119 = tpu.memref_slice %arg17[%dma_start3A_116, %dma_start3A_117, %dma_start3A_118] : memref<2x2x256xi32, #tpu.memory_space<vmem>> -> memref<1x1x256xi32, #tpu.memory_space<vmem>>
      %dma_start3A_120 = tpu.memref_squeeze %dma_start3A_119 : memref<1x1x256xi32, #tpu.memory_space<vmem>> -> memref<256xi32, #tpu.memory_space<vmem>>
      %dma_start3A_121 = arith.constant 0 : i32
      %dma_start3A_122 = arith.constant 0 : i32
      %dma_start3A_123 = tpu.memref_slice %arg2[%arg0, %dma_start3A_121, %dma_start3A_122] : memref<2x50048x32xf32, #tpu.memory_space<hbm>> -> memref<1x50048x32xf32, #tpu.memory_space<hbm>>
      %dma_start3A_124 = tpu.memref_squeeze %dma_start3A_123 : memref<1x50048x32xf32, #tpu.memory_space<hbm>> -> memref<50048x32xf32, #tpu.memory_space<hbm>>
      %dma_start3A_125 = arith.constant 0 : i32
      %dma_start3A_126 = arith.constant 0 : i32
      %dma_start3A_127 = tpu.memref_slice %dma_start3A_124[%dma_start3A_125, %dma_start3A_126] : memref<50048x32xf32, #tpu.memory_space<hbm>> -> memref<50048x32xf32, #tpu.memory_space<hbm>>
      tpu.enqueue_indirect_dma source(%dma_start3A_127 : memref<50048x32xf32, #tpu.memory_space<hbm>>) target(%arg20 : memref<256x32xf32, #tpu.memory_space<vmem>>) offsets(%dma_start3A_120 : memref<256xi32, #tpu.memory_space<vmem>>) semaphore(%arg24 : memref<!tpu.dma_semaphore, #tpu.memory_space<semaphore_mem>>)
      %dma_wait3A_128 = arith.constant 0 : i32
      %dma_wait3A_129 = arith.constant 0 : i32
      %dma_wait3A_130 = arith.constant 0 : i32
      %dma_wait3A_131 = tpu.memref_slice %arg17[%dma_wait3A_128, %dma_wait3A_129, %dma_wait3A_130] : memref<2x2x256xi32, #tpu.memory_space<vmem>> -> memref<1x1x256xi32, #tpu.memory_space<vmem>>
      %dma_wait3A_132 = tpu.memref_squeeze %dma_wait3A_131 : memref<1x1x256xi32, #tpu.memory_space<vmem>> -> memref<256xi32, #tpu.memory_space<vmem>>
      %dma_wait3A_133 = arith.constant 0 : i32
      %dma_wait3A_134 = arith.constant 0 : i32
      %dma_wait3A_135 = tpu.memref_slice %arg2[%arg0, %dma_wait3A_133, %dma_wait3A_134] : memref<2x50048x32xf32, #tpu.memory_space<hbm>> -> memref<1x50048x32xf32, #tpu.memory_space<hbm>>
      %dma_wait3A_136 = tpu.memref_squeeze %dma_wait3A_135 : memref<1x50048x32xf32, #tpu.memory_space<hbm>> -> memref<50048x32xf32, #tpu.memory_space<hbm>>
      %dma_wait3A_137 = arith.constant 0 : i32
      %dma_wait3A_138 = arith.constant 0 : i32
      %dma_wait3A_139 = tpu.memref_slice %dma_wait3A_136[%dma_wait3A_137, %dma_wait3A_138] : memref<50048x32xf32, #tpu.memory_space<hbm>> -> memref<50048x32xf32, #tpu.memory_space<hbm>>
      tpu.wait_indirect_dma semaphore(%arg23 : memref<!tpu.dma_semaphore, #tpu.memory_space<semaphore_mem>>) src(%dma_wait3A_139 : memref<50048x32xf32, #tpu.memory_space<hbm>>) dst(%arg19 : memref<256x32xf32, #tpu.memory_space<vmem>>)
      %dma_start3A_140 = arith.constant 0 : i32
      %dma_start3A_141 = arith.constant 0 : i32
      %dma_start3A_142 = arith.constant 0 : i32
      %dma_start3A_143 = tpu.memref_slice %arg18[%dma_start3A_140, %dma_start3A_141, %dma_start3A_142] : memref<2x2x256xi32, #tpu.memory_space<vmem>> -> memref<1x1x256xi32, #tpu.memory_space<vmem>>
      %dma_start3A_144 = tpu.memref_squeeze %dma_start3A_143 : memref<1x1x256xi32, #tpu.memory_space<vmem>> -> memref<256xi32, #tpu.memory_space<vmem>>
      %dma_start3A_145 = arith.constant 0 : i32
      %dma_start3A_146 = arith.constant 0 : i32
      %dma_start3A_147 = tpu.memref_slice %arg15[%dma_start3A_145, %dma_start3A_146] : memref<50048x32xf32, #tpu.memory_space<vmem_shared>> -> memref<50048x32xf32, #tpu.memory_space<vmem_shared>>
      tpu.enqueue_indirect_dma source(%arg19 : memref<256x32xf32, #tpu.memory_space<vmem>>) target(%dma_start3A_147 : memref<50048x32xf32, #tpu.memory_space<vmem_shared>>) offsets(%dma_start3A_144 : memref<256xi32, #tpu.memory_space<vmem>>) semaphore(%arg26 : memref<!tpu.dma_semaphore, #tpu.memory_space<semaphore_mem>>) {add = true}
      %eq3A_148 = arith.constant 0 : i32
      %eq3A_149 = arith.cmpi eq, %arg0, %eq3A_148 : i32
      %convert_element_type3A_150 = arith.extui %eq3A_149 : i1 to i32
      %cond3A_151 = arith.constant 0 : i32
      %cond3A_152 = arith.cmpi ne, %convert_element_type3A_150, %cond3A_151 : i32
      scf.if %cond3A_152 {
        %dma_start3A_326 = arith.constant 0 : i32
        %dma_start3A_327 = arith.constant 0 : i32
        %dma_start3A_328 = arith.constant 0 : i32
        %dma_start3A_329 = tpu.memref_slice %arg18[%dma_start3A_326, %dma_start3A_327, %dma_start3A_328] : memref<2x2x256xi32, #tpu.memory_space<vmem>> -> memref<1x1x256xi32, #tpu.memory_space<vmem>>
        %dma_start3A_330 = tpu.memref_squeeze %dma_start3A_329 : memref<1x1x256xi32, #tpu.memory_space<vmem>> -> memref<256xi32, #tpu.memory_space<vmem>>
        %dma_start3A_331 = arith.constant 0 : i32
        %dma_start3A_332 = tpu.memref_slice %arg16[%dma_start3A_331] : memref<50048xf32, #tpu.memory_space<vmem_shared>> -> memref<50048xf32, #tpu.memory_space<vmem_shared>>
        tpu.enqueue_indirect_dma source(%arg22 : memref<256xf32, #tpu.memory_space<vmem>>) target(%dma_start3A_332 : memref<50048xf32, #tpu.memory_space<vmem_shared>>) offsets(%dma_start3A_330 : memref<256xi32, #tpu.memory_space<vmem>>) semaphore(%arg31 : memref<!tpu.dma_semaphore, #tpu.memory_space<semaphore_mem>>) {add = true}
      } else {
      }
      %eq3A_153 = arith.constant 1 : i32
      %eq3A_154 = arith.cmpi eq, %arg0, %eq3A_153 : i32
      %convert_element_type3A_155 = arith.extui %eq3A_154 : i1 to i32
      %cond3A_156 = arith.constant 0 : i32
      %cond3A_157 = arith.cmpi ne, %convert_element_type3A_155, %cond3A_156 : i32
      scf.if %cond3A_157 {
        %dma_start3A_326 = arith.constant 0 : i32
        %dma_start3A_327 = arith.constant 0 : i32
        %dma_start3A_328 = arith.constant 0 : i32
        %dma_start3A_329 = tpu.memref_slice %arg17[%dma_start3A_326, %dma_start3A_327, %dma_start3A_328] : memref<2x2x256xi32, #tpu.memory_space<vmem>> -> memref<1x1x256xi32, #tpu.memory_space<vmem>>
        %dma_start3A_330 = tpu.memref_squeeze %dma_start3A_329 : memref<1x1x256xi32, #tpu.memory_space<vmem>> -> memref<256xi32, #tpu.memory_space<vmem>>
        %dma_start3A_331 = arith.constant 0 : i32
        %dma_start3A_332 = tpu.memref_slice %arg16[%dma_start3A_331] : memref<50048xf32, #tpu.memory_space<vmem_shared>> -> memref<50048xf32, #tpu.memory_space<vmem_shared>>
        tpu.enqueue_indirect_dma source(%arg22 : memref<256xf32, #tpu.memory_space<vmem>>) target(%dma_start3A_332 : memref<50048xf32, #tpu.memory_space<vmem_shared>>) offsets(%dma_start3A_330 : memref<256xi32, #tpu.memory_space<vmem>>) semaphore(%arg31 : memref<!tpu.dma_semaphore, #tpu.memory_space<semaphore_mem>>) {add = true}
      } else {
      }
      %dma_wait3A_158 = arith.constant 0 : i32
      %dma_wait3A_159 = arith.constant 1 : i32
      %dma_wait3A_160 = arith.constant 0 : i32
      %dma_wait3A_161 = tpu.memref_slice %arg17[%dma_wait3A_158, %dma_wait3A_159, %dma_wait3A_160] : memref<2x2x256xi32, #tpu.memory_space<vmem>> -> memref<1x1x256xi32, #tpu.memory_space<vmem>>
      %dma_wait3A_162 = tpu.memref_squeeze %dma_wait3A_161 : memref<1x1x256xi32, #tpu.memory_space<vmem>> -> memref<256xi32, #tpu.memory_space<vmem>>
      %dma_wait3A_163 = arith.constant 0 : i32
      %dma_wait3A_164 = arith.constant 0 : i32
      %dma_wait3A_165 = tpu.memref_slice %arg2[%arg0, %dma_wait3A_163, %dma_wait3A_164] : memref<2x50048x32xf32, #tpu.memory_space<hbm>> -> memref<1x50048x32xf32, #tpu.memory_space<hbm>>
      %dma_wait3A_166 = tpu.memref_squeeze %dma_wait3A_165 : memref<1x50048x32xf32, #tpu.memory_space<hbm>> -> memref<50048x32xf32, #tpu.memory_space<hbm>>
      %dma_wait3A_167 = arith.constant 0 : i32
      %dma_wait3A_168 = arith.constant 0 : i32
      %dma_wait3A_169 = tpu.memref_slice %dma_wait3A_166[%dma_wait3A_167, %dma_wait3A_168] : memref<50048x32xf32, #tpu.memory_space<hbm>> -> memref<50048x32xf32, #tpu.memory_space<hbm>>
      tpu.wait_indirect_dma semaphore(%arg24 : memref<!tpu.dma_semaphore, #tpu.memory_space<semaphore_mem>>) src(%dma_wait3A_169 : memref<50048x32xf32, #tpu.memory_space<hbm>>) dst(%arg20 : memref<256x32xf32, #tpu.memory_space<vmem>>)
      %dma_start3A_170 = arith.constant 0 : i32
      %dma_start3A_171 = arith.constant 1 : i32
      %dma_start3A_172 = arith.constant 0 : i32
      %dma_start3A_173 = tpu.memref_slice %arg18[%dma_start3A_170, %dma_start3A_171, %dma_start3A_172] : memref<2x2x256xi32, #tpu.memory_space<vmem>> -> memref<1x1x256xi32, #tpu.memory_space<vmem>>
      %dma_start3A_174 = tpu.memref_squeeze %dma_start3A_173 : memref<1x1x256xi32, #tpu.memory_space<vmem>> -> memref<256xi32, #tpu.memory_space<vmem>>
      %dma_start3A_175 = arith.constant 0 : i32
      %dma_start3A_176 = arith.constant 0 : i32
      %dma_start3A_177 = tpu.memref_slice %arg15[%dma_start3A_175, %dma_start3A_176] : memref<50048x32xf32, #tpu.memory_space<vmem_shared>> -> memref<50048x32xf32, #tpu.memory_space<vmem_shared>>
      tpu.enqueue_indirect_dma source(%arg20 : memref<256x32xf32, #tpu.memory_space<vmem>>) target(%dma_start3A_177 : memref<50048x32xf32, #tpu.memory_space<vmem_shared>>) offsets(%dma_start3A_174 : memref<256xi32, #tpu.memory_space<vmem>>) semaphore(%arg27 : memref<!tpu.dma_semaphore, #tpu.memory_space<semaphore_mem>>) {add = true}
      %eq3A_178 = arith.constant 0 : i32
      %eq3A_179 = arith.cmpi eq, %arg0, %eq3A_178 : i32
      %convert_element_type3A_180 = arith.extui %eq3A_179 : i1 to i32
      %cond3A_181 = arith.constant 0 : i32
      %cond3A_182 = arith.cmpi ne, %convert_element_type3A_180, %cond3A_181 : i32
      scf.if %cond3A_182 {
        %dma_start3A_326 = arith.constant 0 : i32
        %dma_start3A_327 = arith.constant 1 : i32
        %dma_start3A_328 = arith.constant 0 : i32
        %dma_start3A_329 = tpu.memref_slice %arg18[%dma_start3A_326, %dma_start3A_327, %dma_start3A_328] : memref<2x2x256xi32, #tpu.memory_space<vmem>> -> memref<1x1x256xi32, #tpu.memory_space<vmem>>
        %dma_start3A_330 = tpu.memref_squeeze %dma_start3A_329 : memref<1x1x256xi32, #tpu.memory_space<vmem>> -> memref<256xi32, #tpu.memory_space<vmem>>
        %dma_start3A_331 = arith.constant 0 : i32
        %dma_start3A_332 = tpu.memref_slice %arg16[%dma_start3A_331] : memref<50048xf32, #tpu.memory_space<vmem_shared>> -> memref<50048xf32, #tpu.memory_space<vmem_shared>>
        tpu.enqueue_indirect_dma source(%arg22 : memref<256xf32, #tpu.memory_space<vmem>>) target(%dma_start3A_332 : memref<50048xf32, #tpu.memory_space<vmem_shared>>) offsets(%dma_start3A_330 : memref<256xi32, #tpu.memory_space<vmem>>) semaphore(%arg31 : memref<!tpu.dma_semaphore, #tpu.memory_space<semaphore_mem>>) {add = true}
      } else {
      }
      %eq3A_183 = arith.constant 1 : i32
      %eq3A_184 = arith.cmpi eq, %arg0, %eq3A_183 : i32
      %convert_element_type3A_185 = arith.extui %eq3A_184 : i1 to i32
      %cond3A_186 = arith.constant 0 : i32
      %cond3A_187 = arith.cmpi ne, %convert_element_type3A_185, %cond3A_186 : i32
      scf.if %cond3A_187 {
        %dma_start3A_326 = arith.constant 0 : i32
        %dma_start3A_327 = arith.constant 1 : i32
        %dma_start3A_328 = arith.constant 0 : i32
        %dma_start3A_329 = tpu.memref_slice %arg17[%dma_start3A_326, %dma_start3A_327, %dma_start3A_328] : memref<2x2x256xi32, #tpu.memory_space<vmem>> -> memref<1x1x256xi32, #tpu.memory_space<vmem>>
        %dma_start3A_330 = tpu.memref_squeeze %dma_start3A_329 : memref<1x1x256xi32, #tpu.memory_space<vmem>> -> memref<256xi32, #tpu.memory_space<vmem>>
        %dma_start3A_331 = arith.constant 0 : i32
        %dma_start3A_332 = tpu.memref_slice %arg16[%dma_start3A_331] : memref<50048xf32, #tpu.memory_space<vmem_shared>> -> memref<50048xf32, #tpu.memory_space<vmem_shared>>
        tpu.enqueue_indirect_dma source(%arg22 : memref<256xf32, #tpu.memory_space<vmem>>) target(%dma_start3A_332 : memref<50048xf32, #tpu.memory_space<vmem_shared>>) offsets(%dma_start3A_330 : memref<256xi32, #tpu.memory_space<vmem>>) semaphore(%arg31 : memref<!tpu.dma_semaphore, #tpu.memory_space<semaphore_mem>>) {add = true}
      } else {
      }
      %mul3A_188 = arith.constant 2 : i32
      %mul3A_189 = arith.muli %scan3A_60, %mul3A_188 : i32
      %add3A_190 = arith.constant 1 : i32
      %add3A_191 = arith.addi %mul3A_189, %add3A_190 : i32
      %dma_wait3A_192 = arith.constant 0 : i32
      %dma_wait3A_193 = arith.constant 0 : i32
      %dma_wait3A_194 = tpu.memref_slice %arg8[%dma_wait3A_192, %dma_wait3A_193] : memref<3128x32xf32, #tpu.memory_space<hbm>> -> memref<256x32xf32, #tpu.memory_space<hbm>>
      %dma_wait3A_195 = arith.constant 0 : i32
      %dma_wait3A_196 = arith.constant 0 : i32
      %dma_wait3A_197 = tpu.memref_slice %arg8[%dma_wait3A_195, %dma_wait3A_196] : memref<3128x32xf32, #tpu.memory_space<hbm>> -> memref<256x32xf32, #tpu.memory_space<hbm>>
      tpu.wait_dma2 semaphore(%arg26 : memref<!tpu.dma_semaphore, #tpu.memory_space<semaphore_mem>>) src(%dma_wait3A_197 : memref<256x32xf32, #tpu.memory_space<hbm>>) dst(%arg19 : memref<256x32xf32, #tpu.memory_space<vmem>>)
      %dma_wait3A_198 = arith.constant 0 : i32
      %dma_wait3A_199 = arith.constant 0 : i32
      %dma_wait3A_200 = tpu.memref_slice %arg8[%dma_wait3A_198, %dma_wait3A_199] : memref<3128x32xf32, #tpu.memory_space<hbm>> -> memref<256x32xf32, #tpu.memory_space<hbm>>
      %dma_wait3A_201 = arith.constant 0 : i32
      %dma_wait3A_202 = arith.constant 0 : i32
      %dma_wait3A_203 = tpu.memref_slice %arg8[%dma_wait3A_201, %dma_wait3A_202] : memref<3128x32xf32, #tpu.memory_space<hbm>> -> memref<256x32xf32, #tpu.memory_space<hbm>>
      tpu.wait_dma2 semaphore(%arg27 : memref<!tpu.dma_semaphore, #tpu.memory_space<semaphore_mem>>) src(%dma_wait3A_203 : memref<256x32xf32, #tpu.memory_space<hbm>>) dst(%arg20 : memref<256x32xf32, #tpu.memory_space<vmem>>)
      %dma_wait3A_204 = arith.constant 0 : i32
      %dma_wait3A_205 = tpu.memref_slice %arg9[%dma_wait3A_204] : memref<3128xf32, #tpu.memory_space<hbm>> -> memref<256xf32, #tpu.memory_space<hbm>>
      %dma_wait3A_206 = arith.constant 0 : i32
      %dma_wait3A_207 = tpu.memref_slice %arg9[%dma_wait3A_206] : memref<3128xf32, #tpu.memory_space<hbm>> -> memref<256xf32, #tpu.memory_space<hbm>>
      tpu.wait_dma2 semaphore(%arg31 : memref<!tpu.dma_semaphore, #tpu.memory_space<semaphore_mem>>) src(%dma_wait3A_207 : memref<256xf32, #tpu.memory_space<hbm>>) dst(%arg22 : memref<256xf32, #tpu.memory_space<vmem>>)
      %dma_wait3A_208 = arith.constant 0 : i32
      %dma_wait3A_209 = tpu.memref_slice %arg9[%dma_wait3A_208] : memref<3128xf32, #tpu.memory_space<hbm>> -> memref<256xf32, #tpu.memory_space<hbm>>
      %dma_wait3A_210 = arith.constant 0 : i32
      %dma_wait3A_211 = tpu.memref_slice %arg9[%dma_wait3A_210] : memref<3128xf32, #tpu.memory_space<hbm>> -> memref<256xf32, #tpu.memory_space<hbm>>
      tpu.wait_dma2 semaphore(%arg31 : memref<!tpu.dma_semaphore, #tpu.memory_space<semaphore_mem>>) src(%dma_wait3A_211 : memref<256xf32, #tpu.memory_space<hbm>>) dst(%arg22 : memref<256xf32, #tpu.memory_space<vmem>>)
      %dma_wait3A_212 = arith.constant 1 : i32
      %dma_wait3A_213 = arith.constant 0 : i32
      %dma_wait3A_214 = arith.constant 0 : i32
      %dma_wait3A_215 = tpu.memref_slice %arg17[%dma_wait3A_212, %dma_wait3A_213, %dma_wait3A_214] : memref<2x2x256xi32, #tpu.memory_space<vmem>> -> memref<1x2x256xi32, #tpu.memory_space<vmem>>
      %dma_wait3A_216 = tpu.memref_squeeze %dma_wait3A_215 : memref<1x2x256xi32, #tpu.memory_space<vmem>> -> memref<2x256xi32, #tpu.memory_space<vmem>>
      %dma_wait3A_217 = arith.constant 0 : i32
      %dma_wait3A_218 = tpu.memref_slice %arg4[%mul3A_2, %dma_wait3A_217] : memref<3200x256xi32, #tpu.memory_space<hbm>> -> memref<2x256xi32, #tpu.memory_space<hbm>>
      %dma_wait3A_219 = arith.constant 0 : i32
      %dma_wait3A_220 = arith.constant 0 : i32
      %dma_wait3A_221 = tpu.memref_slice %arg17[%dma_wait3A_212, %dma_wait3A_219, %dma_wait3A_220] : memref<2x2x256xi32, #tpu.memory_space<vmem>> -> memref<1x2x256xi32, #tpu.memory_space<vmem>>
      %dma_wait3A_222 = tpu.memref_squeeze %dma_wait3A_221 : memref<1x2x256xi32, #tpu.memory_space<vmem>> -> memref<2x256xi32, #tpu.memory_space<vmem>>
      %dma_wait3A_223 = arith.constant 0 : i32
      %dma_wait3A_224 = tpu.memref_slice %arg4[%mul3A_2, %dma_wait3A_223] : memref<3200x256xi32, #tpu.memory_space<hbm>> -> memref<2x256xi32, #tpu.memory_space<hbm>>
      tpu.wait_dma2 semaphore(%arg30 : memref<!tpu.dma_semaphore, #tpu.memory_space<semaphore_mem>>) src(%dma_wait3A_224 : memref<2x256xi32, #tpu.memory_space<hbm>>) dst(%dma_wait3A_222 : memref<2x256xi32, #tpu.memory_space<vmem>>)
      %dma_wait3A_225 = arith.constant 1 : i32
      %dma_wait3A_226 = arith.constant 0 : i32
      %dma_wait3A_227 = arith.constant 0 : i32
      %dma_wait3A_228 = tpu.memref_slice %arg17[%dma_wait3A_225, %dma_wait3A_226, %dma_wait3A_227] : memref<2x2x256xi32, #tpu.memory_space<vmem>> -> memref<1x2x256xi32, #tpu.memory_space<vmem>>
      %dma_wait3A_229 = tpu.memref_squeeze %dma_wait3A_228 : memref<1x2x256xi32, #tpu.memory_space<vmem>> -> memref<2x256xi32, #tpu.memory_space<vmem>>
      %dma_wait3A_230 = arith.constant 0 : i32
      %dma_wait3A_231 = tpu.memref_slice %arg4[%mul3A_2, %dma_wait3A_230] : memref<3200x256xi32, #tpu.memory_space<hbm>> -> memref<2x256xi32, #tpu.memory_space<hbm>>
      %dma_wait3A_232 = arith.constant 0 : i32
      %dma_wait3A_233 = arith.constant 0 : i32
      %dma_wait3A_234 = tpu.memref_slice %arg17[%dma_wait3A_225, %dma_wait3A_232, %dma_wait3A_233] : memref<2x2x256xi32, #tpu.memory_space<vmem>> -> memref<1x2x256xi32, #tpu.memory_space<vmem>>
      %dma_wait3A_235 = tpu.memref_squeeze %dma_wait3A_234 : memref<1x2x256xi32, #tpu.memory_space<vmem>> -> memref<2x256xi32, #tpu.memory_space<vmem>>
      %dma_wait3A_236 = arith.constant 0 : i32
      %dma_wait3A_237 = tpu.memref_slice %arg4[%mul3A_2, %dma_wait3A_236] : memref<3200x256xi32, #tpu.memory_space<hbm>> -> memref<2x256xi32, #tpu.memory_space<hbm>>
      tpu.wait_dma2 semaphore(%arg30 : memref<!tpu.dma_semaphore, #tpu.memory_space<semaphore_mem>>) src(%dma_wait3A_237 : memref<2x256xi32, #tpu.memory_space<hbm>>) dst(%dma_wait3A_235 : memref<2x256xi32, #tpu.memory_space<vmem>>)
      %lt3A = arith.constant 49 : i32
      %lt3A_238 = arith.cmpi slt, %scan3A_60, %lt3A : i32
      %convert_element_type3A_239 = arith.extui %lt3A_238 : i1 to i32
      %cond3A_240 = arith.constant 0 : i32
      %cond3A_241 = arith.cmpi ne, %convert_element_type3A_239, %cond3A_240 : i32
      scf.if %cond3A_241 {
        %add3A_326 = arith.constant 1 : i32
        %add3A_327 = arith.addi %add3A_191, %add3A_326 : i32
        %mul3A_328 = arith.constant 2 : i32
        %mul3A_329 = arith.muli %add3A_327, %mul3A_328 : i32
        %add3A_330 = arith.addi %mul3A_2, %mul3A_329 : i32
        %dma_start3A_331 = arith.constant 0 : i32
        %dma_start3A_332 = arith.constant 0 : i32
        %dma_start3A_333 = arith.constant 0 : i32
        %dma_start3A_334 = tpu.memref_slice %arg17[%dma_start3A_331, %dma_start3A_332, %dma_start3A_333] : memref<2x2x256xi32, #tpu.memory_space<vmem>> -> memref<1x2x256xi32, #tpu.memory_space<vmem>>
        %dma_start3A_335 = tpu.memref_squeeze %dma_start3A_334 : memref<1x2x256xi32, #tpu.memory_space<vmem>> -> memref<2x256xi32, #tpu.memory_space<vmem>>
        %dma_start3A_336 = arith.constant 0 : i32
        %dma_start3A_337 = tpu.memref_slice %arg4[%add3A_330, %dma_start3A_336] : memref<3200x256xi32, #tpu.memory_space<hbm>> -> memref<2x256xi32, #tpu.memory_space<hbm>>
        %dma_start3A_338 = arith.constant 0 : i32
        %dma_start3A_339 = arith.constant 0 : i32
        %dma_start3A_340 = tpu.memref_slice %arg17[%dma_start3A_331, %dma_start3A_338, %dma_start3A_339] : memref<2x2x256xi32, #tpu.memory_space<vmem>> -> memref<1x2x256xi32, #tpu.memory_space<vmem>>
        %dma_start3A_341 = tpu.memref_squeeze %dma_start3A_340 : memref<1x2x256xi32, #tpu.memory_space<vmem>> -> memref<2x256xi32, #tpu.memory_space<vmem>>
        %dma_start3A_342 = arith.constant 0 : i32
        %dma_start3A_343 = tpu.memref_slice %arg4[%add3A_330, %dma_start3A_342] : memref<3200x256xi32, #tpu.memory_space<hbm>> -> memref<2x256xi32, #tpu.memory_space<hbm>>
        tpu.enqueue_dma source(%dma_start3A_343 : memref<2x256xi32, #tpu.memory_space<hbm>>) target(%dma_start3A_341 : memref<2x256xi32, #tpu.memory_space<vmem>>) target_semaphore(%arg29 : memref<!tpu.dma_semaphore, #tpu.memory_space<semaphore_mem>>)
        %dma_start3A_344 = arith.constant 0 : i32
        %dma_start3A_345 = arith.constant 0 : i32
        %dma_start3A_346 = arith.constant 0 : i32
        %dma_start3A_347 = tpu.memref_slice %arg18[%dma_start3A_344, %dma_start3A_345, %dma_start3A_346] : memref<2x2x256xi32, #tpu.memory_space<vmem>> -> memref<1x2x256xi32, #tpu.memory_space<vmem>>
        %dma_start3A_348 = tpu.memref_squeeze %dma_start3A_347 : memref<1x2x256xi32, #tpu.memory_space<vmem>> -> memref<2x256xi32, #tpu.memory_space<vmem>>
        %dma_start3A_349 = arith.constant 0 : i32
        %dma_start3A_350 = tpu.memref_slice %arg6[%add3A_330, %dma_start3A_349] : memref<3200x256xi32, #tpu.memory_space<hbm>> -> memref<2x256xi32, #tpu.memory_space<hbm>>
        %dma_start3A_351 = arith.constant 0 : i32
        %dma_start3A_352 = arith.constant 0 : i32
        %dma_start3A_353 = tpu.memref_slice %arg18[%dma_start3A_344, %dma_start3A_351, %dma_start3A_352] : memref<2x2x256xi32, #tpu.memory_space<vmem>> -> memref<1x2x256xi32, #tpu.memory_space<vmem>>
        %dma_start3A_354 = tpu.memref_squeeze %dma_start3A_353 : memref<1x2x256xi32, #tpu.memory_space<vmem>> -> memref<2x256xi32, #tpu.memory_space<vmem>>
        %dma_start3A_355 = arith.constant 0 : i32
        %dma_start3A_356 = tpu.memref_slice %arg6[%add3A_330, %dma_start3A_355] : memref<3200x256xi32, #tpu.memory_space<hbm>> -> memref<2x256xi32, #tpu.memory_space<hbm>>
        tpu.enqueue_dma source(%dma_start3A_356 : memref<2x256xi32, #tpu.memory_space<hbm>>) target(%dma_start3A_354 : memref<2x256xi32, #tpu.memory_space<vmem>>) target_semaphore(%arg29 : memref<!tpu.dma_semaphore, #tpu.memory_space<semaphore_mem>>)
      } else {
      }
      %dma_start3A_242 = arith.constant 1 : i32
      %dma_start3A_243 = arith.constant 0 : i32
      %dma_start3A_244 = arith.constant 0 : i32
      %dma_start3A_245 = tpu.memref_slice %arg17[%dma_start3A_242, %dma_start3A_243, %dma_start3A_244] : memref<2x2x256xi32, #tpu.memory_space<vmem>> -> memref<1x1x256xi32, #tpu.memory_space<vmem>>
      %dma_start3A_246 = tpu.memref_squeeze %dma_start3A_245 : memref<1x1x256xi32, #tpu.memory_space<vmem>> -> memref<256xi32, #tpu.memory_space<vmem>>
      %dma_start3A_247 = arith.constant 0 : i32
      %dma_start3A_248 = arith.constant 0 : i32
      %dma_start3A_249 = tpu.memref_slice %arg2[%arg0, %dma_start3A_247, %dma_start3A_248] : memref<2x50048x32xf32, #tpu.memory_space<hbm>> -> memref<1x50048x32xf32, #tpu.memory_space<hbm>>
      %dma_start3A_250 = tpu.memref_squeeze %dma_start3A_249 : memref<1x50048x32xf32, #tpu.memory_space<hbm>> -> memref<50048x32xf32, #tpu.memory_space<hbm>>
      %dma_start3A_251 = arith.constant 0 : i32
      %dma_start3A_252 = arith.constant 0 : i32
      %dma_start3A_253 = tpu.memref_slice %dma_start3A_250[%dma_start3A_251, %dma_start3A_252] : memref<50048x32xf32, #tpu.memory_space<hbm>> -> memref<50048x32xf32, #tpu.memory_space<hbm>>
      tpu.enqueue_indirect_dma source(%dma_start3A_253 : memref<50048x32xf32, #tpu.memory_space<hbm>>) target(%arg19 : memref<256x32xf32, #tpu.memory_space<vmem>>) offsets(%dma_start3A_246 : memref<256xi32, #tpu.memory_space<vmem>>) semaphore(%arg23 : memref<!tpu.dma_semaphore, #tpu.memory_space<semaphore_mem>>)
      %dma_start3A_254 = arith.constant 1 : i32
      %dma_start3A_255 = arith.constant 1 : i32
      %dma_start3A_256 = arith.constant 0 : i32
      %dma_start3A_257 = tpu.memref_slice %arg17[%dma_start3A_254, %dma_start3A_255, %dma_start3A_256] : memref<2x2x256xi32, #tpu.memory_space<vmem>> -> memref<1x1x256xi32, #tpu.memory_space<vmem>>
      %dma_start3A_258 = tpu.memref_squeeze %dma_start3A_257 : memref<1x1x256xi32, #tpu.memory_space<vmem>> -> memref<256xi32, #tpu.memory_space<vmem>>
      %dma_start3A_259 = arith.constant 0 : i32
      %dma_start3A_260 = arith.constant 0 : i32
      %dma_start3A_261 = tpu.memref_slice %arg2[%arg0, %dma_start3A_259, %dma_start3A_260] : memref<2x50048x32xf32, #tpu.memory_space<hbm>> -> memref<1x50048x32xf32, #tpu.memory_space<hbm>>
      %dma_start3A_262 = tpu.memref_squeeze %dma_start3A_261 : memref<1x50048x32xf32, #tpu.memory_space<hbm>> -> memref<50048x32xf32, #tpu.memory_space<hbm>>
      %dma_start3A_263 = arith.constant 0 : i32
      %dma_start3A_264 = arith.constant 0 : i32
      %dma_start3A_265 = tpu.memref_slice %dma_start3A_262[%dma_start3A_263, %dma_start3A_264] : memref<50048x32xf32, #tpu.memory_space<hbm>> -> memref<50048x32xf32, #tpu.memory_space<hbm>>
      tpu.enqueue_indirect_dma source(%dma_start3A_265 : memref<50048x32xf32, #tpu.memory_space<hbm>>) target(%arg20 : memref<256x32xf32, #tpu.memory_space<vmem>>) offsets(%dma_start3A_258 : memref<256xi32, #tpu.memory_space<vmem>>) semaphore(%arg24 : memref<!tpu.dma_semaphore, #tpu.memory_space<semaphore_mem>>)
      %dma_wait3A_266 = arith.constant 1 : i32
      %dma_wait3A_267 = arith.constant 0 : i32
      %dma_wait3A_268 = arith.constant 0 : i32
      %dma_wait3A_269 = tpu.memref_slice %arg17[%dma_wait3A_266, %dma_wait3A_267, %dma_wait3A_268] : memref<2x2x256xi32, #tpu.memory_space<vmem>> -> memref<1x1x256xi32, #tpu.memory_space<vmem>>
      %dma_wait3A_270 = tpu.memref_squeeze %dma_wait3A_269 : memref<1x1x256xi32, #tpu.memory_space<vmem>> -> memref<256xi32, #tpu.memory_space<vmem>>
      %dma_wait3A_271 = arith.constant 0 : i32
      %dma_wait3A_272 = arith.constant 0 : i32
      %dma_wait3A_273 = tpu.memref_slice %arg2[%arg0, %dma_wait3A_271, %dma_wait3A_272] : memref<2x50048x32xf32, #tpu.memory_space<hbm>> -> memref<1x50048x32xf32, #tpu.memory_space<hbm>>
      %dma_wait3A_274 = tpu.memref_squeeze %dma_wait3A_273 : memref<1x50048x32xf32, #tpu.memory_space<hbm>> -> memref<50048x32xf32, #tpu.memory_space<hbm>>
      %dma_wait3A_275 = arith.constant 0 : i32
      %dma_wait3A_276 = arith.constant 0 : i32
      %dma_wait3A_277 = tpu.memref_slice %dma_wait3A_274[%dma_wait3A_275, %dma_wait3A_276] : memref<50048x32xf32, #tpu.memory_space<hbm>> -> memref<50048x32xf32, #tpu.memory_space<hbm>>
      tpu.wait_indirect_dma semaphore(%arg23 : memref<!tpu.dma_semaphore, #tpu.memory_space<semaphore_mem>>) src(%dma_wait3A_277 : memref<50048x32xf32, #tpu.memory_space<hbm>>) dst(%arg19 : memref<256x32xf32, #tpu.memory_space<vmem>>)
      %dma_start3A_278 = arith.constant 1 : i32
      %dma_start3A_279 = arith.constant 0 : i32
      %dma_start3A_280 = arith.constant 0 : i32
      %dma_start3A_281 = tpu.memref_slice %arg18[%dma_start3A_278, %dma_start3A_279, %dma_start3A_280] : memref<2x2x256xi32, #tpu.memory_space<vmem>> -> memref<1x1x256xi32, #tpu.memory_space<vmem>>
      %dma_start3A_282 = tpu.memref_squeeze %dma_start3A_281 : memref<1x1x256xi32, #tpu.memory_space<vmem>> -> memref<256xi32, #tpu.memory_space<vmem>>
      %dma_start3A_283 = arith.constant 0 : i32
      %dma_start3A_284 = arith.constant 0 : i32
      %dma_start3A_285 = tpu.memref_slice %arg15[%dma_start3A_283, %dma_start3A_284] : memref<50048x32xf32, #tpu.memory_space<vmem_shared>> -> memref<50048x32xf32, #tpu.memory_space<vmem_shared>>
      tpu.enqueue_indirect_dma source(%arg19 : memref<256x32xf32, #tpu.memory_space<vmem>>) target(%dma_start3A_285 : memref<50048x32xf32, #tpu.memory_space<vmem_shared>>) offsets(%dma_start3A_282 : memref<256xi32, #tpu.memory_space<vmem>>) semaphore(%arg26 : memref<!tpu.dma_semaphore, #tpu.memory_space<semaphore_mem>>) {add = true}
      %eq3A_286 = arith.constant 0 : i32
      %eq3A_287 = arith.cmpi eq, %arg0, %eq3A_286 : i32
      %convert_element_type3A_288 = arith.extui %eq3A_287 : i1 to i32
      %cond3A_289 = arith.constant 0 : i32
      %cond3A_290 = arith.cmpi ne, %convert_element_type3A_288, %cond3A_289 : i32
      scf.if %cond3A_290 {
        %dma_start3A_326 = arith.constant 1 : i32
        %dma_start3A_327 = arith.constant 0 : i32
        %dma_start3A_328 = arith.constant 0 : i32
        %dma_start3A_329 = tpu.memref_slice %arg18[%dma_start3A_326, %dma_start3A_327, %dma_start3A_328] : memref<2x2x256xi32, #tpu.memory_space<vmem>> -> memref<1x1x256xi32, #tpu.memory_space<vmem>>
        %dma_start3A_330 = tpu.memref_squeeze %dma_start3A_329 : memref<1x1x256xi32, #tpu.memory_space<vmem>> -> memref<256xi32, #tpu.memory_space<vmem>>
        %dma_start3A_331 = arith.constant 0 : i32
        %dma_start3A_332 = tpu.memref_slice %arg16[%dma_start3A_331] : memref<50048xf32, #tpu.memory_space<vmem_shared>> -> memref<50048xf32, #tpu.memory_space<vmem_shared>>
        tpu.enqueue_indirect_dma source(%arg22 : memref<256xf32, #tpu.memory_space<vmem>>) target(%dma_start3A_332 : memref<50048xf32, #tpu.memory_space<vmem_shared>>) offsets(%dma_start3A_330 : memref<256xi32, #tpu.memory_space<vmem>>) semaphore(%arg31 : memref<!tpu.dma_semaphore, #tpu.memory_space<semaphore_mem>>) {add = true}
      } else {
      }
      %eq3A_291 = arith.constant 1 : i32
      %eq3A_292 = arith.cmpi eq, %arg0, %eq3A_291 : i32
      %convert_element_type3A_293 = arith.extui %eq3A_292 : i1 to i32
      %cond3A_294 = arith.constant 0 : i32
      %cond3A_295 = arith.cmpi ne, %convert_element_type3A_293, %cond3A_294 : i32
      scf.if %cond3A_295 {
        %dma_start3A_326 = arith.constant 1 : i32
        %dma_start3A_327 = arith.constant 0 : i32
        %dma_start3A_328 = arith.constant 0 : i32
        %dma_start3A_329 = tpu.memref_slice %arg17[%dma_start3A_326, %dma_start3A_327, %dma_start3A_328] : memref<2x2x256xi32, #tpu.memory_space<vmem>> -> memref<1x1x256xi32, #tpu.memory_space<vmem>>
        %dma_start3A_330 = tpu.memref_squeeze %dma_start3A_329 : memref<1x1x256xi32, #tpu.memory_space<vmem>> -> memref<256xi32, #tpu.memory_space<vmem>>
        %dma_start3A_331 = arith.constant 0 : i32
        %dma_start3A_332 = tpu.memref_slice %arg16[%dma_start3A_331] : memref<50048xf32, #tpu.memory_space<vmem_shared>> -> memref<50048xf32, #tpu.memory_space<vmem_shared>>
        tpu.enqueue_indirect_dma source(%arg22 : memref<256xf32, #tpu.memory_space<vmem>>) target(%dma_start3A_332 : memref<50048xf32, #tpu.memory_space<vmem_shared>>) offsets(%dma_start3A_330 : memref<256xi32, #tpu.memory_space<vmem>>) semaphore(%arg31 : memref<!tpu.dma_semaphore, #tpu.memory_space<semaphore_mem>>) {add = true}
      } else {
      }
      %dma_wait3A_296 = arith.constant 1 : i32
      %dma_wait3A_297 = arith.constant 1 : i32
      %dma_wait3A_298 = arith.constant 0 : i32
      %dma_wait3A_299 = tpu.memref_slice %arg17[%dma_wait3A_296, %dma_wait3A_297, %dma_wait3A_298] : memref<2x2x256xi32, #tpu.memory_space<vmem>> -> memref<1x1x256xi32, #tpu.memory_space<vmem>>
      %dma_wait3A_300 = tpu.memref_squeeze %dma_wait3A_299 : memref<1x1x256xi32, #tpu.memory_space<vmem>> -> memref<256xi32, #tpu.memory_space<vmem>>
      %dma_wait3A_301 = arith.constant 0 : i32
      %dma_wait3A_302 = arith.constant 0 : i32
      %dma_wait3A_303 = tpu.memref_slice %arg2[%arg0, %dma_wait3A_301, %dma_wait3A_302] : memref<2x50048x32xf32, #tpu.memory_space<hbm>> -> memref<1x50048x32xf32, #tpu.memory_space<hbm>>
      %dma_wait3A_304 = tpu.memref_squeeze %dma_wait3A_303 : memref<1x50048x32xf32, #tpu.memory_space<hbm>> -> memref<50048x32xf32, #tpu.memory_space<hbm>>
      %dma_wait3A_305 = arith.constant 0 : i32
      %dma_wait3A_306 = arith.constant 0 : i32
      %dma_wait3A_307 = tpu.memref_slice %dma_wait3A_304[%dma_wait3A_305, %dma_wait3A_306] : memref<50048x32xf32, #tpu.memory_space<hbm>> -> memref<50048x32xf32, #tpu.memory_space<hbm>>
      tpu.wait_indirect_dma semaphore(%arg24 : memref<!tpu.dma_semaphore, #tpu.memory_space<semaphore_mem>>) src(%dma_wait3A_307 : memref<50048x32xf32, #tpu.memory_space<hbm>>) dst(%arg20 : memref<256x32xf32, #tpu.memory_space<vmem>>)
      %dma_start3A_308 = arith.constant 1 : i32
      %dma_start3A_309 = arith.constant 1 : i32
      %dma_start3A_310 = arith.constant 0 : i32
      %dma_start3A_311 = tpu.memref_slice %arg18[%dma_start3A_308, %dma_start3A_309, %dma_start3A_310] : memref<2x2x256xi32, #tpu.memory_space<vmem>> -> memref<1x1x256xi32, #tpu.memory_space<vmem>>
      %dma_start3A_312 = tpu.memref_squeeze %dma_start3A_311 : memref<1x1x256xi32, #tpu.memory_space<vmem>> -> memref<256xi32, #tpu.memory_space<vmem>>
      %dma_start3A_313 = arith.constant 0 : i32
      %dma_start3A_314 = arith.constant 0 : i32
      %dma_start3A_315 = tpu.memref_slice %arg15[%dma_start3A_313, %dma_start3A_314] : memref<50048x32xf32, #tpu.memory_space<vmem_shared>> -> memref<50048x32xf32, #tpu.memory_space<vmem_shared>>
      tpu.enqueue_indirect_dma source(%arg20 : memref<256x32xf32, #tpu.memory_space<vmem>>) target(%dma_start3A_315 : memref<50048x32xf32, #tpu.memory_space<vmem_shared>>) offsets(%dma_start3A_312 : memref<256xi32, #tpu.memory_space<vmem>>) semaphore(%arg27 : memref<!tpu.dma_semaphore, #tpu.memory_space<semaphore_mem>>) {add = true}
      %eq3A_316 = arith.constant 0 : i32
      %eq3A_317 = arith.cmpi eq, %arg0, %eq3A_316 : i32
      %convert_element_type3A_318 = arith.extui %eq3A_317 : i1 to i32
      %cond3A_319 = arith.constant 0 : i32
      %cond3A_320 = arith.cmpi ne, %convert_element_type3A_318, %cond3A_319 : i32
      scf.if %cond3A_320 {
        %dma_start3A_326 = arith.constant 1 : i32
        %dma_start3A_327 = arith.constant 1 : i32
        %dma_start3A_328 = arith.constant 0 : i32
        %dma_start3A_329 = tpu.memref_slice %arg18[%dma_start3A_326, %dma_start3A_327, %dma_start3A_328] : memref<2x2x256xi32, #tpu.memory_space<vmem>> -> memref<1x1x256xi32, #tpu.memory_space<vmem>>
        %dma_start3A_330 = tpu.memref_squeeze %dma_start3A_329 : memref<1x1x256xi32, #tpu.memory_space<vmem>> -> memref<256xi32, #tpu.memory_space<vmem>>
        %dma_start3A_331 = arith.constant 0 : i32
        %dma_start3A_332 = tpu.memref_slice %arg16[%dma_start3A_331] : memref<50048xf32, #tpu.memory_space<vmem_shared>> -> memref<50048xf32, #tpu.memory_space<vmem_shared>>
        tpu.enqueue_indirect_dma source(%arg22 : memref<256xf32, #tpu.memory_space<vmem>>) target(%dma_start3A_332 : memref<50048xf32, #tpu.memory_space<vmem_shared>>) offsets(%dma_start3A_330 : memref<256xi32, #tpu.memory_space<vmem>>) semaphore(%arg31 : memref<!tpu.dma_semaphore, #tpu.memory_space<semaphore_mem>>) {add = true}
      } else {
      }
      %eq3A_321 = arith.constant 1 : i32
      %eq3A_322 = arith.cmpi eq, %arg0, %eq3A_321 : i32
      %convert_element_type3A_323 = arith.extui %eq3A_322 : i1 to i32
      %cond3A_324 = arith.constant 0 : i32
      %cond3A_325 = arith.cmpi ne, %convert_element_type3A_323, %cond3A_324 : i32
      scf.if %cond3A_325 {
        %dma_start3A_326 = arith.constant 1 : i32
        %dma_start3A_327 = arith.constant 1 : i32
        %dma_start3A_328 = arith.constant 0 : i32
        %dma_start3A_329 = tpu.memref_slice %arg17[%dma_start3A_326, %dma_start3A_327, %dma_start3A_328] : memref<2x2x256xi32, #tpu.memory_space<vmem>> -> memref<1x1x256xi32, #tpu.memory_space<vmem>>
        %dma_start3A_330 = tpu.memref_squeeze %dma_start3A_329 : memref<1x1x256xi32, #tpu.memory_space<vmem>> -> memref<256xi32, #tpu.memory_space<vmem>>
        %dma_start3A_331 = arith.constant 0 : i32
        %dma_start3A_332 = tpu.memref_slice %arg16[%dma_start3A_331] : memref<50048xf32, #tpu.memory_space<vmem_shared>> -> memref<50048xf32, #tpu.memory_space<vmem_shared>>
        tpu.enqueue_indirect_dma source(%arg22 : memref<256xf32, #tpu.memory_space<vmem>>) target(%dma_start3A_332 : memref<50048xf32, #tpu.memory_space<vmem_shared>>) offsets(%dma_start3A_330 : memref<256xi32, #tpu.memory_space<vmem>>) semaphore(%arg31 : memref<!tpu.dma_semaphore, #tpu.memory_space<semaphore_mem>>) {add = true}
      } else {
      }
    }
    %scan3A_8 = arith.constant 50 : i32
    %dma_wait3A = arith.constant 0 : i32
    %dma_wait3A_9 = arith.constant 0 : i32
    %dma_wait3A_10 = tpu.memref_slice %arg8[%dma_wait3A, %dma_wait3A_9] : memref<3128x32xf32, #tpu.memory_space<hbm>> -> memref<256x32xf32, #tpu.memory_space<hbm>>
    %dma_wait3A_11 = arith.constant 0 : i32
    %dma_wait3A_12 = arith.constant 0 : i32
    %dma_wait3A_13 = tpu.memref_slice %arg8[%dma_wait3A_11, %dma_wait3A_12] : memref<3128x32xf32, #tpu.memory_space<hbm>> -> memref<256x32xf32, #tpu.memory_space<hbm>>
    tpu.wait_dma2 semaphore(%arg26 : memref<!tpu.dma_semaphore, #tpu.memory_space<semaphore_mem>>) src(%dma_wait3A_13 : memref<256x32xf32, #tpu.memory_space<hbm>>) dst(%arg19 : memref<256x32xf32, #tpu.memory_space<vmem>>)
    %dma_wait3A_14 = arith.constant 0 : i32
    %dma_wait3A_15 = arith.constant 0 : i32
    %dma_wait3A_16 = tpu.memref_slice %arg8[%dma_wait3A_14, %dma_wait3A_15] : memref<3128x32xf32, #tpu.memory_space<hbm>> -> memref<256x32xf32, #tpu.memory_space<hbm>>
    %dma_wait3A_17 = arith.constant 0 : i32
    %dma_wait3A_18 = arith.constant 0 : i32
    %dma_wait3A_19 = tpu.memref_slice %arg8[%dma_wait3A_17, %dma_wait3A_18] : memref<3128x32xf32, #tpu.memory_space<hbm>> -> memref<256x32xf32, #tpu.memory_space<hbm>>
    tpu.wait_dma2 semaphore(%arg27 : memref<!tpu.dma_semaphore, #tpu.memory_space<semaphore_mem>>) src(%dma_wait3A_19 : memref<256x32xf32, #tpu.memory_space<hbm>>) dst(%arg20 : memref<256x32xf32, #tpu.memory_space<vmem>>)
    %dma_wait3A_20 = arith.constant 0 : i32
    %dma_wait3A_21 = tpu.memref_slice %arg9[%dma_wait3A_20] : memref<3128xf32, #tpu.memory_space<hbm>> -> memref<256xf32, #tpu.memory_space<hbm>>
    %dma_wait3A_22 = arith.constant 0 : i32
    %dma_wait3A_23 = tpu.memref_slice %arg9[%dma_wait3A_22] : memref<3128xf32, #tpu.memory_space<hbm>> -> memref<256xf32, #tpu.memory_space<hbm>>
    tpu.wait_dma2 semaphore(%arg31 : memref<!tpu.dma_semaphore, #tpu.memory_space<semaphore_mem>>) src(%dma_wait3A_23 : memref<256xf32, #tpu.memory_space<hbm>>) dst(%arg22 : memref<256xf32, #tpu.memory_space<vmem>>)
    %dma_wait3A_24 = arith.constant 0 : i32
    %dma_wait3A_25 = tpu.memref_slice %arg9[%dma_wait3A_24] : memref<3128xf32, #tpu.memory_space<hbm>> -> memref<256xf32, #tpu.memory_space<hbm>>
    %dma_wait3A_26 = arith.constant 0 : i32
    %dma_wait3A_27 = tpu.memref_slice %arg9[%dma_wait3A_26] : memref<3128xf32, #tpu.memory_space<hbm>> -> memref<256xf32, #tpu.memory_space<hbm>>
    tpu.wait_dma2 semaphore(%arg31 : memref<!tpu.dma_semaphore, #tpu.memory_space<semaphore_mem>>) src(%dma_wait3A_27 : memref<256xf32, #tpu.memory_space<hbm>>) dst(%arg22 : memref<256xf32, #tpu.memory_space<vmem>>)
    %barrier3A_28 = arith.constant 0 : index
    tpu.barrier barrier_id(%barrier3A_28)
    "tpu.region"() ({
      %run_scoped3A_60 = tpu.sem_alloc : memref<!tpu.dma_semaphore, #tpu.memory_space<semaphore_mem>>
      %dma_start3A = arith.constant 0 : i32
      %dma_start3A_61 = arith.constant 0 : i32
      %dma_start3A_62 = tpu.memref_slice %arg11[%arg0, %dma_start3A, %dma_start3A_61] : memref<2x50048x32xf32, #tpu.memory_space<hbm>> -> memref<1x50048x32xf32, #tpu.memory_space<hbm>>
      %dma_start3A_63 = tpu.memref_squeeze %dma_start3A_62 : memref<1x50048x32xf32, #tpu.memory_space<hbm>> -> memref<50048x32xf32, #tpu.memory_space<hbm>>
      %dma_start3A_64 = arith.constant 0 : i32
      %dma_start3A_65 = tpu.memref_slice %dma_start3A_63[%mul3A_0, %dma_start3A_64] : memref<50048x32xf32, #tpu.memory_space<hbm>> -> memref<3128x32xf32, #tpu.memory_space<hbm>>
      %dma_start3A_66 = arith.constant 0 : i32
      %dma_start3A_67 = tpu.memref_slice %arg15[%mul3A_0, %dma_start3A_66] : memref<50048x32xf32, #tpu.memory_space<vmem_shared>> -> memref<3128x32xf32, #tpu.memory_space<vmem_shared>>
      tpu.enqueue_dma source(%dma_start3A_67 : memref<3128x32xf32, #tpu.memory_space<vmem_shared>>) target(%dma_start3A_65 : memref<3128x32xf32, #tpu.memory_space<hbm>>) target_semaphore(%run_scoped3A_60 : memref<!tpu.dma_semaphore, #tpu.memory_space<semaphore_mem>>)
      %dma_wait3A_68 = arith.constant 0 : i32
      %dma_wait3A_69 = arith.constant 0 : i32
      %dma_wait3A_70 = tpu.memref_slice %arg11[%arg0, %dma_wait3A_68, %dma_wait3A_69] : memref<2x50048x32xf32, #tpu.memory_space<hbm>> -> memref<1x50048x32xf32, #tpu.memory_space<hbm>>
      %dma_wait3A_71 = tpu.memref_squeeze %dma_wait3A_70 : memref<1x50048x32xf32, #tpu.memory_space<hbm>> -> memref<50048x32xf32, #tpu.memory_space<hbm>>
      %dma_wait3A_72 = arith.constant 0 : i32
      %dma_wait3A_73 = tpu.memref_slice %dma_wait3A_71[%mul3A_0, %dma_wait3A_72] : memref<50048x32xf32, #tpu.memory_space<hbm>> -> memref<3128x32xf32, #tpu.memory_space<hbm>>
      %dma_wait3A_74 = arith.constant 0 : i32
      %dma_wait3A_75 = tpu.memref_slice %arg15[%mul3A_0, %dma_wait3A_74] : memref<50048x32xf32, #tpu.memory_space<vmem_shared>> -> memref<3128x32xf32, #tpu.memory_space<vmem_shared>>
      tpu.wait_dma2 semaphore(%run_scoped3A_60 : memref<!tpu.dma_semaphore, #tpu.memory_space<semaphore_mem>>) src(%dma_wait3A_75 : memref<3128x32xf32, #tpu.memory_space<vmem_shared>>) dst(%dma_wait3A_73 : memref<3128x32xf32, #tpu.memory_space<hbm>>)
      tpu.yield
    }) : () -> ()
    %eq3A = arith.constant 0 : i32
    %eq3A_29 = arith.cmpi eq, %arg0, %eq3A : i32
    %convert_element_type3A = arith.extui %eq3A_29 : i1 to i32
    %cond3A = arith.constant 0 : i32
    %cond3A_30 = arith.cmpi ne, %convert_element_type3A, %cond3A : i32
    scf.if %cond3A_30 {
      "tpu.region"() ({
        %run_scoped3A_60 = tpu.sem_alloc : memref<!tpu.dma_semaphore, #tpu.memory_space<semaphore_mem>>
        %dma_start3A = tpu.memref_slice %arg13[%mul3A_0] : memref<50048xf32, #tpu.memory_space<hbm>> -> memref<3128xf32, #tpu.memory_space<hbm>>
        %dma_start3A_61 = tpu.memref_slice %arg16[%mul3A_0] : memref<50048xf32, #tpu.memory_space<vmem_shared>> -> memref<3128xf32, #tpu.memory_space<vmem_shared>>
        tpu.enqueue_dma source(%dma_start3A_61 : memref<3128xf32, #tpu.memory_space<vmem_shared>>) target(%dma_start3A : memref<3128xf32, #tpu.memory_space<hbm>>) target_semaphore(%run_scoped3A_60 : memref<!tpu.dma_semaphore, #tpu.memory_space<semaphore_mem>>)
        %dma_wait3A_62 = tpu.memref_slice %arg13[%mul3A_0] : memref<50048xf32, #tpu.memory_space<hbm>> -> memref<3128xf32, #tpu.memory_space<hbm>>
        %dma_wait3A_63 = tpu.memref_slice %arg16[%mul3A_0] : memref<50048xf32, #tpu.memory_space<vmem_shared>> -> memref<3128xf32, #tpu.memory_space<vmem_shared>>
        tpu.wait_dma2 semaphore(%run_scoped3A_60 : memref<!tpu.dma_semaphore, #tpu.memory_space<semaphore_mem>>) src(%dma_wait3A_63 : memref<3128xf32, #tpu.memory_space<vmem_shared>>) dst(%dma_wait3A_62 : memref<3128xf32, #tpu.memory_space<hbm>>)
        tpu.yield
      }) : () -> ()
    } else {
    }
    %eq3A_31 = arith.constant 1 : i32
    %eq3A_32 = arith.cmpi eq, %arg0, %eq3A_31 : i32
    %convert_element_type3A_33 = arith.extui %eq3A_32 : i1 to i32
    %cond3A_34 = arith.constant 0 : i32
    %cond3A_35 = arith.cmpi ne, %convert_element_type3A_33, %cond3A_34 : i32
    scf.if %cond3A_35 {
      "tpu.region"() ({
        %run_scoped3A_60 = tpu.sem_alloc : memref<!tpu.dma_semaphore, #tpu.memory_space<semaphore_mem>>
        %dma_start3A = tpu.memref_slice %arg14[%mul3A_0] : memref<50048xf32, #tpu.memory_space<hbm>> -> memref<3128xf32, #tpu.memory_space<hbm>>
        %dma_start3A_61 = tpu.memref_slice %arg16[%mul3A_0] : memref<50048xf32, #tpu.memory_space<vmem_shared>> -> memref<3128xf32, #tpu.memory_space<vmem_shared>>
        tpu.enqueue_dma source(%dma_start3A_61 : memref<3128xf32, #tpu.memory_space<vmem_shared>>) target(%dma_start3A : memref<3128xf32, #tpu.memory_space<hbm>>) target_semaphore(%run_scoped3A_60 : memref<!tpu.dma_semaphore, #tpu.memory_space<semaphore_mem>>)
        %dma_wait3A_62 = tpu.memref_slice %arg14[%mul3A_0] : memref<50048xf32, #tpu.memory_space<hbm>> -> memref<3128xf32, #tpu.memory_space<hbm>>
        %dma_wait3A_63 = tpu.memref_slice %arg16[%mul3A_0] : memref<50048xf32, #tpu.memory_space<vmem_shared>> -> memref<3128xf32, #tpu.memory_space<vmem_shared>>
        tpu.wait_dma2 semaphore(%run_scoped3A_60 : memref<!tpu.dma_semaphore, #tpu.memory_space<semaphore_mem>>) src(%dma_wait3A_63 : memref<3128xf32, #tpu.memory_space<vmem_shared>>) dst(%dma_wait3A_62 : memref<3128xf32, #tpu.memory_space<hbm>>)
        tpu.yield
      }) : () -> ()
    } else {
    }
    %barrier3A_36 = arith.constant 0 : index
    tpu.barrier barrier_id(%barrier3A_36)
    "tpu.region"() ({
      %run_scoped3A_60 = tpu.sem_alloc : memref<!tpu.dma_semaphore, #tpu.memory_space<semaphore_mem>>
      %dma_start3A = arith.constant 0 : i32
      %dma_start3A_61 = tpu.memref_slice %arg15[%mul3A_0, %dma_start3A] : memref<50048x32xf32, #tpu.memory_space<vmem_shared>> -> memref<3128x32xf32, #tpu.memory_space<vmem_shared>>
      tpu.enqueue_dma source(%arg8 : memref<3128x32xf32, #tpu.memory_space<hbm>>) target(%dma_start3A_61 : memref<3128x32xf32, #tpu.memory_space<vmem_shared>>) target_semaphore(%run_scoped3A_60 : memref<!tpu.dma_semaphore, #tpu.memory_space<semaphore_mem>>)
      %dma_wait3A_62 = arith.constant 0 : i32
      %dma_wait3A_63 = tpu.memref_slice %arg15[%mul3A_0, %dma_wait3A_62] : memref<50048x32xf32, #tpu.memory_space<vmem_shared>> -> memref<3128x32xf32, #tpu.memory_space<vmem_shared>>
      tpu.wait_dma2 semaphore(%run_scoped3A_60 : memref<!tpu.dma_semaphore, #tpu.memory_space<semaphore_mem>>) src(%arg8 : memref<3128x32xf32, #tpu.memory_space<hbm>>) dst(%dma_wait3A_63 : memref<3128x32xf32, #tpu.memory_space<vmem_shared>>)
      tpu.yield
    }) : () -> ()
    %barrier3A_37 = arith.constant 0 : index
    tpu.barrier barrier_id(%barrier3A_37)
    %run_scoped3A_38 = arith.constant 0 : i32
    "tpu.region"() ({
      %run_scoped3A_60 = tpu.sem_alloc : memref<!tpu.dma_semaphore, #tpu.memory_space<semaphore_mem>>
      %dma_start3A = arith.constant 0 : i32
      %dma_start3A_61 = arith.constant 0 : i32
      %dma_start3A_62 = tpu.memref_slice %arg17[%run_scoped3A_38, %dma_start3A, %dma_start3A_61] : memref<2x2x256xi32, #tpu.memory_space<vmem>> -> memref<1x2x256xi32, #tpu.memory_space<vmem>>
      %dma_start3A_63 = tpu.memref_squeeze %dma_start3A_62 : memref<1x2x256xi32, #tpu.memory_space<vmem>> -> memref<2x256xi32, #tpu.memory_space<vmem>>
      %dma_start3A_64 = arith.constant 0 : i32
      %dma_start3A_65 = tpu.memref_slice %arg5[%mul3A_2, %dma_start3A_64] : memref<3200x256xi32, #tpu.memory_space<hbm>> -> memref<2x256xi32, #tpu.memory_space<hbm>>
      %dma_start3A_66 = arith.constant 0 : i32
      %dma_start3A_67 = arith.constant 0 : i32
      %dma_start3A_68 = tpu.memref_slice %arg17[%run_scoped3A_38, %dma_start3A_66, %dma_start3A_67] : memref<2x2x256xi32, #tpu.memory_space<vmem>> -> memref<1x2x256xi32, #tpu.memory_space<vmem>>
      %dma_start3A_69 = tpu.memref_squeeze %dma_start3A_68 : memref<1x2x256xi32, #tpu.memory_space<vmem>> -> memref<2x256xi32, #tpu.memory_space<vmem>>
      %dma_start3A_70 = arith.constant 0 : i32
      %dma_start3A_71 = tpu.memref_slice %arg5[%mul3A_2, %dma_start3A_70] : memref<3200x256xi32, #tpu.memory_space<hbm>> -> memref<2x256xi32, #tpu.memory_space<hbm>>
      tpu.enqueue_dma source(%dma_start3A_71 : memref<2x256xi32, #tpu.memory_space<hbm>>) target(%dma_start3A_69 : memref<2x256xi32, #tpu.memory_space<vmem>>) target_semaphore(%run_scoped3A_60 : memref<!tpu.dma_semaphore, #tpu.memory_space<semaphore_mem>>)
      %dma_wait3A_72 = arith.constant 0 : i32
      %dma_wait3A_73 = arith.constant 0 : i32
      %dma_wait3A_74 = tpu.memref_slice %arg17[%run_scoped3A_38, %dma_wait3A_72, %dma_wait3A_73] : memref<2x2x256xi32, #tpu.memory_space<vmem>> -> memref<1x2x256xi32, #tpu.memory_space<vmem>>
      %dma_wait3A_75 = tpu.memref_squeeze %dma_wait3A_74 : memref<1x2x256xi32, #tpu.memory_space<vmem>> -> memref<2x256xi32, #tpu.memory_space<vmem>>
      %dma_wait3A_76 = arith.constant 0 : i32
      %dma_wait3A_77 = tpu.memref_slice %arg5[%mul3A_2, %dma_wait3A_76] : memref<3200x256xi32, #tpu.memory_space<hbm>> -> memref<2x256xi32, #tpu.memory_space<hbm>>
      %dma_wait3A_78 = arith.constant 0 : i32
      %dma_wait3A_79 = arith.constant 0 : i32
      %dma_wait3A_80 = tpu.memref_slice %arg17[%run_scoped3A_38, %dma_wait3A_78, %dma_wait3A_79] : memref<2x2x256xi32, #tpu.memory_space<vmem>> -> memref<1x2x256xi32, #tpu.memory_space<vmem>>
      %dma_wait3A_81 = tpu.memref_squeeze %dma_wait3A_80 : memref<1x2x256xi32, #tpu.memory_space<vmem>> -> memref<2x256xi32, #tpu.memory_space<vmem>>
      %dma_wait3A_82 = arith.constant 0 : i32
      %dma_wait3A_83 = tpu.memref_slice %arg5[%mul3A_2, %dma_wait3A_82] : memref<3200x256xi32, #tpu.memory_space<hbm>> -> memref<2x256xi32, #tpu.memory_space<hbm>>
      tpu.wait_dma2 semaphore(%run_scoped3A_60 : memref<!tpu.dma_semaphore, #tpu.memory_space<semaphore_mem>>) src(%dma_wait3A_83 : memref<2x256xi32, #tpu.memory_space<hbm>>) dst(%dma_wait3A_81 : memref<2x256xi32, #tpu.memory_space<vmem>>)
      tpu.yield
    }) : () -> ()
    %run_scoped3A_39 = arith.constant 0 : i32
    "tpu.region"() ({
      %run_scoped3A_60 = tpu.sem_alloc : memref<!tpu.dma_semaphore, #tpu.memory_space<semaphore_mem>>
      %dma_start3A = arith.constant 0 : i32
      %dma_start3A_61 = arith.constant 0 : i32
      %dma_start3A_62 = tpu.memref_slice %arg18[%run_scoped3A_39, %dma_start3A, %dma_start3A_61] : memref<2x2x256xi32, #tpu.memory_space<vmem>> -> memref<1x2x256xi32, #tpu.memory_space<vmem>>
      %dma_start3A_63 = tpu.memref_squeeze %dma_start3A_62 : memref<1x2x256xi32, #tpu.memory_space<vmem>> -> memref<2x256xi32, #tpu.memory_space<vmem>>
      %dma_start3A_64 = arith.constant 0 : i32
      %dma_start3A_65 = tpu.memref_slice %arg7[%mul3A_2, %dma_start3A_64] : memref<3200x256xi32, #tpu.memory_space<hbm>> -> memref<2x256xi32, #tpu.memory_space<hbm>>
      %dma_start3A_66 = arith.constant 0 : i32
      %dma_start3A_67 = arith.constant 0 : i32
      %dma_start3A_68 = tpu.memref_slice %arg18[%run_scoped3A_39, %dma_start3A_66, %dma_start3A_67] : memref<2x2x256xi32, #tpu.memory_space<vmem>> -> memref<1x2x256xi32, #tpu.memory_space<vmem>>
      %dma_start3A_69 = tpu.memref_squeeze %dma_start3A_68 : memref<1x2x256xi32, #tpu.memory_space<vmem>> -> memref<2x256xi32, #tpu.memory_space<vmem>>
      %dma_start3A_70 = arith.constant 0 : i32
      %dma_start3A_71 = tpu.memref_slice %arg7[%mul3A_2, %dma_start3A_70] : memref<3200x256xi32, #tpu.memory_space<hbm>> -> memref<2x256xi32, #tpu.memory_space<hbm>>
      tpu.enqueue_dma source(%dma_start3A_71 : memref<2x256xi32, #tpu.memory_space<hbm>>) target(%dma_start3A_69 : memref<2x256xi32, #tpu.memory_space<vmem>>) target_semaphore(%run_scoped3A_60 : memref<!tpu.dma_semaphore, #tpu.memory_space<semaphore_mem>>)
      %dma_wait3A_72 = arith.constant 0 : i32
      %dma_wait3A_73 = arith.constant 0 : i32
      %dma_wait3A_74 = tpu.memref_slice %arg18[%run_scoped3A_39, %dma_wait3A_72, %dma_wait3A_73] : memref<2x2x256xi32, #tpu.memory_space<vmem>> -> memref<1x2x256xi32, #tpu.memory_space<vmem>>
      %dma_wait3A_75 = tpu.memref_squeeze %dma_wait3A_74 : memref<1x2x256xi32, #tpu.memory_space<vmem>> -> memref<2x256xi32, #tpu.memory_space<vmem>>
      %dma_wait3A_76 = arith.constant 0 : i32
      %dma_wait3A_77 = tpu.memref_slice %arg7[%mul3A_2, %dma_wait3A_76] : memref<3200x256xi32, #tpu.memory_space<hbm>> -> memref<2x256xi32, #tpu.memory_space<hbm>>
      %dma_wait3A_78 = arith.constant 0 : i32
      %dma_wait3A_79 = arith.constant 0 : i32
      %dma_wait3A_80 = tpu.memref_slice %arg18[%run_scoped3A_39, %dma_wait3A_78, %dma_wait3A_79] : memref<2x2x256xi32, #tpu.memory_space<vmem>> -> memref<1x2x256xi32, #tpu.memory_space<vmem>>
      %dma_wait3A_81 = tpu.memref_squeeze %dma_wait3A_80 : memref<1x2x256xi32, #tpu.memory_space<vmem>> -> memref<2x256xi32, #tpu.memory_space<vmem>>
      %dma_wait3A_82 = arith.constant 0 : i32
      %dma_wait3A_83 = tpu.memref_slice %arg7[%mul3A_2, %dma_wait3A_82] : memref<3200x256xi32, #tpu.memory_space<hbm>> -> memref<2x256xi32, #tpu.memory_space<hbm>>
      tpu.wait_dma2 semaphore(%run_scoped3A_60 : memref<!tpu.dma_semaphore, #tpu.memory_space<semaphore_mem>>) src(%dma_wait3A_83 : memref<2x256xi32, #tpu.memory_space<hbm>>) dst(%dma_wait3A_81 : memref<2x256xi32, #tpu.memory_space<vmem>>)
      tpu.yield
    }) : () -> ()
    %scan3A_40 = arith.constant 0 : i32
    %scan3A_41 = arith.constant 0 : i32
    %scan3A_42 = arith.constant 50 : i32
    %scan3A_43 = arith.addi %scan3A_41, %scan3A_42 : i32
    %scan3A_44 = arith.constant 1 : i32
    scf.for %scan3A_60 = %scan3A_41 to %scan3A_43 step %scan3A_44  : i32 {
      %mul3A_61 = arith.constant 2 : i32
      %mul3A_62 = arith.muli %scan3A_60, %mul3A_61 : i32
      %add3A = arith.constant 0 : i32
      %add3A_63 = arith.addi %mul3A_62, %add3A : i32
      %gt3A = arith.constant 0 : i32
      %gt3A_64 = arith.cmpi sgt, %scan3A_60, %gt3A : i32
      %convert_element_type3A_65 = arith.extui %gt3A_64 : i1 to i32
      %cond3A_66 = arith.constant 0 : i32
      %cond3A_67 = arith.cmpi ne, %convert_element_type3A_65, %cond3A_66 : i32
      scf.if %cond3A_67 {
        %dma_wait3A_275 = arith.constant 0 : i32
        %dma_wait3A_276 = arith.constant 0 : i32
        %dma_wait3A_277 = tpu.memref_slice %arg8[%dma_wait3A_275, %dma_wait3A_276] : memref<3128x32xf32, #tpu.memory_space<hbm>> -> memref<256x32xf32, #tpu.memory_space<hbm>>
        %dma_wait3A_278 = arith.constant 0 : i32
        %dma_wait3A_279 = arith.constant 0 : i32
        %dma_wait3A_280 = tpu.memref_slice %arg8[%dma_wait3A_278, %dma_wait3A_279] : memref<3128x32xf32, #tpu.memory_space<hbm>> -> memref<256x32xf32, #tpu.memory_space<hbm>>
        tpu.wait_dma2 semaphore(%arg26 : memref<!tpu.dma_semaphore, #tpu.memory_space<semaphore_mem>>) src(%dma_wait3A_280 : memref<256x32xf32, #tpu.memory_space<hbm>>) dst(%arg19 : memref<256x32xf32, #tpu.memory_space<vmem>>)
        %dma_wait3A_281 = arith.constant 0 : i32
        %dma_wait3A_282 = arith.constant 0 : i32
        %dma_wait3A_283 = tpu.memref_slice %arg8[%dma_wait3A_281, %dma_wait3A_282] : memref<3128x32xf32, #tpu.memory_space<hbm>> -> memref<256x32xf32, #tpu.memory_space<hbm>>
        %dma_wait3A_284 = arith.constant 0 : i32
        %dma_wait3A_285 = arith.constant 0 : i32
        %dma_wait3A_286 = tpu.memref_slice %arg8[%dma_wait3A_284, %dma_wait3A_285] : memref<3128x32xf32, #tpu.memory_space<hbm>> -> memref<256x32xf32, #tpu.memory_space<hbm>>
        tpu.wait_dma2 semaphore(%arg27 : memref<!tpu.dma_semaphore, #tpu.memory_space<semaphore_mem>>) src(%dma_wait3A_286 : memref<256x32xf32, #tpu.memory_space<hbm>>) dst(%arg20 : memref<256x32xf32, #tpu.memory_space<vmem>>)
      } else {
      }
      %convert_element_type3A_68 = arith.extui %gt3A_64 : i1 to i32
      %cond3A_69 = arith.constant 0 : i32
      %cond3A_70 = arith.cmpi ne, %convert_element_type3A_68, %cond3A_69 : i32
      scf.if %cond3A_70 {
        %dma_wait3A_275 = arith.constant 0 : i32
        %dma_wait3A_276 = arith.constant 0 : i32
        %dma_wait3A_277 = arith.constant 0 : i32
        %dma_wait3A_278 = tpu.memref_slice %arg17[%dma_wait3A_275, %dma_wait3A_276, %dma_wait3A_277] : memref<2x2x256xi32, #tpu.memory_space<vmem>> -> memref<1x2x256xi32, #tpu.memory_space<vmem>>
        %dma_wait3A_279 = tpu.memref_squeeze %dma_wait3A_278 : memref<1x2x256xi32, #tpu.memory_space<vmem>> -> memref<2x256xi32, #tpu.memory_space<vmem>>
        %dma_wait3A_280 = arith.constant 0 : i32
        %dma_wait3A_281 = tpu.memref_slice %arg5[%mul3A_2, %dma_wait3A_280] : memref<3200x256xi32, #tpu.memory_space<hbm>> -> memref<2x256xi32, #tpu.memory_space<hbm>>
        %dma_wait3A_282 = arith.constant 0 : i32
        %dma_wait3A_283 = arith.constant 0 : i32
        %dma_wait3A_284 = tpu.memref_slice %arg17[%dma_wait3A_275, %dma_wait3A_282, %dma_wait3A_283] : memref<2x2x256xi32, #tpu.memory_space<vmem>> -> memref<1x2x256xi32, #tpu.memory_space<vmem>>
        %dma_wait3A_285 = tpu.memref_squeeze %dma_wait3A_284 : memref<1x2x256xi32, #tpu.memory_space<vmem>> -> memref<2x256xi32, #tpu.memory_space<vmem>>
        %dma_wait3A_286 = arith.constant 0 : i32
        %dma_wait3A_287 = tpu.memref_slice %arg5[%mul3A_2, %dma_wait3A_286] : memref<3200x256xi32, #tpu.memory_space<hbm>> -> memref<2x256xi32, #tpu.memory_space<hbm>>
        tpu.wait_dma2 semaphore(%arg29 : memref<!tpu.dma_semaphore, #tpu.memory_space<semaphore_mem>>) src(%dma_wait3A_287 : memref<2x256xi32, #tpu.memory_space<hbm>>) dst(%dma_wait3A_285 : memref<2x256xi32, #tpu.memory_space<vmem>>)
        %dma_wait3A_288 = arith.constant 0 : i32
        %dma_wait3A_289 = arith.constant 0 : i32
        %dma_wait3A_290 = arith.constant 0 : i32
        %dma_wait3A_291 = tpu.memref_slice %arg17[%dma_wait3A_288, %dma_wait3A_289, %dma_wait3A_290] : memref<2x2x256xi32, #tpu.memory_space<vmem>> -> memref<1x2x256xi32, #tpu.memory_space<vmem>>
        %dma_wait3A_292 = tpu.memref_squeeze %dma_wait3A_291 : memref<1x2x256xi32, #tpu.memory_space<vmem>> -> memref<2x256xi32, #tpu.memory_space<vmem>>
        %dma_wait3A_293 = arith.constant 0 : i32
        %dma_wait3A_294 = tpu.memref_slice %arg5[%mul3A_2, %dma_wait3A_293] : memref<3200x256xi32, #tpu.memory_space<hbm>> -> memref<2x256xi32, #tpu.memory_space<hbm>>
        %dma_wait3A_295 = arith.constant 0 : i32
        %dma_wait3A_296 = arith.constant 0 : i32
        %dma_wait3A_297 = tpu.memref_slice %arg17[%dma_wait3A_288, %dma_wait3A_295, %dma_wait3A_296] : memref<2x2x256xi32, #tpu.memory_space<vmem>> -> memref<1x2x256xi32, #tpu.memory_space<vmem>>
        %dma_wait3A_298 = tpu.memref_squeeze %dma_wait3A_297 : memref<1x2x256xi32, #tpu.memory_space<vmem>> -> memref<2x256xi32, #tpu.memory_space<vmem>>
        %dma_wait3A_299 = arith.constant 0 : i32
        %dma_wait3A_300 = tpu.memref_slice %arg5[%mul3A_2, %dma_wait3A_299] : memref<3200x256xi32, #tpu.memory_space<hbm>> -> memref<2x256xi32, #tpu.memory_space<hbm>>
        tpu.wait_dma2 semaphore(%arg29 : memref<!tpu.dma_semaphore, #tpu.memory_space<semaphore_mem>>) src(%dma_wait3A_300 : memref<2x256xi32, #tpu.memory_space<hbm>>) dst(%dma_wait3A_298 : memref<2x256xi32, #tpu.memory_space<vmem>>)
      } else {
      }
      %add3A_71 = arith.constant 1 : i32
      %add3A_72 = arith.addi %add3A_63, %add3A_71 : i32
      %mul3A_73 = arith.constant 2 : i32
      %mul3A_74 = arith.muli %add3A_72, %mul3A_73 : i32
      %add3A_75 = arith.addi %mul3A_2, %mul3A_74 : i32
      %dma_start3A = arith.constant 1 : i32
      %dma_start3A_76 = arith.constant 0 : i32
      %dma_start3A_77 = arith.constant 0 : i32
      %dma_start3A_78 = tpu.memref_slice %arg17[%dma_start3A, %dma_start3A_76, %dma_start3A_77] : memref<2x2x256xi32, #tpu.memory_space<vmem>> -> memref<1x2x256xi32, #tpu.memory_space<vmem>>
      %dma_start3A_79 = tpu.memref_squeeze %dma_start3A_78 : memref<1x2x256xi32, #tpu.memory_space<vmem>> -> memref<2x256xi32, #tpu.memory_space<vmem>>
      %dma_start3A_80 = arith.constant 0 : i32
      %dma_start3A_81 = tpu.memref_slice %arg5[%add3A_75, %dma_start3A_80] : memref<3200x256xi32, #tpu.memory_space<hbm>> -> memref<2x256xi32, #tpu.memory_space<hbm>>
      %dma_start3A_82 = arith.constant 0 : i32
      %dma_start3A_83 = arith.constant 0 : i32
      %dma_start3A_84 = tpu.memref_slice %arg17[%dma_start3A, %dma_start3A_82, %dma_start3A_83] : memref<2x2x256xi32, #tpu.memory_space<vmem>> -> memref<1x2x256xi32, #tpu.memory_space<vmem>>
      %dma_start3A_85 = tpu.memref_squeeze %dma_start3A_84 : memref<1x2x256xi32, #tpu.memory_space<vmem>> -> memref<2x256xi32, #tpu.memory_space<vmem>>
      %dma_start3A_86 = arith.constant 0 : i32
      %dma_start3A_87 = tpu.memref_slice %arg5[%add3A_75, %dma_start3A_86] : memref<3200x256xi32, #tpu.memory_space<hbm>> -> memref<2x256xi32, #tpu.memory_space<hbm>>
      tpu.enqueue_dma source(%dma_start3A_87 : memref<2x256xi32, #tpu.memory_space<hbm>>) target(%dma_start3A_85 : memref<2x256xi32, #tpu.memory_space<vmem>>) target_semaphore(%arg30 : memref<!tpu.dma_semaphore, #tpu.memory_space<semaphore_mem>>)
      %dma_start3A_88 = arith.constant 1 : i32
      %dma_start3A_89 = arith.constant 0 : i32
      %dma_start3A_90 = arith.constant 0 : i32
      %dma_start3A_91 = tpu.memref_slice %arg18[%dma_start3A_88, %dma_start3A_89, %dma_start3A_90] : memref<2x2x256xi32, #tpu.memory_space<vmem>> -> memref<1x2x256xi32, #tpu.memory_space<vmem>>
      %dma_start3A_92 = tpu.memref_squeeze %dma_start3A_91 : memref<1x2x256xi32, #tpu.memory_space<vmem>> -> memref<2x256xi32, #tpu.memory_space<vmem>>
      %dma_start3A_93 = arith.constant 0 : i32
      %dma_start3A_94 = tpu.memref_slice %arg7[%add3A_75, %dma_start3A_93] : memref<3200x256xi32, #tpu.memory_space<hbm>> -> memref<2x256xi32, #tpu.memory_space<hbm>>
      %dma_start3A_95 = arith.constant 0 : i32
      %dma_start3A_96 = arith.constant 0 : i32
      %dma_start3A_97 = tpu.memref_slice %arg18[%dma_start3A_88, %dma_start3A_95, %dma_start3A_96] : memref<2x2x256xi32, #tpu.memory_space<vmem>> -> memref<1x2x256xi32, #tpu.memory_space<vmem>>
      %dma_start3A_98 = tpu.memref_squeeze %dma_start3A_97 : memref<1x2x256xi32, #tpu.memory_space<vmem>> -> memref<2x256xi32, #tpu.memory_space<vmem>>
      %dma_start3A_99 = arith.constant 0 : i32
      %dma_start3A_100 = tpu.memref_slice %arg7[%add3A_75, %dma_start3A_99] : memref<3200x256xi32, #tpu.memory_space<hbm>> -> memref<2x256xi32, #tpu.memory_space<hbm>>
      tpu.enqueue_dma source(%dma_start3A_100 : memref<2x256xi32, #tpu.memory_space<hbm>>) target(%dma_start3A_98 : memref<2x256xi32, #tpu.memory_space<vmem>>) target_semaphore(%arg30 : memref<!tpu.dma_semaphore, #tpu.memory_space<semaphore_mem>>)
      %dma_start3A_101 = arith.constant 0 : i32
      %dma_start3A_102 = arith.constant 0 : i32
      %dma_start3A_103 = arith.constant 0 : i32
      %dma_start3A_104 = tpu.memref_slice %arg17[%dma_start3A_101, %dma_start3A_102, %dma_start3A_103] : memref<2x2x256xi32, #tpu.memory_space<vmem>> -> memref<1x1x256xi32, #tpu.memory_space<vmem>>
      %dma_start3A_105 = tpu.memref_squeeze %dma_start3A_104 : memref<1x1x256xi32, #tpu.memory_space<vmem>> -> memref<256xi32, #tpu.memory_space<vmem>>
      %dma_start3A_106 = arith.constant 0 : i32
      %dma_start3A_107 = arith.constant 0 : i32
      %dma_start3A_108 = tpu.memref_slice %arg3[%arg0, %dma_start3A_106, %dma_start3A_107] : memref<2x50048x32xf32, #tpu.memory_space<hbm>> -> memref<1x50048x32xf32, #tpu.memory_space<hbm>>
      %dma_start3A_109 = tpu.memref_squeeze %dma_start3A_108 : memref<1x50048x32xf32, #tpu.memory_space<hbm>> -> memref<50048x32xf32, #tpu.memory_space<hbm>>
      %dma_start3A_110 = arith.constant 0 : i32
      %dma_start3A_111 = arith.constant 0 : i32
      %dma_start3A_112 = tpu.memref_slice %dma_start3A_109[%dma_start3A_110, %dma_start3A_111] : memref<50048x32xf32, #tpu.memory_space<hbm>> -> memref<50048x32xf32, #tpu.memory_space<hbm>>
      tpu.enqueue_indirect_dma source(%dma_start3A_112 : memref<50048x32xf32, #tpu.memory_space<hbm>>) target(%arg19 : memref<256x32xf32, #tpu.memory_space<vmem>>) offsets(%dma_start3A_105 : memref<256xi32, #tpu.memory_space<vmem>>) semaphore(%arg23 : memref<!tpu.dma_semaphore, #tpu.memory_space<semaphore_mem>>)
      %dma_start3A_113 = arith.constant 0 : i32
      %dma_start3A_114 = arith.constant 1 : i32
      %dma_start3A_115 = arith.constant 0 : i32
      %dma_start3A_116 = tpu.memref_slice %arg17[%dma_start3A_113, %dma_start3A_114, %dma_start3A_115] : memref<2x2x256xi32, #tpu.memory_space<vmem>> -> memref<1x1x256xi32, #tpu.memory_space<vmem>>
      %dma_start3A_117 = tpu.memref_squeeze %dma_start3A_116 : memref<1x1x256xi32, #tpu.memory_space<vmem>> -> memref<256xi32, #tpu.memory_space<vmem>>
      %dma_start3A_118 = arith.constant 0 : i32
      %dma_start3A_119 = arith.constant 0 : i32
      %dma_start3A_120 = tpu.memref_slice %arg3[%arg0, %dma_start3A_118, %dma_start3A_119] : memref<2x50048x32xf32, #tpu.memory_space<hbm>> -> memref<1x50048x32xf32, #tpu.memory_space<hbm>>
      %dma_start3A_121 = tpu.memref_squeeze %dma_start3A_120 : memref<1x50048x32xf32, #tpu.memory_space<hbm>> -> memref<50048x32xf32, #tpu.memory_space<hbm>>
      %dma_start3A_122 = arith.constant 0 : i32
      %dma_start3A_123 = arith.constant 0 : i32
      %dma_start3A_124 = tpu.memref_slice %dma_start3A_121[%dma_start3A_122, %dma_start3A_123] : memref<50048x32xf32, #tpu.memory_space<hbm>> -> memref<50048x32xf32, #tpu.memory_space<hbm>>
      tpu.enqueue_indirect_dma source(%dma_start3A_124 : memref<50048x32xf32, #tpu.memory_space<hbm>>) target(%arg20 : memref<256x32xf32, #tpu.memory_space<vmem>>) offsets(%dma_start3A_117 : memref<256xi32, #tpu.memory_space<vmem>>) semaphore(%arg24 : memref<!tpu.dma_semaphore, #tpu.memory_space<semaphore_mem>>)
      %dma_wait3A_125 = arith.constant 0 : i32
      %dma_wait3A_126 = arith.constant 0 : i32
      %dma_wait3A_127 = arith.constant 0 : i32
      %dma_wait3A_128 = tpu.memref_slice %arg17[%dma_wait3A_125, %dma_wait3A_126, %dma_wait3A_127] : memref<2x2x256xi32, #tpu.memory_space<vmem>> -> memref<1x1x256xi32, #tpu.memory_space<vmem>>
      %dma_wait3A_129 = tpu.memref_squeeze %dma_wait3A_128 : memref<1x1x256xi32, #tpu.memory_space<vmem>> -> memref<256xi32, #tpu.memory_space<vmem>>
      %dma_wait3A_130 = arith.constant 0 : i32
      %dma_wait3A_131 = arith.constant 0 : i32
      %dma_wait3A_132 = tpu.memref_slice %arg3[%arg0, %dma_wait3A_130, %dma_wait3A_131] : memref<2x50048x32xf32, #tpu.memory_space<hbm>> -> memref<1x50048x32xf32, #tpu.memory_space<hbm>>
      %dma_wait3A_133 = tpu.memref_squeeze %dma_wait3A_132 : memref<1x50048x32xf32, #tpu.memory_space<hbm>> -> memref<50048x32xf32, #tpu.memory_space<hbm>>
      %dma_wait3A_134 = arith.constant 0 : i32
      %dma_wait3A_135 = arith.constant 0 : i32
      %dma_wait3A_136 = tpu.memref_slice %dma_wait3A_133[%dma_wait3A_134, %dma_wait3A_135] : memref<50048x32xf32, #tpu.memory_space<hbm>> -> memref<50048x32xf32, #tpu.memory_space<hbm>>
      tpu.wait_indirect_dma semaphore(%arg23 : memref<!tpu.dma_semaphore, #tpu.memory_space<semaphore_mem>>) src(%dma_wait3A_136 : memref<50048x32xf32, #tpu.memory_space<hbm>>) dst(%arg19 : memref<256x32xf32, #tpu.memory_space<vmem>>)
      %dma_start3A_137 = arith.constant 0 : i32
      %dma_start3A_138 = arith.constant 0 : i32
      %dma_start3A_139 = arith.constant 0 : i32
      %dma_start3A_140 = tpu.memref_slice %arg18[%dma_start3A_137, %dma_start3A_138, %dma_start3A_139] : memref<2x2x256xi32, #tpu.memory_space<vmem>> -> memref<1x1x256xi32, #tpu.memory_space<vmem>>
      %dma_start3A_141 = tpu.memref_squeeze %dma_start3A_140 : memref<1x1x256xi32, #tpu.memory_space<vmem>> -> memref<256xi32, #tpu.memory_space<vmem>>
      %dma_start3A_142 = arith.constant 0 : i32
      %dma_start3A_143 = arith.constant 0 : i32
      %dma_start3A_144 = tpu.memref_slice %arg15[%dma_start3A_142, %dma_start3A_143] : memref<50048x32xf32, #tpu.memory_space<vmem_shared>> -> memref<50048x32xf32, #tpu.memory_space<vmem_shared>>
      tpu.enqueue_indirect_dma source(%arg19 : memref<256x32xf32, #tpu.memory_space<vmem>>) target(%dma_start3A_144 : memref<50048x32xf32, #tpu.memory_space<vmem_shared>>) offsets(%dma_start3A_141 : memref<256xi32, #tpu.memory_space<vmem>>) semaphore(%arg26 : memref<!tpu.dma_semaphore, #tpu.memory_space<semaphore_mem>>) {add = true}
      %dma_wait3A_145 = arith.constant 0 : i32
      %dma_wait3A_146 = arith.constant 1 : i32
      %dma_wait3A_147 = arith.constant 0 : i32
      %dma_wait3A_148 = tpu.memref_slice %arg17[%dma_wait3A_145, %dma_wait3A_146, %dma_wait3A_147] : memref<2x2x256xi32, #tpu.memory_space<vmem>> -> memref<1x1x256xi32, #tpu.memory_space<vmem>>
      %dma_wait3A_149 = tpu.memref_squeeze %dma_wait3A_148 : memref<1x1x256xi32, #tpu.memory_space<vmem>> -> memref<256xi32, #tpu.memory_space<vmem>>
      %dma_wait3A_150 = arith.constant 0 : i32
      %dma_wait3A_151 = arith.constant 0 : i32
      %dma_wait3A_152 = tpu.memref_slice %arg3[%arg0, %dma_wait3A_150, %dma_wait3A_151] : memref<2x50048x32xf32, #tpu.memory_space<hbm>> -> memref<1x50048x32xf32, #tpu.memory_space<hbm>>
      %dma_wait3A_153 = tpu.memref_squeeze %dma_wait3A_152 : memref<1x50048x32xf32, #tpu.memory_space<hbm>> -> memref<50048x32xf32, #tpu.memory_space<hbm>>
      %dma_wait3A_154 = arith.constant 0 : i32
      %dma_wait3A_155 = arith.constant 0 : i32
      %dma_wait3A_156 = tpu.memref_slice %dma_wait3A_153[%dma_wait3A_154, %dma_wait3A_155] : memref<50048x32xf32, #tpu.memory_space<hbm>> -> memref<50048x32xf32, #tpu.memory_space<hbm>>
      tpu.wait_indirect_dma semaphore(%arg24 : memref<!tpu.dma_semaphore, #tpu.memory_space<semaphore_mem>>) src(%dma_wait3A_156 : memref<50048x32xf32, #tpu.memory_space<hbm>>) dst(%arg20 : memref<256x32xf32, #tpu.memory_space<vmem>>)
      %dma_start3A_157 = arith.constant 0 : i32
      %dma_start3A_158 = arith.constant 1 : i32
      %dma_start3A_159 = arith.constant 0 : i32
      %dma_start3A_160 = tpu.memref_slice %arg18[%dma_start3A_157, %dma_start3A_158, %dma_start3A_159] : memref<2x2x256xi32, #tpu.memory_space<vmem>> -> memref<1x1x256xi32, #tpu.memory_space<vmem>>
      %dma_start3A_161 = tpu.memref_squeeze %dma_start3A_160 : memref<1x1x256xi32, #tpu.memory_space<vmem>> -> memref<256xi32, #tpu.memory_space<vmem>>
      %dma_start3A_162 = arith.constant 0 : i32
      %dma_start3A_163 = arith.constant 0 : i32
      %dma_start3A_164 = tpu.memref_slice %arg15[%dma_start3A_162, %dma_start3A_163] : memref<50048x32xf32, #tpu.memory_space<vmem_shared>> -> memref<50048x32xf32, #tpu.memory_space<vmem_shared>>
      tpu.enqueue_indirect_dma source(%arg20 : memref<256x32xf32, #tpu.memory_space<vmem>>) target(%dma_start3A_164 : memref<50048x32xf32, #tpu.memory_space<vmem_shared>>) offsets(%dma_start3A_161 : memref<256xi32, #tpu.memory_space<vmem>>) semaphore(%arg27 : memref<!tpu.dma_semaphore, #tpu.memory_space<semaphore_mem>>) {add = true}
      %mul3A_165 = arith.constant 2 : i32
      %mul3A_166 = arith.muli %scan3A_60, %mul3A_165 : i32
      %add3A_167 = arith.constant 1 : i32
      %add3A_168 = arith.addi %mul3A_166, %add3A_167 : i32
      %dma_wait3A_169 = arith.constant 0 : i32
      %dma_wait3A_170 = arith.constant 0 : i32
      %dma_wait3A_171 = tpu.memref_slice %arg8[%dma_wait3A_169, %dma_wait3A_170] : memref<3128x32xf32, #tpu.memory_space<hbm>> -> memref<256x32xf32, #tpu.memory_space<hbm>>
      %dma_wait3A_172 = arith.constant 0 : i32
      %dma_wait3A_173 = arith.constant 0 : i32
      %dma_wait3A_174 = tpu.memref_slice %arg8[%dma_wait3A_172, %dma_wait3A_173] : memref<3128x32xf32, #tpu.memory_space<hbm>> -> memref<256x32xf32, #tpu.memory_space<hbm>>
      tpu.wait_dma2 semaphore(%arg26 : memref<!tpu.dma_semaphore, #tpu.memory_space<semaphore_mem>>) src(%dma_wait3A_174 : memref<256x32xf32, #tpu.memory_space<hbm>>) dst(%arg19 : memref<256x32xf32, #tpu.memory_space<vmem>>)
      %dma_wait3A_175 = arith.constant 0 : i32
      %dma_wait3A_176 = arith.constant 0 : i32
      %dma_wait3A_177 = tpu.memref_slice %arg8[%dma_wait3A_175, %dma_wait3A_176] : memref<3128x32xf32, #tpu.memory_space<hbm>> -> memref<256x32xf32, #tpu.memory_space<hbm>>
      %dma_wait3A_178 = arith.constant 0 : i32
      %dma_wait3A_179 = arith.constant 0 : i32
      %dma_wait3A_180 = tpu.memref_slice %arg8[%dma_wait3A_178, %dma_wait3A_179] : memref<3128x32xf32, #tpu.memory_space<hbm>> -> memref<256x32xf32, #tpu.memory_space<hbm>>
      tpu.wait_dma2 semaphore(%arg27 : memref<!tpu.dma_semaphore, #tpu.memory_space<semaphore_mem>>) src(%dma_wait3A_180 : memref<256x32xf32, #tpu.memory_space<hbm>>) dst(%arg20 : memref<256x32xf32, #tpu.memory_space<vmem>>)
      %dma_wait3A_181 = arith.constant 1 : i32
      %dma_wait3A_182 = arith.constant 0 : i32
      %dma_wait3A_183 = arith.constant 0 : i32
      %dma_wait3A_184 = tpu.memref_slice %arg17[%dma_wait3A_181, %dma_wait3A_182, %dma_wait3A_183] : memref<2x2x256xi32, #tpu.memory_space<vmem>> -> memref<1x2x256xi32, #tpu.memory_space<vmem>>
      %dma_wait3A_185 = tpu.memref_squeeze %dma_wait3A_184 : memref<1x2x256xi32, #tpu.memory_space<vmem>> -> memref<2x256xi32, #tpu.memory_space<vmem>>
      %dma_wait3A_186 = arith.constant 0 : i32
      %dma_wait3A_187 = tpu.memref_slice %arg5[%mul3A_2, %dma_wait3A_186] : memref<3200x256xi32, #tpu.memory_space<hbm>> -> memref<2x256xi32, #tpu.memory_space<hbm>>
      %dma_wait3A_188 = arith.constant 0 : i32
      %dma_wait3A_189 = arith.constant 0 : i32
      %dma_wait3A_190 = tpu.memref_slice %arg17[%dma_wait3A_181, %dma_wait3A_188, %dma_wait3A_189] : memref<2x2x256xi32, #tpu.memory_space<vmem>> -> memref<1x2x256xi32, #tpu.memory_space<vmem>>
      %dma_wait3A_191 = tpu.memref_squeeze %dma_wait3A_190 : memref<1x2x256xi32, #tpu.memory_space<vmem>> -> memref<2x256xi32, #tpu.memory_space<vmem>>
      %dma_wait3A_192 = arith.constant 0 : i32
      %dma_wait3A_193 = tpu.memref_slice %arg5[%mul3A_2, %dma_wait3A_192] : memref<3200x256xi32, #tpu.memory_space<hbm>> -> memref<2x256xi32, #tpu.memory_space<hbm>>
      tpu.wait_dma2 semaphore(%arg30 : memref<!tpu.dma_semaphore, #tpu.memory_space<semaphore_mem>>) src(%dma_wait3A_193 : memref<2x256xi32, #tpu.memory_space<hbm>>) dst(%dma_wait3A_191 : memref<2x256xi32, #tpu.memory_space<vmem>>)
      %dma_wait3A_194 = arith.constant 1 : i32
      %dma_wait3A_195 = arith.constant 0 : i32
      %dma_wait3A_196 = arith.constant 0 : i32
      %dma_wait3A_197 = tpu.memref_slice %arg17[%dma_wait3A_194, %dma_wait3A_195, %dma_wait3A_196] : memref<2x2x256xi32, #tpu.memory_space<vmem>> -> memref<1x2x256xi32, #tpu.memory_space<vmem>>
      %dma_wait3A_198 = tpu.memref_squeeze %dma_wait3A_197 : memref<1x2x256xi32, #tpu.memory_space<vmem>> -> memref<2x256xi32, #tpu.memory_space<vmem>>
      %dma_wait3A_199 = arith.constant 0 : i32
      %dma_wait3A_200 = tpu.memref_slice %arg5[%mul3A_2, %dma_wait3A_199] : memref<3200x256xi32, #tpu.memory_space<hbm>> -> memref<2x256xi32, #tpu.memory_space<hbm>>
      %dma_wait3A_201 = arith.constant 0 : i32
      %dma_wait3A_202 = arith.constant 0 : i32
      %dma_wait3A_203 = tpu.memref_slice %arg17[%dma_wait3A_194, %dma_wait3A_201, %dma_wait3A_202] : memref<2x2x256xi32, #tpu.memory_space<vmem>> -> memref<1x2x256xi32, #tpu.memory_space<vmem>>
      %dma_wait3A_204 = tpu.memref_squeeze %dma_wait3A_203 : memref<1x2x256xi32, #tpu.memory_space<vmem>> -> memref<2x256xi32, #tpu.memory_space<vmem>>
      %dma_wait3A_205 = arith.constant 0 : i32
      %dma_wait3A_206 = tpu.memref_slice %arg5[%mul3A_2, %dma_wait3A_205] : memref<3200x256xi32, #tpu.memory_space<hbm>> -> memref<2x256xi32, #tpu.memory_space<hbm>>
      tpu.wait_dma2 semaphore(%arg30 : memref<!tpu.dma_semaphore, #tpu.memory_space<semaphore_mem>>) src(%dma_wait3A_206 : memref<2x256xi32, #tpu.memory_space<hbm>>) dst(%dma_wait3A_204 : memref<2x256xi32, #tpu.memory_space<vmem>>)
      %lt3A = arith.constant 49 : i32
      %lt3A_207 = arith.cmpi slt, %scan3A_60, %lt3A : i32
      %convert_element_type3A_208 = arith.extui %lt3A_207 : i1 to i32
      %cond3A_209 = arith.constant 0 : i32
      %cond3A_210 = arith.cmpi ne, %convert_element_type3A_208, %cond3A_209 : i32
      scf.if %cond3A_210 {
        %add3A_275 = arith.constant 1 : i32
        %add3A_276 = arith.addi %add3A_168, %add3A_275 : i32
        %mul3A_277 = arith.constant 2 : i32
        %mul3A_278 = arith.muli %add3A_276, %mul3A_277 : i32
        %add3A_279 = arith.addi %mul3A_2, %mul3A_278 : i32
        %dma_start3A_280 = arith.constant 0 : i32
        %dma_start3A_281 = arith.constant 0 : i32
        %dma_start3A_282 = arith.constant 0 : i32
        %dma_start3A_283 = tpu.memref_slice %arg17[%dma_start3A_280, %dma_start3A_281, %dma_start3A_282] : memref<2x2x256xi32, #tpu.memory_space<vmem>> -> memref<1x2x256xi32, #tpu.memory_space<vmem>>
        %dma_start3A_284 = tpu.memref_squeeze %dma_start3A_283 : memref<1x2x256xi32, #tpu.memory_space<vmem>> -> memref<2x256xi32, #tpu.memory_space<vmem>>
        %dma_start3A_285 = arith.constant 0 : i32
        %dma_start3A_286 = tpu.memref_slice %arg5[%add3A_279, %dma_start3A_285] : memref<3200x256xi32, #tpu.memory_space<hbm>> -> memref<2x256xi32, #tpu.memory_space<hbm>>
        %dma_start3A_287 = arith.constant 0 : i32
        %dma_start3A_288 = arith.constant 0 : i32
        %dma_start3A_289 = tpu.memref_slice %arg17[%dma_start3A_280, %dma_start3A_287, %dma_start3A_288] : memref<2x2x256xi32, #tpu.memory_space<vmem>> -> memref<1x2x256xi32, #tpu.memory_space<vmem>>
        %dma_start3A_290 = tpu.memref_squeeze %dma_start3A_289 : memref<1x2x256xi32, #tpu.memory_space<vmem>> -> memref<2x256xi32, #tpu.memory_space<vmem>>
        %dma_start3A_291 = arith.constant 0 : i32
        %dma_start3A_292 = tpu.memref_slice %arg5[%add3A_279, %dma_start3A_291] : memref<3200x256xi32, #tpu.memory_space<hbm>> -> memref<2x256xi32, #tpu.memory_space<hbm>>
        tpu.enqueue_dma source(%dma_start3A_292 : memref<2x256xi32, #tpu.memory_space<hbm>>) target(%dma_start3A_290 : memref<2x256xi32, #tpu.memory_space<vmem>>) target_semaphore(%arg29 : memref<!tpu.dma_semaphore, #tpu.memory_space<semaphore_mem>>)
        %dma_start3A_293 = arith.constant 0 : i32
        %dma_start3A_294 = arith.constant 0 : i32
        %dma_start3A_295 = arith.constant 0 : i32
        %dma_start3A_296 = tpu.memref_slice %arg18[%dma_start3A_293, %dma_start3A_294, %dma_start3A_295] : memref<2x2x256xi32, #tpu.memory_space<vmem>> -> memref<1x2x256xi32, #tpu.memory_space<vmem>>
        %dma_start3A_297 = tpu.memref_squeeze %dma_start3A_296 : memref<1x2x256xi32, #tpu.memory_space<vmem>> -> memref<2x256xi32, #tpu.memory_space<vmem>>
        %dma_start3A_298 = arith.constant 0 : i32
        %dma_start3A_299 = tpu.memref_slice %arg7[%add3A_279, %dma_start3A_298] : memref<3200x256xi32, #tpu.memory_space<hbm>> -> memref<2x256xi32, #tpu.memory_space<hbm>>
        %dma_start3A_300 = arith.constant 0 : i32
        %dma_start3A_301 = arith.constant 0 : i32
        %dma_start3A_302 = tpu.memref_slice %arg18[%dma_start3A_293, %dma_start3A_300, %dma_start3A_301] : memref<2x2x256xi32, #tpu.memory_space<vmem>> -> memref<1x2x256xi32, #tpu.memory_space<vmem>>
        %dma_start3A_303 = tpu.memref_squeeze %dma_start3A_302 : memref<1x2x256xi32, #tpu.memory_space<vmem>> -> memref<2x256xi32, #tpu.memory_space<vmem>>
        %dma_start3A_304 = arith.constant 0 : i32
        %dma_start3A_305 = tpu.memref_slice %arg7[%add3A_279, %dma_start3A_304] : memref<3200x256xi32, #tpu.memory_space<hbm>> -> memref<2x256xi32, #tpu.memory_space<hbm>>
        tpu.enqueue_dma source(%dma_start3A_305 : memref<2x256xi32, #tpu.memory_space<hbm>>) target(%dma_start3A_303 : memref<2x256xi32, #tpu.memory_space<vmem>>) target_semaphore(%arg29 : memref<!tpu.dma_semaphore, #tpu.memory_space<semaphore_mem>>)
      } else {
      }
      %dma_start3A_211 = arith.constant 1 : i32
      %dma_start3A_212 = arith.constant 0 : i32
      %dma_start3A_213 = arith.constant 0 : i32
      %dma_start3A_214 = tpu.memref_slice %arg17[%dma_start3A_211, %dma_start3A_212, %dma_start3A_213] : memref<2x2x256xi32, #tpu.memory_space<vmem>> -> memref<1x1x256xi32, #tpu.memory_space<vmem>>
      %dma_start3A_215 = tpu.memref_squeeze %dma_start3A_214 : memref<1x1x256xi32, #tpu.memory_space<vmem>> -> memref<256xi32, #tpu.memory_space<vmem>>
      %dma_start3A_216 = arith.constant 0 : i32
      %dma_start3A_217 = arith.constant 0 : i32
      %dma_start3A_218 = tpu.memref_slice %arg3[%arg0, %dma_start3A_216, %dma_start3A_217] : memref<2x50048x32xf32, #tpu.memory_space<hbm>> -> memref<1x50048x32xf32, #tpu.memory_space<hbm>>
      %dma_start3A_219 = tpu.memref_squeeze %dma_start3A_218 : memref<1x50048x32xf32, #tpu.memory_space<hbm>> -> memref<50048x32xf32, #tpu.memory_space<hbm>>
      %dma_start3A_220 = arith.constant 0 : i32
      %dma_start3A_221 = arith.constant 0 : i32
      %dma_start3A_222 = tpu.memref_slice %dma_start3A_219[%dma_start3A_220, %dma_start3A_221] : memref<50048x32xf32, #tpu.memory_space<hbm>> -> memref<50048x32xf32, #tpu.memory_space<hbm>>
      tpu.enqueue_indirect_dma source(%dma_start3A_222 : memref<50048x32xf32, #tpu.memory_space<hbm>>) target(%arg19 : memref<256x32xf32, #tpu.memory_space<vmem>>) offsets(%dma_start3A_215 : memref<256xi32, #tpu.memory_space<vmem>>) semaphore(%arg23 : memref<!tpu.dma_semaphore, #tpu.memory_space<semaphore_mem>>)
      %dma_start3A_223 = arith.constant 1 : i32
      %dma_start3A_224 = arith.constant 1 : i32
      %dma_start3A_225 = arith.constant 0 : i32
      %dma_start3A_226 = tpu.memref_slice %arg17[%dma_start3A_223, %dma_start3A_224, %dma_start3A_225] : memref<2x2x256xi32, #tpu.memory_space<vmem>> -> memref<1x1x256xi32, #tpu.memory_space<vmem>>
      %dma_start3A_227 = tpu.memref_squeeze %dma_start3A_226 : memref<1x1x256xi32, #tpu.memory_space<vmem>> -> memref<256xi32, #tpu.memory_space<vmem>>
      %dma_start3A_228 = arith.constant 0 : i32
      %dma_start3A_229 = arith.constant 0 : i32
      %dma_start3A_230 = tpu.memref_slice %arg3[%arg0, %dma_start3A_228, %dma_start3A_229] : memref<2x50048x32xf32, #tpu.memory_space<hbm>> -> memref<1x50048x32xf32, #tpu.memory_space<hbm>>
      %dma_start3A_231 = tpu.memref_squeeze %dma_start3A_230 : memref<1x50048x32xf32, #tpu.memory_space<hbm>> -> memref<50048x32xf32, #tpu.memory_space<hbm>>
      %dma_start3A_232 = arith.constant 0 : i32
      %dma_start3A_233 = arith.constant 0 : i32
      %dma_start3A_234 = tpu.memref_slice %dma_start3A_231[%dma_start3A_232, %dma_start3A_233] : memref<50048x32xf32, #tpu.memory_space<hbm>> -> memref<50048x32xf32, #tpu.memory_space<hbm>>
      tpu.enqueue_indirect_dma source(%dma_start3A_234 : memref<50048x32xf32, #tpu.memory_space<hbm>>) target(%arg20 : memref<256x32xf32, #tpu.memory_space<vmem>>) offsets(%dma_start3A_227 : memref<256xi32, #tpu.memory_space<vmem>>) semaphore(%arg24 : memref<!tpu.dma_semaphore, #tpu.memory_space<semaphore_mem>>)
      %dma_wait3A_235 = arith.constant 1 : i32
      %dma_wait3A_236 = arith.constant 0 : i32
      %dma_wait3A_237 = arith.constant 0 : i32
      %dma_wait3A_238 = tpu.memref_slice %arg17[%dma_wait3A_235, %dma_wait3A_236, %dma_wait3A_237] : memref<2x2x256xi32, #tpu.memory_space<vmem>> -> memref<1x1x256xi32, #tpu.memory_space<vmem>>
      %dma_wait3A_239 = tpu.memref_squeeze %dma_wait3A_238 : memref<1x1x256xi32, #tpu.memory_space<vmem>> -> memref<256xi32, #tpu.memory_space<vmem>>
      %dma_wait3A_240 = arith.constant 0 : i32
      %dma_wait3A_241 = arith.constant 0 : i32
      %dma_wait3A_242 = tpu.memref_slice %arg3[%arg0, %dma_wait3A_240, %dma_wait3A_241] : memref<2x50048x32xf32, #tpu.memory_space<hbm>> -> memref<1x50048x32xf32, #tpu.memory_space<hbm>>
      %dma_wait3A_243 = tpu.memref_squeeze %dma_wait3A_242 : memref<1x50048x32xf32, #tpu.memory_space<hbm>> -> memref<50048x32xf32, #tpu.memory_space<hbm>>
      %dma_wait3A_244 = arith.constant 0 : i32
      %dma_wait3A_245 = arith.constant 0 : i32
      %dma_wait3A_246 = tpu.memref_slice %dma_wait3A_243[%dma_wait3A_244, %dma_wait3A_245] : memref<50048x32xf32, #tpu.memory_space<hbm>> -> memref<50048x32xf32, #tpu.memory_space<hbm>>
      tpu.wait_indirect_dma semaphore(%arg23 : memref<!tpu.dma_semaphore, #tpu.memory_space<semaphore_mem>>) src(%dma_wait3A_246 : memref<50048x32xf32, #tpu.memory_space<hbm>>) dst(%arg19 : memref<256x32xf32, #tpu.memory_space<vmem>>)
      %dma_start3A_247 = arith.constant 1 : i32
      %dma_start3A_248 = arith.constant 0 : i32
      %dma_start3A_249 = arith.constant 0 : i32
      %dma_start3A_250 = tpu.memref_slice %arg18[%dma_start3A_247, %dma_start3A_248, %dma_start3A_249] : memref<2x2x256xi32, #tpu.memory_space<vmem>> -> memref<1x1x256xi32, #tpu.memory_space<vmem>>
      %dma_start3A_251 = tpu.memref_squeeze %dma_start3A_250 : memref<1x1x256xi32, #tpu.memory_space<vmem>> -> memref<256xi32, #tpu.memory_space<vmem>>
      %dma_start3A_252 = arith.constant 0 : i32
      %dma_start3A_253 = arith.constant 0 : i32
      %dma_start3A_254 = tpu.memref_slice %arg15[%dma_start3A_252, %dma_start3A_253] : memref<50048x32xf32, #tpu.memory_space<vmem_shared>> -> memref<50048x32xf32, #tpu.memory_space<vmem_shared>>
      tpu.enqueue_indirect_dma source(%arg19 : memref<256x32xf32, #tpu.memory_space<vmem>>) target(%dma_start3A_254 : memref<50048x32xf32, #tpu.memory_space<vmem_shared>>) offsets(%dma_start3A_251 : memref<256xi32, #tpu.memory_space<vmem>>) semaphore(%arg26 : memref<!tpu.dma_semaphore, #tpu.memory_space<semaphore_mem>>) {add = true}
      %dma_wait3A_255 = arith.constant 1 : i32
      %dma_wait3A_256 = arith.constant 1 : i32
      %dma_wait3A_257 = arith.constant 0 : i32
      %dma_wait3A_258 = tpu.memref_slice %arg17[%dma_wait3A_255, %dma_wait3A_256, %dma_wait3A_257] : memref<2x2x256xi32, #tpu.memory_space<vmem>> -> memref<1x1x256xi32, #tpu.memory_space<vmem>>
      %dma_wait3A_259 = tpu.memref_squeeze %dma_wait3A_258 : memref<1x1x256xi32, #tpu.memory_space<vmem>> -> memref<256xi32, #tpu.memory_space<vmem>>
      %dma_wait3A_260 = arith.constant 0 : i32
      %dma_wait3A_261 = arith.constant 0 : i32
      %dma_wait3A_262 = tpu.memref_slice %arg3[%arg0, %dma_wait3A_260, %dma_wait3A_261] : memref<2x50048x32xf32, #tpu.memory_space<hbm>> -> memref<1x50048x32xf32, #tpu.memory_space<hbm>>
      %dma_wait3A_263 = tpu.memref_squeeze %dma_wait3A_262 : memref<1x50048x32xf32, #tpu.memory_space<hbm>> -> memref<50048x32xf32, #tpu.memory_space<hbm>>
      %dma_wait3A_264 = arith.constant 0 : i32
      %dma_wait3A_265 = arith.constant 0 : i32
      %dma_wait3A_266 = tpu.memref_slice %dma_wait3A_263[%dma_wait3A_264, %dma_wait3A_265] : memref<50048x32xf32, #tpu.memory_space<hbm>> -> memref<50048x32xf32, #tpu.memory_space<hbm>>
      tpu.wait_indirect_dma semaphore(%arg24 : memref<!tpu.dma_semaphore, #tpu.memory_space<semaphore_mem>>) src(%dma_wait3A_266 : memref<50048x32xf32, #tpu.memory_space<hbm>>) dst(%arg20 : memref<256x32xf32, #tpu.memory_space<vmem>>)
      %dma_start3A_267 = arith.constant 1 : i32
      %dma_start3A_268 = arith.constant 1 : i32
      %dma_start3A_269 = arith.constant 0 : i32
      %dma_start3A_270 = tpu.memref_slice %arg18[%dma_start3A_267, %dma_start3A_268, %dma_start3A_269] : memref<2x2x256xi32, #tpu.memory_space<vmem>> -> memref<1x1x256xi32, #tpu.memory_space<vmem>>
      %dma_start3A_271 = tpu.memref_squeeze %dma_start3A_270 : memref<1x1x256xi32, #tpu.memory_space<vmem>> -> memref<256xi32, #tpu.memory_space<vmem>>
      %dma_start3A_272 = arith.constant 0 : i32
      %dma_start3A_273 = arith.constant 0 : i32
      %dma_start3A_274 = tpu.memref_slice %arg15[%dma_start3A_272, %dma_start3A_273] : memref<50048x32xf32, #tpu.memory_space<vmem_shared>> -> memref<50048x32xf32, #tpu.memory_space<vmem_shared>>
      tpu.enqueue_indirect_dma source(%arg20 : memref<256x32xf32, #tpu.memory_space<vmem>>) target(%dma_start3A_274 : memref<50048x32xf32, #tpu.memory_space<vmem_shared>>) offsets(%dma_start3A_271 : memref<256xi32, #tpu.memory_space<vmem>>) semaphore(%arg27 : memref<!tpu.dma_semaphore, #tpu.memory_space<semaphore_mem>>) {add = true}
    }
    %scan3A_45 = arith.constant 50 : i32
    %dma_wait3A_46 = arith.constant 0 : i32
    %dma_wait3A_47 = arith.constant 0 : i32
    %dma_wait3A_48 = tpu.memref_slice %arg8[%dma_wait3A_46, %dma_wait3A_47] : memref<3128x32xf32, #tpu.memory_space<hbm>> -> memref<256x32xf32, #tpu.memory_space<hbm>>
    %dma_wait3A_49 = arith.constant 0 : i32
    %dma_wait3A_50 = arith.constant 0 : i32
    %dma_wait3A_51 = tpu.memref_slice %arg8[%dma_wait3A_49, %dma_wait3A_50] : memref<3128x32xf32, #tpu.memory_space<hbm>> -> memref<256x32xf32, #tpu.memory_space<hbm>>
    tpu.wait_dma2 semaphore(%arg26 : memref<!tpu.dma_semaphore, #tpu.memory_space<semaphore_mem>>) src(%dma_wait3A_51 : memref<256x32xf32, #tpu.memory_space<hbm>>) dst(%arg19 : memref<256x32xf32, #tpu.memory_space<vmem>>)
    %dma_wait3A_52 = arith.constant 0 : i32
    %dma_wait3A_53 = arith.constant 0 : i32
    %dma_wait3A_54 = tpu.memref_slice %arg8[%dma_wait3A_52, %dma_wait3A_53] : memref<3128x32xf32, #tpu.memory_space<hbm>> -> memref<256x32xf32, #tpu.memory_space<hbm>>
    %dma_wait3A_55 = arith.constant 0 : i32
    %dma_wait3A_56 = arith.constant 0 : i32
    %dma_wait3A_57 = tpu.memref_slice %arg8[%dma_wait3A_55, %dma_wait3A_56] : memref<3128x32xf32, #tpu.memory_space<hbm>> -> memref<256x32xf32, #tpu.memory_space<hbm>>
    tpu.wait_dma2 semaphore(%arg27 : memref<!tpu.dma_semaphore, #tpu.memory_space<semaphore_mem>>) src(%dma_wait3A_57 : memref<256x32xf32, #tpu.memory_space<hbm>>) dst(%arg20 : memref<256x32xf32, #tpu.memory_space<vmem>>)
    %barrier3A_58 = arith.constant 0 : index
    tpu.barrier barrier_id(%barrier3A_58)
    "tpu.region"() ({
      %run_scoped3A_60 = tpu.sem_alloc : memref<!tpu.dma_semaphore, #tpu.memory_space<semaphore_mem>>
      %dma_start3A = arith.constant 0 : i32
      %dma_start3A_61 = arith.constant 0 : i32
      %dma_start3A_62 = tpu.memref_slice %arg12[%arg0, %dma_start3A, %dma_start3A_61] : memref<2x50048x32xf32, #tpu.memory_space<hbm>> -> memref<1x50048x32xf32, #tpu.memory_space<hbm>>
      %dma_start3A_63 = tpu.memref_squeeze %dma_start3A_62 : memref<1x50048x32xf32, #tpu.memory_space<hbm>> -> memref<50048x32xf32, #tpu.memory_space<hbm>>
      %dma_start3A_64 = arith.constant 0 : i32
      %dma_start3A_65 = tpu.memref_slice %dma_start3A_63[%mul3A_0, %dma_start3A_64] : memref<50048x32xf32, #tpu.memory_space<hbm>> -> memref<3128x32xf32, #tpu.memory_space<hbm>>
      %dma_start3A_66 = arith.constant 0 : i32
      %dma_start3A_67 = tpu.memref_slice %arg15[%mul3A_0, %dma_start3A_66] : memref<50048x32xf32, #tpu.memory_space<vmem_shared>> -> memref<3128x32xf32, #tpu.memory_space<vmem_shared>>
      tpu.enqueue_dma source(%dma_start3A_67 : memref<3128x32xf32, #tpu.memory_space<vmem_shared>>) target(%dma_start3A_65 : memref<3128x32xf32, #tpu.memory_space<hbm>>) target_semaphore(%run_scoped3A_60 : memref<!tpu.dma_semaphore, #tpu.memory_space<semaphore_mem>>)
      %dma_wait3A_68 = arith.constant 0 : i32
      %dma_wait3A_69 = arith.constant 0 : i32
      %dma_wait3A_70 = tpu.memref_slice %arg12[%arg0, %dma_wait3A_68, %dma_wait3A_69] : memref<2x50048x32xf32, #tpu.memory_space<hbm>> -> memref<1x50048x32xf32, #tpu.memory_space<hbm>>
      %dma_wait3A_71 = tpu.memref_squeeze %dma_wait3A_70 : memref<1x50048x32xf32, #tpu.memory_space<hbm>> -> memref<50048x32xf32, #tpu.memory_space<hbm>>
      %dma_wait3A_72 = arith.constant 0 : i32
      %dma_wait3A_73 = tpu.memref_slice %dma_wait3A_71[%mul3A_0, %dma_wait3A_72] : memref<50048x32xf32, #tpu.memory_space<hbm>> -> memref<3128x32xf32, #tpu.memory_space<hbm>>
      %dma_wait3A_74 = arith.constant 0 : i32
      %dma_wait3A_75 = tpu.memref_slice %arg15[%mul3A_0, %dma_wait3A_74] : memref<50048x32xf32, #tpu.memory_space<vmem_shared>> -> memref<3128x32xf32, #tpu.memory_space<vmem_shared>>
      tpu.wait_dma2 semaphore(%run_scoped3A_60 : memref<!tpu.dma_semaphore, #tpu.memory_space<semaphore_mem>>) src(%dma_wait3A_75 : memref<3128x32xf32, #tpu.memory_space<vmem_shared>>) dst(%dma_wait3A_73 : memref<3128x32xf32, #tpu.memory_space<hbm>>)
      tpu.yield
    }) : () -> ()
    %barrier3A_59 = arith.constant 0 : index
    tpu.barrier barrier_id(%barrier3A_59)
    return
  }
}

#map = affine_map<(d0, d1) -> (0, 0, 0)>
#map1 = affine_map<(d0, d1) -> (0, 0)>
#map2 = affine_map<(d0, d1) -> (0)>
module attributes {stable_mosaic.version = 14 : i64} {
  func.func @sc_kernel(%arg0: i32, %arg1: i32, %arg2: memref<2x50048x32xf32, #tpu.memory_space<hbm>>, %arg3: memref<3200x256xi32, #tpu.memory_space<hbm>>, %arg4: memref<3200x256xi32, #tpu.memory_space<hbm>>, %arg5: memref<3128x32xf32, #tpu.memory_space<hbm>>, %arg6: memref<3128xf32, #tpu.memory_space<hbm>>, %arg7: memref<256xf32, #tpu.memory_space<hbm>>, %arg8: memref<2x50048x32xf32, #tpu.memory_space<hbm>>, %arg9: memref<50048x32xf32, #tpu.memory_space<vmem_shared>>, %arg10: memref<50048xf32, #tpu.memory_space<vmem_shared>>, %arg11: memref<2x2x256xi32, #tpu.memory_space<vmem>>, %arg12: memref<2x2x256xi32, #tpu.memory_space<vmem>>, %arg13: memref<256x32xf32, #tpu.memory_space<vmem>>, %arg14: memref<256x32xf32, #tpu.memory_space<vmem>>, %arg15: memref<256x32xf32, #tpu.memory_space<vmem>>, %arg16: memref<256xf32, #tpu.memory_space<vmem>>, %arg17: memref<!tpu.dma_semaphore, #tpu.memory_space<semaphore_mem>>, %arg18: memref<!tpu.dma_semaphore, #tpu.memory_space<semaphore_mem>>, %arg19: memref<!tpu.dma_semaphore, #tpu.memory_space<semaphore_mem>>, %arg20: memref<!tpu.dma_semaphore, #tpu.memory_space<semaphore_mem>>, %arg21: memref<!tpu.dma_semaphore, #tpu.memory_space<semaphore_mem>>, %arg22: memref<!tpu.dma_semaphore, #tpu.memory_space<semaphore_mem>>, %arg23: memref<!tpu.dma_semaphore, #tpu.memory_space<semaphore_mem>>, %arg24: memref<!tpu.dma_semaphore, #tpu.memory_space<semaphore_mem>>, %arg25: memref<!tpu.dma_semaphore, #tpu.memory_space<semaphore_mem>>) attributes {dimension_semantics = [#tpu.dimension_semantics<core_parallel>, #tpu.dimension_semantics<subcore_parallel>], iteration_bounds = array<i64: 2, 16>, scalar_prefetch = 0 : i64, scratch_operands = 17 : i64, tpu.core_type = #tpu.core_type<sc_vector_subcore>, window_params = [{transform_indices = #map}, {transform_indices = #map1}, {transform_indices = #map1}, {transform_indices = #map1}, {transform_indices = #map2}, {transform_indices = #map2}, {transform_indices = #map}]} {
    %mul3A = arith.constant 3128 : i32
    %mul3A_0 = arith.muli %arg1, %mul3A : i32
    %mul3A_1 = arith.constant 200 : i32
    %mul3A_2 = arith.muli %arg1, %mul3A_1 : i32
    "tpu.region"() ({
      %run_scoped3A_22 = tpu.sem_alloc : memref<!tpu.dma_semaphore, #tpu.memory_space<semaphore_mem>>
      tpu.enqueue_dma source(%arg7 : memref<256xf32, #tpu.memory_space<hbm>>) target(%arg16 : memref<256xf32, #tpu.memory_space<vmem>>) target_semaphore(%run_scoped3A_22 : memref<!tpu.dma_semaphore, #tpu.memory_space<semaphore_mem>>)
      tpu.wait_dma2 semaphore(%run_scoped3A_22 : memref<!tpu.dma_semaphore, #tpu.memory_space<semaphore_mem>>) src(%arg7 : memref<256xf32, #tpu.memory_space<hbm>>) dst(%arg16 : memref<256xf32, #tpu.memory_space<vmem>>)
      tpu.yield
    }) : () -> ()
    "tpu.region"() ({
      %run_scoped3A_22 = tpu.sem_alloc : memref<!tpu.dma_semaphore, #tpu.memory_space<semaphore_mem>>
      %dma_start3A = arith.constant 0 : i32
      %dma_start3A_23 = tpu.memref_slice %arg9[%mul3A_0, %dma_start3A] : memref<50048x32xf32, #tpu.memory_space<vmem_shared>> -> memref<3128x32xf32, #tpu.memory_space<vmem_shared>>
      tpu.enqueue_dma source(%arg5 : memref<3128x32xf32, #tpu.memory_space<hbm>>) target(%dma_start3A_23 : memref<3128x32xf32, #tpu.memory_space<vmem_shared>>) target_semaphore(%run_scoped3A_22 : memref<!tpu.dma_semaphore, #tpu.memory_space<semaphore_mem>>)
      %dma_wait3A_24 = arith.constant 0 : i32
      %dma_wait3A_25 = tpu.memref_slice %arg9[%mul3A_0, %dma_wait3A_24] : memref<50048x32xf32, #tpu.memory_space<vmem_shared>> -> memref<3128x32xf32, #tpu.memory_space<vmem_shared>>
      tpu.wait_dma2 semaphore(%run_scoped3A_22 : memref<!tpu.dma_semaphore, #tpu.memory_space<semaphore_mem>>) src(%arg5 : memref<3128x32xf32, #tpu.memory_space<hbm>>) dst(%dma_wait3A_25 : memref<3128x32xf32, #tpu.memory_space<vmem_shared>>)
      tpu.yield
    }) : () -> ()
    %barrier3A = arith.constant 0 : index
    tpu.barrier barrier_id(%barrier3A)
    %run_scoped3A = arith.constant 0 : i32
    "tpu.region"() ({
      %run_scoped3A_22 = tpu.sem_alloc : memref<!tpu.dma_semaphore, #tpu.memory_space<semaphore_mem>>
      %dma_start3A = arith.constant 0 : i32
      %dma_start3A_23 = arith.constant 0 : i32
      %dma_start3A_24 = tpu.memref_slice %arg11[%run_scoped3A, %dma_start3A, %dma_start3A_23] : memref<2x2x256xi32, #tpu.memory_space<vmem>> -> memref<1x2x256xi32, #tpu.memory_space<vmem>>
      %dma_start3A_25 = tpu.memref_squeeze %dma_start3A_24 : memref<1x2x256xi32, #tpu.memory_space<vmem>> -> memref<2x256xi32, #tpu.memory_space<vmem>>
      %dma_start3A_26 = arith.constant 0 : i32
      %dma_start3A_27 = tpu.memref_slice %arg3[%mul3A_2, %dma_start3A_26] : memref<3200x256xi32, #tpu.memory_space<hbm>> -> memref<2x256xi32, #tpu.memory_space<hbm>>
      %dma_start3A_28 = arith.constant 0 : i32
      %dma_start3A_29 = arith.constant 0 : i32
      %dma_start3A_30 = tpu.memref_slice %arg11[%run_scoped3A, %dma_start3A_28, %dma_start3A_29] : memref<2x2x256xi32, #tpu.memory_space<vmem>> -> memref<1x2x256xi32, #tpu.memory_space<vmem>>
      %dma_start3A_31 = tpu.memref_squeeze %dma_start3A_30 : memref<1x2x256xi32, #tpu.memory_space<vmem>> -> memref<2x256xi32, #tpu.memory_space<vmem>>
      %dma_start3A_32 = arith.constant 0 : i32
      %dma_start3A_33 = tpu.memref_slice %arg3[%mul3A_2, %dma_start3A_32] : memref<3200x256xi32, #tpu.memory_space<hbm>> -> memref<2x256xi32, #tpu.memory_space<hbm>>
      tpu.enqueue_dma source(%dma_start3A_33 : memref<2x256xi32, #tpu.memory_space<hbm>>) target(%dma_start3A_31 : memref<2x256xi32, #tpu.memory_space<vmem>>) target_semaphore(%run_scoped3A_22 : memref<!tpu.dma_semaphore, #tpu.memory_space<semaphore_mem>>)
      %dma_wait3A_34 = arith.constant 0 : i32
      %dma_wait3A_35 = arith.constant 0 : i32
      %dma_wait3A_36 = tpu.memref_slice %arg11[%run_scoped3A, %dma_wait3A_34, %dma_wait3A_35] : memref<2x2x256xi32, #tpu.memory_space<vmem>> -> memref<1x2x256xi32, #tpu.memory_space<vmem>>
      %dma_wait3A_37 = tpu.memref_squeeze %dma_wait3A_36 : memref<1x2x256xi32, #tpu.memory_space<vmem>> -> memref<2x256xi32, #tpu.memory_space<vmem>>
      %dma_wait3A_38 = arith.constant 0 : i32
      %dma_wait3A_39 = tpu.memref_slice %arg3[%mul3A_2, %dma_wait3A_38] : memref<3200x256xi32, #tpu.memory_space<hbm>> -> memref<2x256xi32, #tpu.memory_space<hbm>>
      %dma_wait3A_40 = arith.constant 0 : i32
      %dma_wait3A_41 = arith.constant 0 : i32
      %dma_wait3A_42 = tpu.memref_slice %arg11[%run_scoped3A, %dma_wait3A_40, %dma_wait3A_41] : memref<2x2x256xi32, #tpu.memory_space<vmem>> -> memref<1x2x256xi32, #tpu.memory_space<vmem>>
      %dma_wait3A_43 = tpu.memref_squeeze %dma_wait3A_42 : memref<1x2x256xi32, #tpu.memory_space<vmem>> -> memref<2x256xi32, #tpu.memory_space<vmem>>
      %dma_wait3A_44 = arith.constant 0 : i32
      %dma_wait3A_45 = tpu.memref_slice %arg3[%mul3A_2, %dma_wait3A_44] : memref<3200x256xi32, #tpu.memory_space<hbm>> -> memref<2x256xi32, #tpu.memory_space<hbm>>
      tpu.wait_dma2 semaphore(%run_scoped3A_22 : memref<!tpu.dma_semaphore, #tpu.memory_space<semaphore_mem>>) src(%dma_wait3A_45 : memref<2x256xi32, #tpu.memory_space<hbm>>) dst(%dma_wait3A_43 : memref<2x256xi32, #tpu.memory_space<vmem>>)
      tpu.yield
    }) : () -> ()
    %run_scoped3A_3 = arith.constant 0 : i32
    "tpu.region"() ({
      %run_scoped3A_22 = tpu.sem_alloc : memref<!tpu.dma_semaphore, #tpu.memory_space<semaphore_mem>>
      %dma_start3A = arith.constant 0 : i32
      %dma_start3A_23 = arith.constant 0 : i32
      %dma_start3A_24 = tpu.memref_slice %arg12[%run_scoped3A_3, %dma_start3A, %dma_start3A_23] : memref<2x2x256xi32, #tpu.memory_space<vmem>> -> memref<1x2x256xi32, #tpu.memory_space<vmem>>
      %dma_start3A_25 = tpu.memref_squeeze %dma_start3A_24 : memref<1x2x256xi32, #tpu.memory_space<vmem>> -> memref<2x256xi32, #tpu.memory_space<vmem>>
      %dma_start3A_26 = arith.constant 0 : i32
      %dma_start3A_27 = tpu.memref_slice %arg4[%mul3A_2, %dma_start3A_26] : memref<3200x256xi32, #tpu.memory_space<hbm>> -> memref<2x256xi32, #tpu.memory_space<hbm>>
      %dma_start3A_28 = arith.constant 0 : i32
      %dma_start3A_29 = arith.constant 0 : i32
      %dma_start3A_30 = tpu.memref_slice %arg12[%run_scoped3A_3, %dma_start3A_28, %dma_start3A_29] : memref<2x2x256xi32, #tpu.memory_space<vmem>> -> memref<1x2x256xi32, #tpu.memory_space<vmem>>
      %dma_start3A_31 = tpu.memref_squeeze %dma_start3A_30 : memref<1x2x256xi32, #tpu.memory_space<vmem>> -> memref<2x256xi32, #tpu.memory_space<vmem>>
      %dma_start3A_32 = arith.constant 0 : i32
      %dma_start3A_33 = tpu.memref_slice %arg4[%mul3A_2, %dma_start3A_32] : memref<3200x256xi32, #tpu.memory_space<hbm>> -> memref<2x256xi32, #tpu.memory_space<hbm>>
      tpu.enqueue_dma source(%dma_start3A_33 : memref<2x256xi32, #tpu.memory_space<hbm>>) target(%dma_start3A_31 : memref<2x256xi32, #tpu.memory_space<vmem>>) target_semaphore(%run_scoped3A_22 : memref<!tpu.dma_semaphore, #tpu.memory_space<semaphore_mem>>)
      %dma_wait3A_34 = arith.constant 0 : i32
      %dma_wait3A_35 = arith.constant 0 : i32
      %dma_wait3A_36 = tpu.memref_slice %arg12[%run_scoped3A_3, %dma_wait3A_34, %dma_wait3A_35] : memref<2x2x256xi32, #tpu.memory_space<vmem>> -> memref<1x2x256xi32, #tpu.memory_space<vmem>>
      %dma_wait3A_37 = tpu.memref_squeeze %dma_wait3A_36 : memref<1x2x256xi32, #tpu.memory_space<vmem>> -> memref<2x256xi32, #tpu.memory_space<vmem>>
      %dma_wait3A_38 = arith.constant 0 : i32
      %dma_wait3A_39 = tpu.memref_slice %arg4[%mul3A_2, %dma_wait3A_38] : memref<3200x256xi32, #tpu.memory_space<hbm>> -> memref<2x256xi32, #tpu.memory_space<hbm>>
      %dma_wait3A_40 = arith.constant 0 : i32
      %dma_wait3A_41 = arith.constant 0 : i32
      %dma_wait3A_42 = tpu.memref_slice %arg12[%run_scoped3A_3, %dma_wait3A_40, %dma_wait3A_41] : memref<2x2x256xi32, #tpu.memory_space<vmem>> -> memref<1x2x256xi32, #tpu.memory_space<vmem>>
      %dma_wait3A_43 = tpu.memref_squeeze %dma_wait3A_42 : memref<1x2x256xi32, #tpu.memory_space<vmem>> -> memref<2x256xi32, #tpu.memory_space<vmem>>
      %dma_wait3A_44 = arith.constant 0 : i32
      %dma_wait3A_45 = tpu.memref_slice %arg4[%mul3A_2, %dma_wait3A_44] : memref<3200x256xi32, #tpu.memory_space<hbm>> -> memref<2x256xi32, #tpu.memory_space<hbm>>
      tpu.wait_dma2 semaphore(%run_scoped3A_22 : memref<!tpu.dma_semaphore, #tpu.memory_space<semaphore_mem>>) src(%dma_wait3A_45 : memref<2x256xi32, #tpu.memory_space<hbm>>) dst(%dma_wait3A_43 : memref<2x256xi32, #tpu.memory_space<vmem>>)
      tpu.yield
    }) : () -> ()
    %scan3A = arith.constant 0 : i32
    %scan3A_4 = arith.constant 0 : i32
    %scan3A_5 = arith.constant 50 : i32
    %scan3A_6 = arith.addi %scan3A_4, %scan3A_5 : i32
    %scan3A_7 = arith.constant 1 : i32
    scf.for %scan3A_22 = %scan3A_4 to %scan3A_6 step %scan3A_7  : i32 {
      %mul3A_23 = arith.constant 2 : i32
      %mul3A_24 = arith.muli %scan3A_22, %mul3A_23 : i32
      %add3A = arith.constant 0 : i32
      %add3A_25 = arith.addi %mul3A_24, %add3A : i32
      %gt3A = arith.constant 0 : i32
      %gt3A_26 = arith.cmpi sgt, %scan3A_22, %gt3A : i32
      %convert_element_type3A = arith.extui %gt3A_26 : i1 to i32
      %cond3A = arith.constant 0 : i32
      %cond3A_27 = arith.cmpi ne, %convert_element_type3A, %cond3A : i32
      scf.if %cond3A_27 {
        %dma_wait3A_235 = arith.constant 0 : i32
        %dma_wait3A_236 = arith.constant 0 : i32
        %dma_wait3A_237 = tpu.memref_slice %arg5[%dma_wait3A_235, %dma_wait3A_236] : memref<3128x32xf32, #tpu.memory_space<hbm>> -> memref<256x32xf32, #tpu.memory_space<hbm>>
        %dma_wait3A_238 = arith.constant 0 : i32
        %dma_wait3A_239 = arith.constant 0 : i32
        %dma_wait3A_240 = tpu.memref_slice %arg5[%dma_wait3A_238, %dma_wait3A_239] : memref<3128x32xf32, #tpu.memory_space<hbm>> -> memref<256x32xf32, #tpu.memory_space<hbm>>
        tpu.wait_dma2 semaphore(%arg20 : memref<!tpu.dma_semaphore, #tpu.memory_space<semaphore_mem>>) src(%dma_wait3A_240 : memref<256x32xf32, #tpu.memory_space<hbm>>) dst(%arg13 : memref<256x32xf32, #tpu.memory_space<vmem>>)
        %dma_wait3A_241 = arith.constant 0 : i32
        %dma_wait3A_242 = arith.constant 0 : i32
        %dma_wait3A_243 = tpu.memref_slice %arg5[%dma_wait3A_241, %dma_wait3A_242] : memref<3128x32xf32, #tpu.memory_space<hbm>> -> memref<256x32xf32, #tpu.memory_space<hbm>>
        %dma_wait3A_244 = arith.constant 0 : i32
        %dma_wait3A_245 = arith.constant 0 : i32
        %dma_wait3A_246 = tpu.memref_slice %arg5[%dma_wait3A_244, %dma_wait3A_245] : memref<3128x32xf32, #tpu.memory_space<hbm>> -> memref<256x32xf32, #tpu.memory_space<hbm>>
        tpu.wait_dma2 semaphore(%arg21 : memref<!tpu.dma_semaphore, #tpu.memory_space<semaphore_mem>>) src(%dma_wait3A_246 : memref<256x32xf32, #tpu.memory_space<hbm>>) dst(%arg14 : memref<256x32xf32, #tpu.memory_space<vmem>>)
      } else {
      }
      %convert_element_type3A_28 = arith.extui %gt3A_26 : i1 to i32
      %cond3A_29 = arith.constant 0 : i32
      %cond3A_30 = arith.cmpi ne, %convert_element_type3A_28, %cond3A_29 : i32
      scf.if %cond3A_30 {
        %dma_wait3A_235 = arith.constant 0 : i32
        %dma_wait3A_236 = arith.constant 0 : i32
        %dma_wait3A_237 = arith.constant 0 : i32
        %dma_wait3A_238 = tpu.memref_slice %arg11[%dma_wait3A_235, %dma_wait3A_236, %dma_wait3A_237] : memref<2x2x256xi32, #tpu.memory_space<vmem>> -> memref<1x2x256xi32, #tpu.memory_space<vmem>>
        %dma_wait3A_239 = tpu.memref_squeeze %dma_wait3A_238 : memref<1x2x256xi32, #tpu.memory_space<vmem>> -> memref<2x256xi32, #tpu.memory_space<vmem>>
        %dma_wait3A_240 = arith.constant 0 : i32
        %dma_wait3A_241 = tpu.memref_slice %arg3[%mul3A_2, %dma_wait3A_240] : memref<3200x256xi32, #tpu.memory_space<hbm>> -> memref<2x256xi32, #tpu.memory_space<hbm>>
        %dma_wait3A_242 = arith.constant 0 : i32
        %dma_wait3A_243 = arith.constant 0 : i32
        %dma_wait3A_244 = tpu.memref_slice %arg11[%dma_wait3A_235, %dma_wait3A_242, %dma_wait3A_243] : memref<2x2x256xi32, #tpu.memory_space<vmem>> -> memref<1x2x256xi32, #tpu.memory_space<vmem>>
        %dma_wait3A_245 = tpu.memref_squeeze %dma_wait3A_244 : memref<1x2x256xi32, #tpu.memory_space<vmem>> -> memref<2x256xi32, #tpu.memory_space<vmem>>
        %dma_wait3A_246 = arith.constant 0 : i32
        %dma_wait3A_247 = tpu.memref_slice %arg3[%mul3A_2, %dma_wait3A_246] : memref<3200x256xi32, #tpu.memory_space<hbm>> -> memref<2x256xi32, #tpu.memory_space<hbm>>
        tpu.wait_dma2 semaphore(%arg23 : memref<!tpu.dma_semaphore, #tpu.memory_space<semaphore_mem>>) src(%dma_wait3A_247 : memref<2x256xi32, #tpu.memory_space<hbm>>) dst(%dma_wait3A_245 : memref<2x256xi32, #tpu.memory_space<vmem>>)
        %dma_wait3A_248 = arith.constant 0 : i32
        %dma_wait3A_249 = arith.constant 0 : i32
        %dma_wait3A_250 = arith.constant 0 : i32
        %dma_wait3A_251 = tpu.memref_slice %arg11[%dma_wait3A_248, %dma_wait3A_249, %dma_wait3A_250] : memref<2x2x256xi32, #tpu.memory_space<vmem>> -> memref<1x2x256xi32, #tpu.memory_space<vmem>>
        %dma_wait3A_252 = tpu.memref_squeeze %dma_wait3A_251 : memref<1x2x256xi32, #tpu.memory_space<vmem>> -> memref<2x256xi32, #tpu.memory_space<vmem>>
        %dma_wait3A_253 = arith.constant 0 : i32
        %dma_wait3A_254 = tpu.memref_slice %arg3[%mul3A_2, %dma_wait3A_253] : memref<3200x256xi32, #tpu.memory_space<hbm>> -> memref<2x256xi32, #tpu.memory_space<hbm>>
        %dma_wait3A_255 = arith.constant 0 : i32
        %dma_wait3A_256 = arith.constant 0 : i32
        %dma_wait3A_257 = tpu.memref_slice %arg11[%dma_wait3A_248, %dma_wait3A_255, %dma_wait3A_256] : memref<2x2x256xi32, #tpu.memory_space<vmem>> -> memref<1x2x256xi32, #tpu.memory_space<vmem>>
        %dma_wait3A_258 = tpu.memref_squeeze %dma_wait3A_257 : memref<1x2x256xi32, #tpu.memory_space<vmem>> -> memref<2x256xi32, #tpu.memory_space<vmem>>
        %dma_wait3A_259 = arith.constant 0 : i32
        %dma_wait3A_260 = tpu.memref_slice %arg3[%mul3A_2, %dma_wait3A_259] : memref<3200x256xi32, #tpu.memory_space<hbm>> -> memref<2x256xi32, #tpu.memory_space<hbm>>
        tpu.wait_dma2 semaphore(%arg23 : memref<!tpu.dma_semaphore, #tpu.memory_space<semaphore_mem>>) src(%dma_wait3A_260 : memref<2x256xi32, #tpu.memory_space<hbm>>) dst(%dma_wait3A_258 : memref<2x256xi32, #tpu.memory_space<vmem>>)
      } else {
      }
      %add3A_31 = arith.constant 1 : i32
      %add3A_32 = arith.addi %add3A_25, %add3A_31 : i32
      %mul3A_33 = arith.constant 2 : i32
      %mul3A_34 = arith.muli %add3A_32, %mul3A_33 : i32
      %add3A_35 = arith.addi %mul3A_2, %mul3A_34 : i32
      %dma_start3A = arith.constant 1 : i32
      %dma_start3A_36 = arith.constant 0 : i32
      %dma_start3A_37 = arith.constant 0 : i32
      %dma_start3A_38 = tpu.memref_slice %arg11[%dma_start3A, %dma_start3A_36, %dma_start3A_37] : memref<2x2x256xi32, #tpu.memory_space<vmem>> -> memref<1x2x256xi32, #tpu.memory_space<vmem>>
      %dma_start3A_39 = tpu.memref_squeeze %dma_start3A_38 : memref<1x2x256xi32, #tpu.memory_space<vmem>> -> memref<2x256xi32, #tpu.memory_space<vmem>>
      %dma_start3A_40 = arith.constant 0 : i32
      %dma_start3A_41 = tpu.memref_slice %arg3[%add3A_35, %dma_start3A_40] : memref<3200x256xi32, #tpu.memory_space<hbm>> -> memref<2x256xi32, #tpu.memory_space<hbm>>
      %dma_start3A_42 = arith.constant 0 : i32
      %dma_start3A_43 = arith.constant 0 : i32
      %dma_start3A_44 = tpu.memref_slice %arg11[%dma_start3A, %dma_start3A_42, %dma_start3A_43] : memref<2x2x256xi32, #tpu.memory_space<vmem>> -> memref<1x2x256xi32, #tpu.memory_space<vmem>>
      %dma_start3A_45 = tpu.memref_squeeze %dma_start3A_44 : memref<1x2x256xi32, #tpu.memory_space<vmem>> -> memref<2x256xi32, #tpu.memory_space<vmem>>
      %dma_start3A_46 = arith.constant 0 : i32
      %dma_start3A_47 = tpu.memref_slice %arg3[%add3A_35, %dma_start3A_46] : memref<3200x256xi32, #tpu.memory_space<hbm>> -> memref<2x256xi32, #tpu.memory_space<hbm>>
      tpu.enqueue_dma source(%dma_start3A_47 : memref<2x256xi32, #tpu.memory_space<hbm>>) target(%dma_start3A_45 : memref<2x256xi32, #tpu.memory_space<vmem>>) target_semaphore(%arg24 : memref<!tpu.dma_semaphore, #tpu.memory_space<semaphore_mem>>)
      %dma_start3A_48 = arith.constant 1 : i32
      %dma_start3A_49 = arith.constant 0 : i32
      %dma_start3A_50 = arith.constant 0 : i32
      %dma_start3A_51 = tpu.memref_slice %arg12[%dma_start3A_48, %dma_start3A_49, %dma_start3A_50] : memref<2x2x256xi32, #tpu.memory_space<vmem>> -> memref<1x2x256xi32, #tpu.memory_space<vmem>>
      %dma_start3A_52 = tpu.memref_squeeze %dma_start3A_51 : memref<1x2x256xi32, #tpu.memory_space<vmem>> -> memref<2x256xi32, #tpu.memory_space<vmem>>
      %dma_start3A_53 = arith.constant 0 : i32
      %dma_start3A_54 = tpu.memref_slice %arg4[%add3A_35, %dma_start3A_53] : memref<3200x256xi32, #tpu.memory_space<hbm>> -> memref<2x256xi32, #tpu.memory_space<hbm>>
      %dma_start3A_55 = arith.constant 0 : i32
      %dma_start3A_56 = arith.constant 0 : i32
      %dma_start3A_57 = tpu.memref_slice %arg12[%dma_start3A_48, %dma_start3A_55, %dma_start3A_56] : memref<2x2x256xi32, #tpu.memory_space<vmem>> -> memref<1x2x256xi32, #tpu.memory_space<vmem>>
      %dma_start3A_58 = tpu.memref_squeeze %dma_start3A_57 : memref<1x2x256xi32, #tpu.memory_space<vmem>> -> memref<2x256xi32, #tpu.memory_space<vmem>>
      %dma_start3A_59 = arith.constant 0 : i32
      %dma_start3A_60 = tpu.memref_slice %arg4[%add3A_35, %dma_start3A_59] : memref<3200x256xi32, #tpu.memory_space<hbm>> -> memref<2x256xi32, #tpu.memory_space<hbm>>
      tpu.enqueue_dma source(%dma_start3A_60 : memref<2x256xi32, #tpu.memory_space<hbm>>) target(%dma_start3A_58 : memref<2x256xi32, #tpu.memory_space<vmem>>) target_semaphore(%arg24 : memref<!tpu.dma_semaphore, #tpu.memory_space<semaphore_mem>>)
      %dma_start3A_61 = arith.constant 0 : i32
      %dma_start3A_62 = arith.constant 0 : i32
      %dma_start3A_63 = arith.constant 0 : i32
      %dma_start3A_64 = tpu.memref_slice %arg11[%dma_start3A_61, %dma_start3A_62, %dma_start3A_63] : memref<2x2x256xi32, #tpu.memory_space<vmem>> -> memref<1x1x256xi32, #tpu.memory_space<vmem>>
      %dma_start3A_65 = tpu.memref_squeeze %dma_start3A_64 : memref<1x1x256xi32, #tpu.memory_space<vmem>> -> memref<256xi32, #tpu.memory_space<vmem>>
      %dma_start3A_66 = arith.constant 0 : i32
      %dma_start3A_67 = arith.constant 0 : i32
      %dma_start3A_68 = tpu.memref_slice %arg2[%arg0, %dma_start3A_66, %dma_start3A_67] : memref<2x50048x32xf32, #tpu.memory_space<hbm>> -> memref<1x50048x32xf32, #tpu.memory_space<hbm>>
      %dma_start3A_69 = tpu.memref_squeeze %dma_start3A_68 : memref<1x50048x32xf32, #tpu.memory_space<hbm>> -> memref<50048x32xf32, #tpu.memory_space<hbm>>
      %dma_start3A_70 = arith.constant 0 : i32
      %dma_start3A_71 = arith.constant 0 : i32
      %dma_start3A_72 = tpu.memref_slice %dma_start3A_69[%dma_start3A_70, %dma_start3A_71] : memref<50048x32xf32, #tpu.memory_space<hbm>> -> memref<50048x32xf32, #tpu.memory_space<hbm>>
      tpu.enqueue_indirect_dma source(%dma_start3A_72 : memref<50048x32xf32, #tpu.memory_space<hbm>>) target(%arg13 : memref<256x32xf32, #tpu.memory_space<vmem>>) offsets(%dma_start3A_65 : memref<256xi32, #tpu.memory_space<vmem>>) semaphore(%arg17 : memref<!tpu.dma_semaphore, #tpu.memory_space<semaphore_mem>>)
      %dma_start3A_73 = arith.constant 0 : i32
      %dma_start3A_74 = arith.constant 1 : i32
      %dma_start3A_75 = arith.constant 0 : i32
      %dma_start3A_76 = tpu.memref_slice %arg11[%dma_start3A_73, %dma_start3A_74, %dma_start3A_75] : memref<2x2x256xi32, #tpu.memory_space<vmem>> -> memref<1x1x256xi32, #tpu.memory_space<vmem>>
      %dma_start3A_77 = tpu.memref_squeeze %dma_start3A_76 : memref<1x1x256xi32, #tpu.memory_space<vmem>> -> memref<256xi32, #tpu.memory_space<vmem>>
      %dma_start3A_78 = arith.constant 0 : i32
      %dma_start3A_79 = arith.constant 0 : i32
      %dma_start3A_80 = tpu.memref_slice %arg2[%arg0, %dma_start3A_78, %dma_start3A_79] : memref<2x50048x32xf32, #tpu.memory_space<hbm>> -> memref<1x50048x32xf32, #tpu.memory_space<hbm>>
      %dma_start3A_81 = tpu.memref_squeeze %dma_start3A_80 : memref<1x50048x32xf32, #tpu.memory_space<hbm>> -> memref<50048x32xf32, #tpu.memory_space<hbm>>
      %dma_start3A_82 = arith.constant 0 : i32
      %dma_start3A_83 = arith.constant 0 : i32
      %dma_start3A_84 = tpu.memref_slice %dma_start3A_81[%dma_start3A_82, %dma_start3A_83] : memref<50048x32xf32, #tpu.memory_space<hbm>> -> memref<50048x32xf32, #tpu.memory_space<hbm>>
      tpu.enqueue_indirect_dma source(%dma_start3A_84 : memref<50048x32xf32, #tpu.memory_space<hbm>>) target(%arg14 : memref<256x32xf32, #tpu.memory_space<vmem>>) offsets(%dma_start3A_77 : memref<256xi32, #tpu.memory_space<vmem>>) semaphore(%arg18 : memref<!tpu.dma_semaphore, #tpu.memory_space<semaphore_mem>>)
      %dma_wait3A_85 = arith.constant 0 : i32
      %dma_wait3A_86 = arith.constant 0 : i32
      %dma_wait3A_87 = arith.constant 0 : i32
      %dma_wait3A_88 = tpu.memref_slice %arg11[%dma_wait3A_85, %dma_wait3A_86, %dma_wait3A_87] : memref<2x2x256xi32, #tpu.memory_space<vmem>> -> memref<1x1x256xi32, #tpu.memory_space<vmem>>
      %dma_wait3A_89 = tpu.memref_squeeze %dma_wait3A_88 : memref<1x1x256xi32, #tpu.memory_space<vmem>> -> memref<256xi32, #tpu.memory_space<vmem>>
      %dma_wait3A_90 = arith.constant 0 : i32
      %dma_wait3A_91 = arith.constant 0 : i32
      %dma_wait3A_92 = tpu.memref_slice %arg2[%arg0, %dma_wait3A_90, %dma_wait3A_91] : memref<2x50048x32xf32, #tpu.memory_space<hbm>> -> memref<1x50048x32xf32, #tpu.memory_space<hbm>>
      %dma_wait3A_93 = tpu.memref_squeeze %dma_wait3A_92 : memref<1x50048x32xf32, #tpu.memory_space<hbm>> -> memref<50048x32xf32, #tpu.memory_space<hbm>>
      %dma_wait3A_94 = arith.constant 0 : i32
      %dma_wait3A_95 = arith.constant 0 : i32
      %dma_wait3A_96 = tpu.memref_slice %dma_wait3A_93[%dma_wait3A_94, %dma_wait3A_95] : memref<50048x32xf32, #tpu.memory_space<hbm>> -> memref<50048x32xf32, #tpu.memory_space<hbm>>
      tpu.wait_indirect_dma semaphore(%arg17 : memref<!tpu.dma_semaphore, #tpu.memory_space<semaphore_mem>>) src(%dma_wait3A_96 : memref<50048x32xf32, #tpu.memory_space<hbm>>) dst(%arg13 : memref<256x32xf32, #tpu.memory_space<vmem>>)
      %dma_start3A_97 = arith.constant 0 : i32
      %dma_start3A_98 = arith.constant 0 : i32
      %dma_start3A_99 = arith.constant 0 : i32
      %dma_start3A_100 = tpu.memref_slice %arg12[%dma_start3A_97, %dma_start3A_98, %dma_start3A_99] : memref<2x2x256xi32, #tpu.memory_space<vmem>> -> memref<1x1x256xi32, #tpu.memory_space<vmem>>
      %dma_start3A_101 = tpu.memref_squeeze %dma_start3A_100 : memref<1x1x256xi32, #tpu.memory_space<vmem>> -> memref<256xi32, #tpu.memory_space<vmem>>
      %dma_start3A_102 = arith.constant 0 : i32
      %dma_start3A_103 = arith.constant 0 : i32
      %dma_start3A_104 = tpu.memref_slice %arg9[%dma_start3A_102, %dma_start3A_103] : memref<50048x32xf32, #tpu.memory_space<vmem_shared>> -> memref<50048x32xf32, #tpu.memory_space<vmem_shared>>
      tpu.enqueue_indirect_dma source(%arg13 : memref<256x32xf32, #tpu.memory_space<vmem>>) target(%dma_start3A_104 : memref<50048x32xf32, #tpu.memory_space<vmem_shared>>) offsets(%dma_start3A_101 : memref<256xi32, #tpu.memory_space<vmem>>) semaphore(%arg20 : memref<!tpu.dma_semaphore, #tpu.memory_space<semaphore_mem>>) {add = true}
      %dma_wait3A_105 = arith.constant 0 : i32
      %dma_wait3A_106 = arith.constant 1 : i32
      %dma_wait3A_107 = arith.constant 0 : i32
      %dma_wait3A_108 = tpu.memref_slice %arg11[%dma_wait3A_105, %dma_wait3A_106, %dma_wait3A_107] : memref<2x2x256xi32, #tpu.memory_space<vmem>> -> memref<1x1x256xi32, #tpu.memory_space<vmem>>
      %dma_wait3A_109 = tpu.memref_squeeze %dma_wait3A_108 : memref<1x1x256xi32, #tpu.memory_space<vmem>> -> memref<256xi32, #tpu.memory_space<vmem>>
      %dma_wait3A_110 = arith.constant 0 : i32
      %dma_wait3A_111 = arith.constant 0 : i32
      %dma_wait3A_112 = tpu.memref_slice %arg2[%arg0, %dma_wait3A_110, %dma_wait3A_111] : memref<2x50048x32xf32, #tpu.memory_space<hbm>> -> memref<1x50048x32xf32, #tpu.memory_space<hbm>>
      %dma_wait3A_113 = tpu.memref_squeeze %dma_wait3A_112 : memref<1x50048x32xf32, #tpu.memory_space<hbm>> -> memref<50048x32xf32, #tpu.memory_space<hbm>>
      %dma_wait3A_114 = arith.constant 0 : i32
      %dma_wait3A_115 = arith.constant 0 : i32
      %dma_wait3A_116 = tpu.memref_slice %dma_wait3A_113[%dma_wait3A_114, %dma_wait3A_115] : memref<50048x32xf32, #tpu.memory_space<hbm>> -> memref<50048x32xf32, #tpu.memory_space<hbm>>
      tpu.wait_indirect_dma semaphore(%arg18 : memref<!tpu.dma_semaphore, #tpu.memory_space<semaphore_mem>>) src(%dma_wait3A_116 : memref<50048x32xf32, #tpu.memory_space<hbm>>) dst(%arg14 : memref<256x32xf32, #tpu.memory_space<vmem>>)
      %dma_start3A_117 = arith.constant 0 : i32
      %dma_start3A_118 = arith.constant 1 : i32
      %dma_start3A_119 = arith.constant 0 : i32
      %dma_start3A_120 = tpu.memref_slice %arg12[%dma_start3A_117, %dma_start3A_118, %dma_start3A_119] : memref<2x2x256xi32, #tpu.memory_space<vmem>> -> memref<1x1x256xi32, #tpu.memory_space<vmem>>
      %dma_start3A_121 = tpu.memref_squeeze %dma_start3A_120 : memref<1x1x256xi32, #tpu.memory_space<vmem>> -> memref<256xi32, #tpu.memory_space<vmem>>
      %dma_start3A_122 = arith.constant 0 : i32
      %dma_start3A_123 = arith.constant 0 : i32
      %dma_start3A_124 = tpu.memref_slice %arg9[%dma_start3A_122, %dma_start3A_123] : memref<50048x32xf32, #tpu.memory_space<vmem_shared>> -> memref<50048x32xf32, #tpu.memory_space<vmem_shared>>
      tpu.enqueue_indirect_dma source(%arg14 : memref<256x32xf32, #tpu.memory_space<vmem>>) target(%dma_start3A_124 : memref<50048x32xf32, #tpu.memory_space<vmem_shared>>) offsets(%dma_start3A_121 : memref<256xi32, #tpu.memory_space<vmem>>) semaphore(%arg21 : memref<!tpu.dma_semaphore, #tpu.memory_space<semaphore_mem>>) {add = true}
      %mul3A_125 = arith.constant 2 : i32
      %mul3A_126 = arith.muli %scan3A_22, %mul3A_125 : i32
      %add3A_127 = arith.constant 1 : i32
      %add3A_128 = arith.addi %mul3A_126, %add3A_127 : i32
      %dma_wait3A_129 = arith.constant 0 : i32
      %dma_wait3A_130 = arith.constant 0 : i32
      %dma_wait3A_131 = tpu.memref_slice %arg5[%dma_wait3A_129, %dma_wait3A_130] : memref<3128x32xf32, #tpu.memory_space<hbm>> -> memref<256x32xf32, #tpu.memory_space<hbm>>
      %dma_wait3A_132 = arith.constant 0 : i32
      %dma_wait3A_133 = arith.constant 0 : i32
      %dma_wait3A_134 = tpu.memref_slice %arg5[%dma_wait3A_132, %dma_wait3A_133] : memref<3128x32xf32, #tpu.memory_space<hbm>> -> memref<256x32xf32, #tpu.memory_space<hbm>>
      tpu.wait_dma2 semaphore(%arg20 : memref<!tpu.dma_semaphore, #tpu.memory_space<semaphore_mem>>) src(%dma_wait3A_134 : memref<256x32xf32, #tpu.memory_space<hbm>>) dst(%arg13 : memref<256x32xf32, #tpu.memory_space<vmem>>)
      %dma_wait3A_135 = arith.constant 0 : i32
      %dma_wait3A_136 = arith.constant 0 : i32
      %dma_wait3A_137 = tpu.memref_slice %arg5[%dma_wait3A_135, %dma_wait3A_136] : memref<3128x32xf32, #tpu.memory_space<hbm>> -> memref<256x32xf32, #tpu.memory_space<hbm>>
      %dma_wait3A_138 = arith.constant 0 : i32
      %dma_wait3A_139 = arith.constant 0 : i32
      %dma_wait3A_140 = tpu.memref_slice %arg5[%dma_wait3A_138, %dma_wait3A_139] : memref<3128x32xf32, #tpu.memory_space<hbm>> -> memref<256x32xf32, #tpu.memory_space<hbm>>
      tpu.wait_dma2 semaphore(%arg21 : memref<!tpu.dma_semaphore, #tpu.memory_space<semaphore_mem>>) src(%dma_wait3A_140 : memref<256x32xf32, #tpu.memory_space<hbm>>) dst(%arg14 : memref<256x32xf32, #tpu.memory_space<vmem>>)
      %dma_wait3A_141 = arith.constant 1 : i32
      %dma_wait3A_142 = arith.constant 0 : i32
      %dma_wait3A_143 = arith.constant 0 : i32
      %dma_wait3A_144 = tpu.memref_slice %arg11[%dma_wait3A_141, %dma_wait3A_142, %dma_wait3A_143] : memref<2x2x256xi32, #tpu.memory_space<vmem>> -> memref<1x2x256xi32, #tpu.memory_space<vmem>>
      %dma_wait3A_145 = tpu.memref_squeeze %dma_wait3A_144 : memref<1x2x256xi32, #tpu.memory_space<vmem>> -> memref<2x256xi32, #tpu.memory_space<vmem>>
      %dma_wait3A_146 = arith.constant 0 : i32
      %dma_wait3A_147 = tpu.memref_slice %arg3[%mul3A_2, %dma_wait3A_146] : memref<3200x256xi32, #tpu.memory_space<hbm>> -> memref<2x256xi32, #tpu.memory_space<hbm>>
      %dma_wait3A_148 = arith.constant 0 : i32
      %dma_wait3A_149 = arith.constant 0 : i32
      %dma_wait3A_150 = tpu.memref_slice %arg11[%dma_wait3A_141, %dma_wait3A_148, %dma_wait3A_149] : memref<2x2x256xi32, #tpu.memory_space<vmem>> -> memref<1x2x256xi32, #tpu.memory_space<vmem>>
      %dma_wait3A_151 = tpu.memref_squeeze %dma_wait3A_150 : memref<1x2x256xi32, #tpu.memory_space<vmem>> -> memref<2x256xi32, #tpu.memory_space<vmem>>
      %dma_wait3A_152 = arith.constant 0 : i32
      %dma_wait3A_153 = tpu.memref_slice %arg3[%mul3A_2, %dma_wait3A_152] : memref<3200x256xi32, #tpu.memory_space<hbm>> -> memref<2x256xi32, #tpu.memory_space<hbm>>
      tpu.wait_dma2 semaphore(%arg24 : memref<!tpu.dma_semaphore, #tpu.memory_space<semaphore_mem>>) src(%dma_wait3A_153 : memref<2x256xi32, #tpu.memory_space<hbm>>) dst(%dma_wait3A_151 : memref<2x256xi32, #tpu.memory_space<vmem>>)
      %dma_wait3A_154 = arith.constant 1 : i32
      %dma_wait3A_155 = arith.constant 0 : i32
      %dma_wait3A_156 = arith.constant 0 : i32
      %dma_wait3A_157 = tpu.memref_slice %arg11[%dma_wait3A_154, %dma_wait3A_155, %dma_wait3A_156] : memref<2x2x256xi32, #tpu.memory_space<vmem>> -> memref<1x2x256xi32, #tpu.memory_space<vmem>>
      %dma_wait3A_158 = tpu.memref_squeeze %dma_wait3A_157 : memref<1x2x256xi32, #tpu.memory_space<vmem>> -> memref<2x256xi32, #tpu.memory_space<vmem>>
      %dma_wait3A_159 = arith.constant 0 : i32
      %dma_wait3A_160 = tpu.memref_slice %arg3[%mul3A_2, %dma_wait3A_159] : memref<3200x256xi32, #tpu.memory_space<hbm>> -> memref<2x256xi32, #tpu.memory_space<hbm>>
      %dma_wait3A_161 = arith.constant 0 : i32
      %dma_wait3A_162 = arith.constant 0 : i32
      %dma_wait3A_163 = tpu.memref_slice %arg11[%dma_wait3A_154, %dma_wait3A_161, %dma_wait3A_162] : memref<2x2x256xi32, #tpu.memory_space<vmem>> -> memref<1x2x256xi32, #tpu.memory_space<vmem>>
      %dma_wait3A_164 = tpu.memref_squeeze %dma_wait3A_163 : memref<1x2x256xi32, #tpu.memory_space<vmem>> -> memref<2x256xi32, #tpu.memory_space<vmem>>
      %dma_wait3A_165 = arith.constant 0 : i32
      %dma_wait3A_166 = tpu.memref_slice %arg3[%mul3A_2, %dma_wait3A_165] : memref<3200x256xi32, #tpu.memory_space<hbm>> -> memref<2x256xi32, #tpu.memory_space<hbm>>
      tpu.wait_dma2 semaphore(%arg24 : memref<!tpu.dma_semaphore, #tpu.memory_space<semaphore_mem>>) src(%dma_wait3A_166 : memref<2x256xi32, #tpu.memory_space<hbm>>) dst(%dma_wait3A_164 : memref<2x256xi32, #tpu.memory_space<vmem>>)
      %lt3A = arith.constant 49 : i32
      %lt3A_167 = arith.cmpi slt, %scan3A_22, %lt3A : i32
      %convert_element_type3A_168 = arith.extui %lt3A_167 : i1 to i32
      %cond3A_169 = arith.constant 0 : i32
      %cond3A_170 = arith.cmpi ne, %convert_element_type3A_168, %cond3A_169 : i32
      scf.if %cond3A_170 {
        %add3A_235 = arith.constant 1 : i32
        %add3A_236 = arith.addi %add3A_128, %add3A_235 : i32
        %mul3A_237 = arith.constant 2 : i32
        %mul3A_238 = arith.muli %add3A_236, %mul3A_237 : i32
        %add3A_239 = arith.addi %mul3A_2, %mul3A_238 : i32
        %dma_start3A_240 = arith.constant 0 : i32
        %dma_start3A_241 = arith.constant 0 : i32
        %dma_start3A_242 = arith.constant 0 : i32
        %dma_start3A_243 = tpu.memref_slice %arg11[%dma_start3A_240, %dma_start3A_241, %dma_start3A_242] : memref<2x2x256xi32, #tpu.memory_space<vmem>> -> memref<1x2x256xi32, #tpu.memory_space<vmem>>
        %dma_start3A_244 = tpu.memref_squeeze %dma_start3A_243 : memref<1x2x256xi32, #tpu.memory_space<vmem>> -> memref<2x256xi32, #tpu.memory_space<vmem>>
        %dma_start3A_245 = arith.constant 0 : i32
        %dma_start3A_246 = tpu.memref_slice %arg3[%add3A_239, %dma_start3A_245] : memref<3200x256xi32, #tpu.memory_space<hbm>> -> memref<2x256xi32, #tpu.memory_space<hbm>>
        %dma_start3A_247 = arith.constant 0 : i32
        %dma_start3A_248 = arith.constant 0 : i32
        %dma_start3A_249 = tpu.memref_slice %arg11[%dma_start3A_240, %dma_start3A_247, %dma_start3A_248] : memref<2x2x256xi32, #tpu.memory_space<vmem>> -> memref<1x2x256xi32, #tpu.memory_space<vmem>>
        %dma_start3A_250 = tpu.memref_squeeze %dma_start3A_249 : memref<1x2x256xi32, #tpu.memory_space<vmem>> -> memref<2x256xi32, #tpu.memory_space<vmem>>
        %dma_start3A_251 = arith.constant 0 : i32
        %dma_start3A_252 = tpu.memref_slice %arg3[%add3A_239, %dma_start3A_251] : memref<3200x256xi32, #tpu.memory_space<hbm>> -> memref<2x256xi32, #tpu.memory_space<hbm>>
        tpu.enqueue_dma source(%dma_start3A_252 : memref<2x256xi32, #tpu.memory_space<hbm>>) target(%dma_start3A_250 : memref<2x256xi32, #tpu.memory_space<vmem>>) target_semaphore(%arg23 : memref<!tpu.dma_semaphore, #tpu.memory_space<semaphore_mem>>)
        %dma_start3A_253 = arith.constant 0 : i32
        %dma_start3A_254 = arith.constant 0 : i32
        %dma_start3A_255 = arith.constant 0 : i32
        %dma_start3A_256 = tpu.memref_slice %arg12[%dma_start3A_253, %dma_start3A_254, %dma_start3A_255] : memref<2x2x256xi32, #tpu.memory_space<vmem>> -> memref<1x2x256xi32, #tpu.memory_space<vmem>>
        %dma_start3A_257 = tpu.memref_squeeze %dma_start3A_256 : memref<1x2x256xi32, #tpu.memory_space<vmem>> -> memref<2x256xi32, #tpu.memory_space<vmem>>
        %dma_start3A_258 = arith.constant 0 : i32
        %dma_start3A_259 = tpu.memref_slice %arg4[%add3A_239, %dma_start3A_258] : memref<3200x256xi32, #tpu.memory_space<hbm>> -> memref<2x256xi32, #tpu.memory_space<hbm>>
        %dma_start3A_260 = arith.constant 0 : i32
        %dma_start3A_261 = arith.constant 0 : i32
        %dma_start3A_262 = tpu.memref_slice %arg12[%dma_start3A_253, %dma_start3A_260, %dma_start3A_261] : memref<2x2x256xi32, #tpu.memory_space<vmem>> -> memref<1x2x256xi32, #tpu.memory_space<vmem>>
        %dma_start3A_263 = tpu.memref_squeeze %dma_start3A_262 : memref<1x2x256xi32, #tpu.memory_space<vmem>> -> memref<2x256xi32, #tpu.memory_space<vmem>>
        %dma_start3A_264 = arith.constant 0 : i32
        %dma_start3A_265 = tpu.memref_slice %arg4[%add3A_239, %dma_start3A_264] : memref<3200x256xi32, #tpu.memory_space<hbm>> -> memref<2x256xi32, #tpu.memory_space<hbm>>
        tpu.enqueue_dma source(%dma_start3A_265 : memref<2x256xi32, #tpu.memory_space<hbm>>) target(%dma_start3A_263 : memref<2x256xi32, #tpu.memory_space<vmem>>) target_semaphore(%arg23 : memref<!tpu.dma_semaphore, #tpu.memory_space<semaphore_mem>>)
      } else {
      }
      %dma_start3A_171 = arith.constant 1 : i32
      %dma_start3A_172 = arith.constant 0 : i32
      %dma_start3A_173 = arith.constant 0 : i32
      %dma_start3A_174 = tpu.memref_slice %arg11[%dma_start3A_171, %dma_start3A_172, %dma_start3A_173] : memref<2x2x256xi32, #tpu.memory_space<vmem>> -> memref<1x1x256xi32, #tpu.memory_space<vmem>>
      %dma_start3A_175 = tpu.memref_squeeze %dma_start3A_174 : memref<1x1x256xi32, #tpu.memory_space<vmem>> -> memref<256xi32, #tpu.memory_space<vmem>>
      %dma_start3A_176 = arith.constant 0 : i32
      %dma_start3A_177 = arith.constant 0 : i32
      %dma_start3A_178 = tpu.memref_slice %arg2[%arg0, %dma_start3A_176, %dma_start3A_177] : memref<2x50048x32xf32, #tpu.memory_space<hbm>> -> memref<1x50048x32xf32, #tpu.memory_space<hbm>>
      %dma_start3A_179 = tpu.memref_squeeze %dma_start3A_178 : memref<1x50048x32xf32, #tpu.memory_space<hbm>> -> memref<50048x32xf32, #tpu.memory_space<hbm>>
      %dma_start3A_180 = arith.constant 0 : i32
      %dma_start3A_181 = arith.constant 0 : i32
      %dma_start3A_182 = tpu.memref_slice %dma_start3A_179[%dma_start3A_180, %dma_start3A_181] : memref<50048x32xf32, #tpu.memory_space<hbm>> -> memref<50048x32xf32, #tpu.memory_space<hbm>>
      tpu.enqueue_indirect_dma source(%dma_start3A_182 : memref<50048x32xf32, #tpu.memory_space<hbm>>) target(%arg13 : memref<256x32xf32, #tpu.memory_space<vmem>>) offsets(%dma_start3A_175 : memref<256xi32, #tpu.memory_space<vmem>>) semaphore(%arg17 : memref<!tpu.dma_semaphore, #tpu.memory_space<semaphore_mem>>)
      %dma_start3A_183 = arith.constant 1 : i32
      %dma_start3A_184 = arith.constant 1 : i32
      %dma_start3A_185 = arith.constant 0 : i32
      %dma_start3A_186 = tpu.memref_slice %arg11[%dma_start3A_183, %dma_start3A_184, %dma_start3A_185] : memref<2x2x256xi32, #tpu.memory_space<vmem>> -> memref<1x1x256xi32, #tpu.memory_space<vmem>>
      %dma_start3A_187 = tpu.memref_squeeze %dma_start3A_186 : memref<1x1x256xi32, #tpu.memory_space<vmem>> -> memref<256xi32, #tpu.memory_space<vmem>>
      %dma_start3A_188 = arith.constant 0 : i32
      %dma_start3A_189 = arith.constant 0 : i32
      %dma_start3A_190 = tpu.memref_slice %arg2[%arg0, %dma_start3A_188, %dma_start3A_189] : memref<2x50048x32xf32, #tpu.memory_space<hbm>> -> memref<1x50048x32xf32, #tpu.memory_space<hbm>>
      %dma_start3A_191 = tpu.memref_squeeze %dma_start3A_190 : memref<1x50048x32xf32, #tpu.memory_space<hbm>> -> memref<50048x32xf32, #tpu.memory_space<hbm>>
      %dma_start3A_192 = arith.constant 0 : i32
      %dma_start3A_193 = arith.constant 0 : i32
      %dma_start3A_194 = tpu.memref_slice %dma_start3A_191[%dma_start3A_192, %dma_start3A_193] : memref<50048x32xf32, #tpu.memory_space<hbm>> -> memref<50048x32xf32, #tpu.memory_space<hbm>>
      tpu.enqueue_indirect_dma source(%dma_start3A_194 : memref<50048x32xf32, #tpu.memory_space<hbm>>) target(%arg14 : memref<256x32xf32, #tpu.memory_space<vmem>>) offsets(%dma_start3A_187 : memref<256xi32, #tpu.memory_space<vmem>>) semaphore(%arg18 : memref<!tpu.dma_semaphore, #tpu.memory_space<semaphore_mem>>)
      %dma_wait3A_195 = arith.constant 1 : i32
      %dma_wait3A_196 = arith.constant 0 : i32
      %dma_wait3A_197 = arith.constant 0 : i32
      %dma_wait3A_198 = tpu.memref_slice %arg11[%dma_wait3A_195, %dma_wait3A_196, %dma_wait3A_197] : memref<2x2x256xi32, #tpu.memory_space<vmem>> -> memref<1x1x256xi32, #tpu.memory_space<vmem>>
      %dma_wait3A_199 = tpu.memref_squeeze %dma_wait3A_198 : memref<1x1x256xi32, #tpu.memory_space<vmem>> -> memref<256xi32, #tpu.memory_space<vmem>>
      %dma_wait3A_200 = arith.constant 0 : i32
      %dma_wait3A_201 = arith.constant 0 : i32
      %dma_wait3A_202 = tpu.memref_slice %arg2[%arg0, %dma_wait3A_200, %dma_wait3A_201] : memref<2x50048x32xf32, #tpu.memory_space<hbm>> -> memref<1x50048x32xf32, #tpu.memory_space<hbm>>
      %dma_wait3A_203 = tpu.memref_squeeze %dma_wait3A_202 : memref<1x50048x32xf32, #tpu.memory_space<hbm>> -> memref<50048x32xf32, #tpu.memory_space<hbm>>
      %dma_wait3A_204 = arith.constant 0 : i32
      %dma_wait3A_205 = arith.constant 0 : i32
      %dma_wait3A_206 = tpu.memref_slice %dma_wait3A_203[%dma_wait3A_204, %dma_wait3A_205] : memref<50048x32xf32, #tpu.memory_space<hbm>> -> memref<50048x32xf32, #tpu.memory_space<hbm>>
      tpu.wait_indirect_dma semaphore(%arg17 : memref<!tpu.dma_semaphore, #tpu.memory_space<semaphore_mem>>) src(%dma_wait3A_206 : memref<50048x32xf32, #tpu.memory_space<hbm>>) dst(%arg13 : memref<256x32xf32, #tpu.memory_space<vmem>>)
      %dma_start3A_207 = arith.constant 1 : i32
      %dma_start3A_208 = arith.constant 0 : i32
      %dma_start3A_209 = arith.constant 0 : i32
      %dma_start3A_210 = tpu.memref_slice %arg12[%dma_start3A_207, %dma_start3A_208, %dma_start3A_209] : memref<2x2x256xi32, #tpu.memory_space<vmem>> -> memref<1x1x256xi32, #tpu.memory_space<vmem>>
      %dma_start3A_211 = tpu.memref_squeeze %dma_start3A_210 : memref<1x1x256xi32, #tpu.memory_space<vmem>> -> memref<256xi32, #tpu.memory_space<vmem>>
      %dma_start3A_212 = arith.constant 0 : i32
      %dma_start3A_213 = arith.constant 0 : i32
      %dma_start3A_214 = tpu.memref_slice %arg9[%dma_start3A_212, %dma_start3A_213] : memref<50048x32xf32, #tpu.memory_space<vmem_shared>> -> memref<50048x32xf32, #tpu.memory_space<vmem_shared>>
      tpu.enqueue_indirect_dma source(%arg13 : memref<256x32xf32, #tpu.memory_space<vmem>>) target(%dma_start3A_214 : memref<50048x32xf32, #tpu.memory_space<vmem_shared>>) offsets(%dma_start3A_211 : memref<256xi32, #tpu.memory_space<vmem>>) semaphore(%arg20 : memref<!tpu.dma_semaphore, #tpu.memory_space<semaphore_mem>>) {add = true}
      %dma_wait3A_215 = arith.constant 1 : i32
      %dma_wait3A_216 = arith.constant 1 : i32
      %dma_wait3A_217 = arith.constant 0 : i32
      %dma_wait3A_218 = tpu.memref_slice %arg11[%dma_wait3A_215, %dma_wait3A_216, %dma_wait3A_217] : memref<2x2x256xi32, #tpu.memory_space<vmem>> -> memref<1x1x256xi32, #tpu.memory_space<vmem>>
      %dma_wait3A_219 = tpu.memref_squeeze %dma_wait3A_218 : memref<1x1x256xi32, #tpu.memory_space<vmem>> -> memref<256xi32, #tpu.memory_space<vmem>>
      %dma_wait3A_220 = arith.constant 0 : i32
      %dma_wait3A_221 = arith.constant 0 : i32
      %dma_wait3A_222 = tpu.memref_slice %arg2[%arg0, %dma_wait3A_220, %dma_wait3A_221] : memref<2x50048x32xf32, #tpu.memory_space<hbm>> -> memref<1x50048x32xf32, #tpu.memory_space<hbm>>
      %dma_wait3A_223 = tpu.memref_squeeze %dma_wait3A_222 : memref<1x50048x32xf32, #tpu.memory_space<hbm>> -> memref<50048x32xf32, #tpu.memory_space<hbm>>
      %dma_wait3A_224 = arith.constant 0 : i32
      %dma_wait3A_225 = arith.constant 0 : i32
      %dma_wait3A_226 = tpu.memref_slice %dma_wait3A_223[%dma_wait3A_224, %dma_wait3A_225] : memref<50048x32xf32, #tpu.memory_space<hbm>> -> memref<50048x32xf32, #tpu.memory_space<hbm>>
      tpu.wait_indirect_dma semaphore(%arg18 : memref<!tpu.dma_semaphore, #tpu.memory_space<semaphore_mem>>) src(%dma_wait3A_226 : memref<50048x32xf32, #tpu.memory_space<hbm>>) dst(%arg14 : memref<256x32xf32, #tpu.memory_space<vmem>>)
      %dma_start3A_227 = arith.constant 1 : i32
      %dma_start3A_228 = arith.constant 1 : i32
      %dma_start3A_229 = arith.constant 0 : i32
      %dma_start3A_230 = tpu.memref_slice %arg12[%dma_start3A_227, %dma_start3A_228, %dma_start3A_229] : memref<2x2x256xi32, #tpu.memory_space<vmem>> -> memref<1x1x256xi32, #tpu.memory_space<vmem>>
      %dma_start3A_231 = tpu.memref_squeeze %dma_start3A_230 : memref<1x1x256xi32, #tpu.memory_space<vmem>> -> memref<256xi32, #tpu.memory_space<vmem>>
      %dma_start3A_232 = arith.constant 0 : i32
      %dma_start3A_233 = arith.constant 0 : i32
      %dma_start3A_234 = tpu.memref_slice %arg9[%dma_start3A_232, %dma_start3A_233] : memref<50048x32xf32, #tpu.memory_space<vmem_shared>> -> memref<50048x32xf32, #tpu.memory_space<vmem_shared>>
      tpu.enqueue_indirect_dma source(%arg14 : memref<256x32xf32, #tpu.memory_space<vmem>>) target(%dma_start3A_234 : memref<50048x32xf32, #tpu.memory_space<vmem_shared>>) offsets(%dma_start3A_231 : memref<256xi32, #tpu.memory_space<vmem>>) semaphore(%arg21 : memref<!tpu.dma_semaphore, #tpu.memory_space<semaphore_mem>>) {add = true}
    }
    %scan3A_8 = arith.constant 50 : i32
    %dma_wait3A = arith.constant 0 : i32
    %dma_wait3A_9 = arith.constant 0 : i32
    %dma_wait3A_10 = tpu.memref_slice %arg5[%dma_wait3A, %dma_wait3A_9] : memref<3128x32xf32, #tpu.memory_space<hbm>> -> memref<256x32xf32, #tpu.memory_space<hbm>>
    %dma_wait3A_11 = arith.constant 0 : i32
    %dma_wait3A_12 = arith.constant 0 : i32
    %dma_wait3A_13 = tpu.memref_slice %arg5[%dma_wait3A_11, %dma_wait3A_12] : memref<3128x32xf32, #tpu.memory_space<hbm>> -> memref<256x32xf32, #tpu.memory_space<hbm>>
    tpu.wait_dma2 semaphore(%arg20 : memref<!tpu.dma_semaphore, #tpu.memory_space<semaphore_mem>>) src(%dma_wait3A_13 : memref<256x32xf32, #tpu.memory_space<hbm>>) dst(%arg13 : memref<256x32xf32, #tpu.memory_space<vmem>>)
    %dma_wait3A_14 = arith.constant 0 : i32
    %dma_wait3A_15 = arith.constant 0 : i32
    %dma_wait3A_16 = tpu.memref_slice %arg5[%dma_wait3A_14, %dma_wait3A_15] : memref<3128x32xf32, #tpu.memory_space<hbm>> -> memref<256x32xf32, #tpu.memory_space<hbm>>
    %dma_wait3A_17 = arith.constant 0 : i32
    %dma_wait3A_18 = arith.constant 0 : i32
    %dma_wait3A_19 = tpu.memref_slice %arg5[%dma_wait3A_17, %dma_wait3A_18] : memref<3128x32xf32, #tpu.memory_space<hbm>> -> memref<256x32xf32, #tpu.memory_space<hbm>>
    tpu.wait_dma2 semaphore(%arg21 : memref<!tpu.dma_semaphore, #tpu.memory_space<semaphore_mem>>) src(%dma_wait3A_19 : memref<256x32xf32, #tpu.memory_space<hbm>>) dst(%arg14 : memref<256x32xf32, #tpu.memory_space<vmem>>)
    %barrier3A_20 = arith.constant 0 : index
    tpu.barrier barrier_id(%barrier3A_20)
    "tpu.region"() ({
      %run_scoped3A_22 = tpu.sem_alloc : memref<!tpu.dma_semaphore, #tpu.memory_space<semaphore_mem>>
      %dma_start3A = arith.constant 0 : i32
      %dma_start3A_23 = arith.constant 0 : i32
      %dma_start3A_24 = tpu.memref_slice %arg8[%arg0, %dma_start3A, %dma_start3A_23] : memref<2x50048x32xf32, #tpu.memory_space<hbm>> -> memref<1x50048x32xf32, #tpu.memory_space<hbm>>
      %dma_start3A_25 = tpu.memref_squeeze %dma_start3A_24 : memref<1x50048x32xf32, #tpu.memory_space<hbm>> -> memref<50048x32xf32, #tpu.memory_space<hbm>>
      %dma_start3A_26 = arith.constant 0 : i32
      %dma_start3A_27 = tpu.memref_slice %dma_start3A_25[%mul3A_0, %dma_start3A_26] : memref<50048x32xf32, #tpu.memory_space<hbm>> -> memref<3128x32xf32, #tpu.memory_space<hbm>>
      %dma_start3A_28 = arith.constant 0 : i32
      %dma_start3A_29 = tpu.memref_slice %arg9[%mul3A_0, %dma_start3A_28] : memref<50048x32xf32, #tpu.memory_space<vmem_shared>> -> memref<3128x32xf32, #tpu.memory_space<vmem_shared>>
      tpu.enqueue_dma source(%dma_start3A_29 : memref<3128x32xf32, #tpu.memory_space<vmem_shared>>) target(%dma_start3A_27 : memref<3128x32xf32, #tpu.memory_space<hbm>>) target_semaphore(%run_scoped3A_22 : memref<!tpu.dma_semaphore, #tpu.memory_space<semaphore_mem>>)
      %dma_wait3A_30 = arith.constant 0 : i32
      %dma_wait3A_31 = arith.constant 0 : i32
      %dma_wait3A_32 = tpu.memref_slice %arg8[%arg0, %dma_wait3A_30, %dma_wait3A_31] : memref<2x50048x32xf32, #tpu.memory_space<hbm>> -> memref<1x50048x32xf32, #tpu.memory_space<hbm>>
      %dma_wait3A_33 = tpu.memref_squeeze %dma_wait3A_32 : memref<1x50048x32xf32, #tpu.memory_space<hbm>> -> memref<50048x32xf32, #tpu.memory_space<hbm>>
      %dma_wait3A_34 = arith.constant 0 : i32
      %dma_wait3A_35 = tpu.memref_slice %dma_wait3A_33[%mul3A_0, %dma_wait3A_34] : memref<50048x32xf32, #tpu.memory_space<hbm>> -> memref<3128x32xf32, #tpu.memory_space<hbm>>
      %dma_wait3A_36 = arith.constant 0 : i32
      %dma_wait3A_37 = tpu.memref_slice %arg9[%mul3A_0, %dma_wait3A_36] : memref<50048x32xf32, #tpu.memory_space<vmem_shared>> -> memref<3128x32xf32, #tpu.memory_space<vmem_shared>>
      tpu.wait_dma2 semaphore(%run_scoped3A_22 : memref<!tpu.dma_semaphore, #tpu.memory_space<semaphore_mem>>) src(%dma_wait3A_37 : memref<3128x32xf32, #tpu.memory_space<vmem_shared>>) dst(%dma_wait3A_35 : memref<3128x32xf32, #tpu.memory_space<hbm>>)
      tpu.yield
    }) : () -> ()
    %barrier3A_21 = arith.constant 0 : index
    tpu.barrier barrier_id(%barrier3A_21)
    return
  }
}

module attributes {stable_mosaic.version = 14 : i64} {
  func.func @body(%arg0: i32, %arg1: memref<1000x128xf32, #tpu.memory_space<vmem>>, %arg2: memref<128x64xf32, #tpu.memory_space<vmem>>, %arg3: memref<1x64xf32, #tpu.memory_space<vmem>>, %arg4: memref<1000x64xf32, #tpu.memory_space<vmem>>, %arg5: memref<2x1000x32xf32, #tpu.memory_space<vmem>>, %arg6: memref<2x1000x32xf32, #tpu.memory_space<vmem>>) attributes {dimension_semantics = [#tpu.dimension_semantics<arbitrary>], iteration_bounds = array<i64: 50>, scalar_prefetch = 0 : i64, scratch_operands = 0 : i64, tpu.core_type = #tpu.core_type<tc>, window_params = [{transform_indices = @transform_0, window_bounds = array<i64: 1000, 128>}, {pipeline_mode = #tpu.pipeline_mode<synchronous>, transform_indices = @transform_1, window_bounds = array<i64: 128, 64>}, {pipeline_mode = #tpu.pipeline_mode<synchronous>, transform_indices = @transform_2, window_bounds = array<i64: 1, 64>}, {transform_indices = @transform_3, window_bounds = array<i64: 1000, 64>}, {transform_indices = @transform_4, window_bounds = array<i64: 2, 1000, 32>}, {transform_indices = @transform_5, window_bounds = array<i64: 2, 1000, 32>}]} {
    %get3A = arith.constant 0 : index
    %get3A_0 = arith.constant 0 : index
    %get3A_1 = vector.load %arg1[%get3A, %get3A_0] : memref<1000x128xf32, #tpu.memory_space<vmem>>, vector<1000x128xf32>
    %get3A_2 = arith.constant 0 : index
    %get3A_3 = arith.constant 0 : index
    %get3A_4 = vector.load %arg2[%get3A_2, %get3A_3] : memref<128x64xf32, #tpu.memory_space<vmem>>, vector<128x64xf32>
    %dot_general3A = arith.constant dense<0.000000e+00> : vector<1000x64xf32>
    %dot_general3A_5 = tpu.matmul %get3A_1, %get3A_4, %dot_general3A {dimension_numbers = #tpu.dot_dimension_numbers<[1], [0], [0], [1], [0, 0, 1, 1], [], []>, transpose_lhs_hint = false} : vector<1000x128xf32>, vector<128x64xf32>, vector<1000x64xf32> -> vector<1000x64xf32>
    %get3A_6 = arith.constant 0 : index
    %get3A_7 = arith.constant 0 : index
    %get3A_8 = vector.load %arg3[%get3A_6, %get3A_7] : memref<1x64xf32, #tpu.memory_space<vmem>>, vector<1x64xf32>
    %add3A = vector.broadcast %get3A_8 : vector<1x64xf32> to vector<1000x64xf32>
    %add3A_9 = arith.addf %dot_general3A_5, %add3A : vector<1000x64xf32>
    %slice3A = vector.extract_strided_slice %add3A_9 {offsets = [0, 0], sizes = [1000, 32], strides = [1, 1]} : vector<1000x64xf32> to vector<1000x32xf32>
    %swap3A = arith.constant 0 : index
    %swap3A_10 = arith.constant 0 : index
    %swap3A_11 = arith.constant 0 : index
    %swap3A_12 = vector.load %arg5[%swap3A, %swap3A_10, %swap3A_11] : memref<2x1000x32xf32, #tpu.memory_space<vmem>>, vector<1x1000x32xf32>
    %swap3A_13 = vector.shape_cast %swap3A_12 : vector<1x1000x32xf32> to vector<1000x32xf32>
    %swap3A_14 = vector.shape_cast %slice3A : vector<1000x32xf32> to vector<1x1000x32xf32>
    tpu.vector_store %arg5[%swap3A, %swap3A_10, %swap3A_11], %swap3A_14 {strides = array<i32>} : memref<2x1000x32xf32, #tpu.memory_space<vmem>>, vector<1x1000x32xf32>,
    %slice3A_15 = vector.extract_strided_slice %add3A_9 {offsets = [0, 32], sizes = [1000, 32], strides = [1, 1]} : vector<1000x64xf32> to vector<1000x32xf32>
    %swap3A_16 = arith.constant 1 : index
    %swap3A_17 = arith.constant 0 : index
    %swap3A_18 = arith.constant 0 : index
    %swap3A_19 = vector.load %arg5[%swap3A_16, %swap3A_17, %swap3A_18] : memref<2x1000x32xf32, #tpu.memory_space<vmem>>, vector<1x1000x32xf32>
    %swap3A_20 = vector.shape_cast %swap3A_19 : vector<1x1000x32xf32> to vector<1000x32xf32>
    %swap3A_21 = vector.shape_cast %slice3A_15 : vector<1000x32xf32> to vector<1x1000x32xf32>
    tpu.vector_store %arg5[%swap3A_16, %swap3A_17, %swap3A_18], %swap3A_21 {strides = array<i32>} : memref<2x1000x32xf32, #tpu.memory_space<vmem>>, vector<1x1000x32xf32>,
    %get3A_22 = arith.constant 0 : index
    %get3A_23 = arith.constant 0 : index
    %get3A_24 = vector.load %arg4[%get3A_22, %get3A_23] : memref<1000x64xf32, #tpu.memory_space<vmem>>, vector<1000x64xf32>
    %slice3A_25 = vector.extract_strided_slice %get3A_24 {offsets = [0, 0], sizes = [1000, 32], strides = [1, 1]} : vector<1000x64xf32> to vector<1000x32xf32>
    %swap3A_26 = arith.constant 0 : index
    %swap3A_27 = arith.constant 0 : index
    %swap3A_28 = arith.constant 0 : index
    %swap3A_29 = vector.load %arg6[%swap3A_26, %swap3A_27, %swap3A_28] : memref<2x1000x32xf32, #tpu.memory_space<vmem>>, vector<1x1000x32xf32>
    %swap3A_30 = vector.shape_cast %swap3A_29 : vector<1x1000x32xf32> to vector<1000x32xf32>
    %swap3A_31 = vector.shape_cast %slice3A_25 : vector<1000x32xf32> to vector<1x1000x32xf32>
    tpu.vector_store %arg6[%swap3A_26, %swap3A_27, %swap3A_28], %swap3A_31 {strides = array<i32>} : memref<2x1000x32xf32, #tpu.memory_space<vmem>>, vector<1x1000x32xf32>,
    %slice3A_32 = vector.extract_strided_slice %get3A_24 {offsets = [0, 32], sizes = [1000, 32], strides = [1, 1]} : vector<1000x64xf32> to vector<1000x32xf32>
    %swap3A_33 = arith.constant 1 : index
    %swap3A_34 = arith.constant 0 : index
    %swap3A_35 = arith.constant 0 : index
    %swap3A_36 = vector.load %arg6[%swap3A_33, %swap3A_34, %swap3A_35] : memref<2x1000x32xf32, #tpu.memory_space<vmem>>, vector<1x1000x32xf32>
    %swap3A_37 = vector.shape_cast %swap3A_36 : vector<1x1000x32xf32> to vector<1000x32xf32>
    %swap3A_38 = vector.shape_cast %slice3A_32 : vector<1000x32xf32> to vector<1x1000x32xf32>
    tpu.vector_store %arg6[%swap3A_33, %swap3A_34, %swap3A_35], %swap3A_38 {strides = array<i32>} : memref<2x1000x32xf32, #tpu.memory_space<vmem>>, vector<1x1000x32xf32>,
    return
  }
  func.func @transform_0(%arg0: i32) -> (i32, i32) {
    %c0_i32 = arith.constant 0 : i32
    %c0_i32_0 = arith.constant 0 : i32
    return %arg0, %c0_i32 : i32, i32
  }
  func.func @transform_1(%arg0: i32) -> (i32, i32) {
    %c0_i32 = arith.constant 0 : i32
    %c0_i32_0 = arith.constant 0 : i32
    %c0_i32_1 = arith.constant 0 : i32
    return %c0_i32, %c0_i32_0 : i32, i32
  }
  func.func @transform_2(%arg0: i32) -> (i32, i32) {
    %c0_i32 = arith.constant 0 : i32
    %c0_i32_0 = arith.constant 0 : i32
    %c0_i32_1 = arith.constant 0 : i32
    return %c0_i32, %c0_i32_0 : i32, i32
  }
  func.func @transform_3(%arg0: i32) -> (i32, i32) {
    %c0_i32 = arith.constant 0 : i32
    %c0_i32_0 = arith.constant 0 : i32
    return %arg0, %c0_i32 : i32, i32
  }
  func.func @transform_4(%arg0: i32) -> (i32, i32, i32) {
    %c0_i32 = arith.constant 0 : i32
    %c0_i32_0 = arith.constant 0 : i32
    %c0_i32_1 = arith.constant 0 : i32
    return %c0_i32, %arg0, %c0_i32_0 : i32, i32, i32
  }
  func.func @transform_5(%arg0: i32) -> (i32, i32, i32) {
    %c0_i32 = arith.constant 0 : i32
    %c0_i32_0 = arith.constant 0 : i32
    %c0_i32_1 = arith.constant 0 : i32
    return %c0_i32, %arg0, %c0_i32_0 : i32, i32, i32
  }
}

module attributes {stable_mosaic.version = 14 : i64} {
  func.func @body(%arg0: i32, %arg1: memref<2x1000x32xf32, #tpu.memory_space<vmem>>, %arg2: memref<2x1000x32xf32, #tpu.memory_space<vmem>>, %arg3: memref<1000x1xf32, #tpu.memory_space<vmem>>, %arg4: memref<1000x1xf32, #tpu.memory_space<vmem>>, %arg5: memref<2x1000x32xf32, #tpu.memory_space<vmem>>, %arg6: memref<2x1000x32xf32, #tpu.memory_space<vmem>>, %arg7: memref<64x64xf32, #tpu.memory_space<vmem>>, %arg8: memref<1x64xf32, #tpu.memory_space<vmem>>, %arg9: memref<64x64xf32, #tpu.memory_space<vmem>>, %arg10: memref<64x64xf32, #tpu.memory_space<vmem>>, %arg11: memref<1x64xf32, #tpu.memory_space<vmem>>, %arg12: memref<64x64xf32, #tpu.memory_space<vmem>>, %arg13: memref<1000x64xf32, #tpu.memory_space<vmem>>, %arg14: memref<2x1000x32xf32, #tpu.memory_space<vmem>>) attributes {dimension_semantics = [#tpu.dimension_semantics<arbitrary>], iteration_bounds = array<i64: 50>, scalar_prefetch = 0 : i64, scratch_operands = 0 : i64, tpu.core_type = #tpu.core_type<tc>, window_params = [{transform_indices = @transform_0, window_bounds = array<i64: 2, 1000, 32>}, {transform_indices = @transform_1, window_bounds = array<i64: 2, 1000, 32>}, {transform_indices = @transform_2, window_bounds = array<i64: 1000, 1>}, {transform_indices = @transform_3, window_bounds = array<i64: 1000, 1>}, {transform_indices = @transform_4, window_bounds = array<i64: 2, 1000, 32>}, {transform_indices = @transform_5, window_bounds = array<i64: 2, 1000, 32>}, {pipeline_mode = #tpu.pipeline_mode<synchronous>, transform_indices = @transform_6, window_bounds = array<i64: 64, 64>}, {pipeline_mode = #tpu.pipeline_mode<synchronous>, transform_indices = @transform_7, window_bounds = array<i64: 1, 64>}, {pipeline_mode = #tpu.pipeline_mode<synchronous>, transform_indices = @transform_8, window_bounds = array<i64: 64, 64>}, {pipeline_mode = #tpu.pipeline_mode<synchronous>, transform_indices = @transform_9, window_bounds = array<i64: 64, 64>}, {pipeline_mode = #tpu.pipeline_mode<synchronous>, transform_indices = @transform_10, window_bounds = array<i64: 1, 64>}, {pipeline_mode = #tpu.pipeline_mode<synchronous>, transform_indices = @transform_11, window_bounds = array<i64: 64, 64>}, {transform_indices = @transform_12, window_bounds = array<i64: 1000, 64>}, {transform_indices = @transform_13, window_bounds = array<i64: 2, 1000, 32>}]} {
    %get3A = arith.constant 0 : index
    %get3A_0 = arith.constant 0 : index
    %get3A_1 = arith.constant 0 : index
    %get3A_2 = vector.load %arg1[%get3A, %get3A_0, %get3A_1] : memref<2x1000x32xf32, #tpu.memory_space<vmem>>, vector<1x1000x32xf32>
    %get3A_3 = vector.shape_cast %get3A_2 : vector<1x1000x32xf32> to vector<1000x32xf32>
    %get3A_4 = arith.constant 1 : index
    %get3A_5 = arith.constant 0 : index
    %get3A_6 = arith.constant 0 : index
    %get3A_7 = vector.load %arg1[%get3A_4, %get3A_5, %get3A_6] : memref<2x1000x32xf32, #tpu.memory_space<vmem>>, vector<1x1000x32xf32>
    %get3A_8 = vector.shape_cast %get3A_7 : vector<1x1000x32xf32> to vector<1000x32xf32>
    %concatenate3A = tpu.concatenate %get3A_3, %get3A_8 in 1 : vector<1000x32xf32>, vector<1000x32xf32> -> vector<1000x64xf32>
    %get3A_9 = arith.constant 0 : index
    %get3A_10 = arith.constant 0 : index
    %get3A_11 = vector.load %arg3[%get3A_9, %get3A_10] : memref<1000x1xf32, #tpu.memory_space<vmem>>, vector<1000x1xf32>
    %max3A = arith.constant 1.000000e+00 : f32
    %max3A_12 = vector.broadcast %max3A : f32 to vector<1000x1xf32>
    %max3A_13 = arith.maximumf %get3A_11, %max3A_12 : vector<1000x1xf32>
    %div3A = vector.broadcast %max3A_13 : vector<1000x1xf32> to vector<1000x64xf32>
    %div3A_14 = arith.divf %concatenate3A, %div3A : vector<1000x64xf32>
    %get3A_15 = arith.constant 0 : index
    %get3A_16 = arith.constant 0 : index
    %get3A_17 = arith.constant 0 : index
    %get3A_18 = vector.load %arg6[%get3A_15, %get3A_16, %get3A_17] : memref<2x1000x32xf32, #tpu.memory_space<vmem>>, vector<1x1000x32xf32>
    %get3A_19 = vector.shape_cast %get3A_18 : vector<1x1000x32xf32> to vector<1000x32xf32>
    %get3A_20 = arith.constant 1 : index
    %get3A_21 = arith.constant 0 : index
    %get3A_22 = arith.constant 0 : index
    %get3A_23 = vector.load %arg6[%get3A_20, %get3A_21, %get3A_22] : memref<2x1000x32xf32, #tpu.memory_space<vmem>>, vector<1x1000x32xf32>
    %get3A_24 = vector.shape_cast %get3A_23 : vector<1x1000x32xf32> to vector<1000x32xf32>
    %concatenate3A_25 = tpu.concatenate %get3A_19, %get3A_24 in 1 : vector<1000x32xf32>, vector<1000x32xf32> -> vector<1000x64xf32>
    %get3A_26 = arith.constant 0 : index
    %get3A_27 = arith.constant 0 : index
    %get3A_28 = vector.load %arg7[%get3A_26, %get3A_27] : memref<64x64xf32, #tpu.memory_space<vmem>>, vector<64x64xf32>
    %dot_general3A = arith.constant dense<0.000000e+00> : vector<1000x64xf32>
    %dot_general3A_29 = tpu.matmul %div3A_14, %get3A_28, %dot_general3A {dimension_numbers = #tpu.dot_dimension_numbers<[1], [0], [0], [1], [0, 0, 1, 1], [], []>, transpose_lhs_hint = false} : vector<1000x64xf32>, vector<64x64xf32>, vector<1000x64xf32> -> vector<1000x64xf32>
    %get3A_30 = arith.constant 0 : index
    %get3A_31 = arith.constant 0 : index
    %get3A_32 = vector.load %arg8[%get3A_30, %get3A_31] : memref<1x64xf32, #tpu.memory_space<vmem>>, vector<1x64xf32>
    %add3A = vector.broadcast %get3A_32 : vector<1x64xf32> to vector<1000x64xf32>
    %add3A_33 = arith.addf %dot_general3A_29, %add3A : vector<1000x64xf32>
    %get3A_34 = arith.constant 0 : index
    %get3A_35 = arith.constant 0 : index
    %get3A_36 = vector.load %arg9[%get3A_34, %get3A_35] : memref<64x64xf32, #tpu.memory_space<vmem>>, vector<64x64xf32>
    %dot_general3A_37 = arith.constant dense<0.000000e+00> : vector<1000x64xf32>
    %dot_general3A_38 = tpu.matmul %concatenate3A_25, %get3A_36, %dot_general3A_37 {dimension_numbers = #tpu.dot_dimension_numbers<[1], [0], [0], [1], [0, 0, 1, 1], [], []>, transpose_lhs_hint = false} : vector<1000x64xf32>, vector<64x64xf32>, vector<1000x64xf32> -> vector<1000x64xf32>
    %add3A_39 = arith.addf %add3A_33, %dot_general3A_38 : vector<1000x64xf32>
    %max3A_40 = arith.constant 0.000000e+00 : f32
    %max3A_41 = vector.broadcast %max3A_40 : f32 to vector<1000x64xf32>
    %max3A_42 = arith.maximumf %add3A_39, %max3A_41 : vector<1000x64xf32>
    %swap3A = arith.constant 0 : index
    %swap3A_43 = arith.constant 0 : index
    %swap3A_44 = vector.load %arg13[%swap3A, %swap3A_43] : memref<1000x64xf32, #tpu.memory_space<vmem>>, vector<1000x64xf32>
    tpu.vector_store %arg13[%swap3A, %swap3A_43], %max3A_42 {strides = array<i32>} : memref<1000x64xf32, #tpu.memory_space<vmem>>, vector<1000x64xf32>,
    %get3A_45 = arith.constant 0 : index
    %get3A_46 = arith.constant 0 : index
    %get3A_47 = arith.constant 0 : index
    %get3A_48 = vector.load %arg2[%get3A_45, %get3A_46, %get3A_47] : memref<2x1000x32xf32, #tpu.memory_space<vmem>>, vector<1x1000x32xf32>
    %get3A_49 = vector.shape_cast %get3A_48 : vector<1x1000x32xf32> to vector<1000x32xf32>
    %get3A_50 = arith.constant 1 : index
    %get3A_51 = arith.constant 0 : index
    %get3A_52 = arith.constant 0 : index
    %get3A_53 = vector.load %arg2[%get3A_50, %get3A_51, %get3A_52] : memref<2x1000x32xf32, #tpu.memory_space<vmem>>, vector<1x1000x32xf32>
    %get3A_54 = vector.shape_cast %get3A_53 : vector<1x1000x32xf32> to vector<1000x32xf32>
    %concatenate3A_55 = tpu.concatenate %get3A_49, %get3A_54 in 1 : vector<1000x32xf32>, vector<1000x32xf32> -> vector<1000x64xf32>
    %get3A_56 = arith.constant 0 : index
    %get3A_57 = arith.constant 0 : index
    %get3A_58 = vector.load %arg4[%get3A_56, %get3A_57] : memref<1000x1xf32, #tpu.memory_space<vmem>>, vector<1000x1xf32>
    %max3A_59 = arith.constant 1.000000e+00 : f32
    %max3A_60 = vector.broadcast %max3A_59 : f32 to vector<1000x1xf32>
    %max3A_61 = arith.maximumf %get3A_58, %max3A_60 : vector<1000x1xf32>
    %div3A_62 = vector.broadcast %max3A_61 : vector<1000x1xf32> to vector<1000x64xf32>
    %div3A_63 = arith.divf %concatenate3A_55, %div3A_62 : vector<1000x64xf32>
    %get3A_64 = arith.constant 0 : index
    %get3A_65 = arith.constant 0 : index
    %get3A_66 = arith.constant 0 : index
    %get3A_67 = vector.load %arg5[%get3A_64, %get3A_65, %get3A_66] : memref<2x1000x32xf32, #tpu.memory_space<vmem>>, vector<1x1000x32xf32>
    %get3A_68 = vector.shape_cast %get3A_67 : vector<1x1000x32xf32> to vector<1000x32xf32>
    %get3A_69 = arith.constant 1 : index
    %get3A_70 = arith.constant 0 : index
    %get3A_71 = arith.constant 0 : index
    %get3A_72 = vector.load %arg5[%get3A_69, %get3A_70, %get3A_71] : memref<2x1000x32xf32, #tpu.memory_space<vmem>>, vector<1x1000x32xf32>
    %get3A_73 = vector.shape_cast %get3A_72 : vector<1x1000x32xf32> to vector<1000x32xf32>
    %concatenate3A_74 = tpu.concatenate %get3A_68, %get3A_73 in 1 : vector<1000x32xf32>, vector<1000x32xf32> -> vector<1000x64xf32>
    %get3A_75 = arith.constant 0 : index
    %get3A_76 = arith.constant 0 : index
    %get3A_77 = vector.load %arg10[%get3A_75, %get3A_76] : memref<64x64xf32, #tpu.memory_space<vmem>>, vector<64x64xf32>
    %dot_general3A_78 = arith.constant dense<0.000000e+00> : vector<1000x64xf32>
    %dot_general3A_79 = tpu.matmul %div3A_63, %get3A_77, %dot_general3A_78 {dimension_numbers = #tpu.dot_dimension_numbers<[1], [0], [0], [1], [0, 0, 1, 1], [], []>, transpose_lhs_hint = false} : vector<1000x64xf32>, vector<64x64xf32>, vector<1000x64xf32> -> vector<1000x64xf32>
    %get3A_80 = arith.constant 0 : index
    %get3A_81 = arith.constant 0 : index
    %get3A_82 = vector.load %arg11[%get3A_80, %get3A_81] : memref<1x64xf32, #tpu.memory_space<vmem>>, vector<1x64xf32>
    %add3A_83 = vector.broadcast %get3A_82 : vector<1x64xf32> to vector<1000x64xf32>
    %add3A_84 = arith.addf %dot_general3A_79, %add3A_83 : vector<1000x64xf32>
    %get3A_85 = arith.constant 0 : index
    %get3A_86 = arith.constant 0 : index
    %get3A_87 = vector.load %arg12[%get3A_85, %get3A_86] : memref<64x64xf32, #tpu.memory_space<vmem>>, vector<64x64xf32>
    %dot_general3A_88 = arith.constant dense<0.000000e+00> : vector<1000x64xf32>
    %dot_general3A_89 = tpu.matmul %concatenate3A_74, %get3A_87, %dot_general3A_88 {dimension_numbers = #tpu.dot_dimension_numbers<[1], [0], [0], [1], [0, 0, 1, 1], [], []>, transpose_lhs_hint = false} : vector<1000x64xf32>, vector<64x64xf32>, vector<1000x64xf32> -> vector<1000x64xf32>
    %add3A_90 = arith.addf %add3A_84, %dot_general3A_89 : vector<1000x64xf32>
    %max3A_91 = arith.constant 0.000000e+00 : f32
    %max3A_92 = vector.broadcast %max3A_91 : f32 to vector<1000x64xf32>
    %max3A_93 = arith.maximumf %add3A_90, %max3A_92 : vector<1000x64xf32>
    %slice3A = vector.extract_strided_slice %max3A_93 {offsets = [0, 0], sizes = [1000, 32], strides = [1, 1]} : vector<1000x64xf32> to vector<1000x32xf32>
    %swap3A_94 = arith.constant 0 : index
    %swap3A_95 = arith.constant 0 : index
    %swap3A_96 = arith.constant 0 : index
    %swap3A_97 = vector.load %arg14[%swap3A_94, %swap3A_95, %swap3A_96] : memref<2x1000x32xf32, #tpu.memory_space<vmem>>, vector<1x1000x32xf32>
    %swap3A_98 = vector.shape_cast %swap3A_97 : vector<1x1000x32xf32> to vector<1000x32xf32>
    %swap3A_99 = vector.shape_cast %slice3A : vector<1000x32xf32> to vector<1x1000x32xf32>
    tpu.vector_store %arg14[%swap3A_94, %swap3A_95, %swap3A_96], %swap3A_99 {strides = array<i32>} : memref<2x1000x32xf32, #tpu.memory_space<vmem>>, vector<1x1000x32xf32>,
    %slice3A_100 = vector.extract_strided_slice %max3A_93 {offsets = [0, 32], sizes = [1000, 32], strides = [1, 1]} : vector<1000x64xf32> to vector<1000x32xf32>
    %swap3A_101 = arith.constant 1 : index
    %swap3A_102 = arith.constant 0 : index
    %swap3A_103 = arith.constant 0 : index
    %swap3A_104 = vector.load %arg14[%swap3A_101, %swap3A_102, %swap3A_103] : memref<2x1000x32xf32, #tpu.memory_space<vmem>>, vector<1x1000x32xf32>
    %swap3A_105 = vector.shape_cast %swap3A_104 : vector<1x1000x32xf32> to vector<1000x32xf32>
    %swap3A_106 = vector.shape_cast %slice3A_100 : vector<1000x32xf32> to vector<1x1000x32xf32>
    tpu.vector_store %arg14[%swap3A_101, %swap3A_102, %swap3A_103], %swap3A_106 {strides = array<i32>} : memref<2x1000x32xf32, #tpu.memory_space<vmem>>, vector<1x1000x32xf32>,
    return
  }
  func.func @transform_0(%arg0: i32) -> (i32, i32, i32) {
    %c0_i32 = arith.constant 0 : i32
    %c0_i32_0 = arith.constant 0 : i32
    %c0_i32_1 = arith.constant 0 : i32
    return %c0_i32, %arg0, %c0_i32_0 : i32, i32, i32
  }
  func.func @transform_1(%arg0: i32) -> (i32, i32, i32) {
    %c0_i32 = arith.constant 0 : i32
    %c0_i32_0 = arith.constant 0 : i32
    %c0_i32_1 = arith.constant 0 : i32
    return %c0_i32, %arg0, %c0_i32_0 : i32, i32, i32
  }
  func.func @transform_2(%arg0: i32) -> (i32, i32) {
    %c0_i32 = arith.constant 0 : i32
    %c0_i32_0 = arith.constant 0 : i32
    return %arg0, %c0_i32 : i32, i32
  }
  func.func @transform_3(%arg0: i32) -> (i32, i32) {
    %c0_i32 = arith.constant 0 : i32
    %c0_i32_0 = arith.constant 0 : i32
    return %arg0, %c0_i32 : i32, i32
  }
  func.func @transform_4(%arg0: i32) -> (i32, i32, i32) {
    %c0_i32 = arith.constant 0 : i32
    %c0_i32_0 = arith.constant 0 : i32
    %c0_i32_1 = arith.constant 0 : i32
    return %c0_i32, %arg0, %c0_i32_0 : i32, i32, i32
  }
  func.func @transform_5(%arg0: i32) -> (i32, i32, i32) {
    %c0_i32 = arith.constant 0 : i32
    %c0_i32_0 = arith.constant 0 : i32
    %c0_i32_1 = arith.constant 0 : i32
    return %c0_i32, %arg0, %c0_i32_0 : i32, i32, i32
  }
  func.func @transform_6(%arg0: i32) -> (i32, i32) {
    %c0_i32 = arith.constant 0 : i32
    %c0_i32_0 = arith.constant 0 : i32
    %c0_i32_1 = arith.constant 0 : i32
    return %c0_i32, %c0_i32_0 : i32, i32
  }
  func.func @transform_7(%arg0: i32) -> (i32, i32) {
    %c0_i32 = arith.constant 0 : i32
    %c0_i32_0 = arith.constant 0 : i32
    %c0_i32_1 = arith.constant 0 : i32
    return %c0_i32, %c0_i32_0 : i32, i32
  }
  func.func @transform_8(%arg0: i32) -> (i32, i32) {
    %c0_i32 = arith.constant 0 : i32
    %c0_i32_0 = arith.constant 0 : i32
    %c0_i32_1 = arith.constant 0 : i32
    return %c0_i32, %c0_i32_0 : i32, i32
  }
  func.func @transform_9(%arg0: i32) -> (i32, i32) {
    %c0_i32 = arith.constant 0 : i32
    %c0_i32_0 = arith.constant 0 : i32
    %c0_i32_1 = arith.constant 0 : i32
    return %c0_i32, %c0_i32_0 : i32, i32
  }
  func.func @transform_10(%arg0: i32) -> (i32, i32) {
    %c0_i32 = arith.constant 0 : i32
    %c0_i32_0 = arith.constant 0 : i32
    %c0_i32_1 = arith.constant 0 : i32
    return %c0_i32, %c0_i32_0 : i32, i32
  }
  func.func @transform_11(%arg0: i32) -> (i32, i32) {
    %c0_i32 = arith.constant 0 : i32
    %c0_i32_0 = arith.constant 0 : i32
    %c0_i32_1 = arith.constant 0 : i32
    return %c0_i32, %c0_i32_0 : i32, i32
  }
  func.func @transform_12(%arg0: i32) -> (i32, i32) {
    %c0_i32 = arith.constant 0 : i32
    %c0_i32_0 = arith.constant 0 : i32
    return %arg0, %c0_i32 : i32, i32
  }
  func.func @transform_13(%arg0: i32) -> (i32, i32, i32) {
    %c0_i32 = arith.constant 0 : i32
    %c0_i32_0 = arith.constant 0 : i32
    %c0_i32_1 = arith.constant 0 : i32
    return %c0_i32, %arg0, %c0_i32_0 : i32, i32, i32
  }
}

module attributes {stable_mosaic.version = 14 : i64} {
  func.func @body(%arg0: i32, %arg1: memref<2x1000x32xf32, #tpu.memory_space<vmem>>, %arg2: memref<1000x1xf32, #tpu.memory_space<vmem>>, %arg3: memref<1000x64xf32, #tpu.memory_space<vmem>>, %arg4: memref<64x64xf32, #tpu.memory_space<vmem>>, %arg5: memref<1x64xf32, #tpu.memory_space<vmem>>, %arg6: memref<64x64xf32, #tpu.memory_space<vmem>>, %arg7: memref<64x64xf32, #tpu.memory_space<vmem>>, %arg8: memref<1x64xf32, #tpu.memory_space<vmem>>, %arg9: memref<64x1xf32, #tpu.memory_space<vmem>>, %arg10: memref<1x1xf32, #tpu.memory_space<vmem>>, %arg11: memref<1000x1xf32, #tpu.memory_space<vmem>>) attributes {dimension_semantics = [#tpu.dimension_semantics<arbitrary>], iteration_bounds = array<i64: 50>, scalar_prefetch = 0 : i64, scratch_operands = 0 : i64, tpu.core_type = #tpu.core_type<tc>, window_params = [{transform_indices = @transform_0, window_bounds = array<i64: 2, 1000, 32>}, {transform_indices = @transform_1, window_bounds = array<i64: 1000, 1>}, {transform_indices = @transform_2, window_bounds = array<i64: 1000, 64>}, {pipeline_mode = #tpu.pipeline_mode<synchronous>, transform_indices = @transform_3, window_bounds = array<i64: 64, 64>}, {pipeline_mode = #tpu.pipeline_mode<synchronous>, transform_indices = @transform_4, window_bounds = array<i64: 1, 64>}, {pipeline_mode = #tpu.pipeline_mode<synchronous>, transform_indices = @transform_5, window_bounds = array<i64: 64, 64>}, {pipeline_mode = #tpu.pipeline_mode<synchronous>, transform_indices = @transform_6, window_bounds = array<i64: 64, 64>}, {pipeline_mode = #tpu.pipeline_mode<synchronous>, transform_indices = @transform_7, window_bounds = array<i64: 1, 64>}, {pipeline_mode = #tpu.pipeline_mode<synchronous>, transform_indices = @transform_8, window_bounds = array<i64: 64, 1>}, {pipeline_mode = #tpu.pipeline_mode<synchronous>, transform_indices = @transform_9, window_bounds = array<i64: 1, 1>}, {transform_indices = @transform_10, window_bounds = array<i64: 1000, 1>}]} {
    %get3A = arith.constant 0 : index
    %get3A_0 = arith.constant 0 : index
    %get3A_1 = arith.constant 0 : index
    %get3A_2 = vector.load %arg1[%get3A, %get3A_0, %get3A_1] : memref<2x1000x32xf32, #tpu.memory_space<vmem>>, vector<1x1000x32xf32>
    %get3A_3 = vector.shape_cast %get3A_2 : vector<1x1000x32xf32> to vector<1000x32xf32>
    %get3A_4 = arith.constant 1 : index
    %get3A_5 = arith.constant 0 : index
    %get3A_6 = arith.constant 0 : index
    %get3A_7 = vector.load %arg1[%get3A_4, %get3A_5, %get3A_6] : memref<2x1000x32xf32, #tpu.memory_space<vmem>>, vector<1x1000x32xf32>
    %get3A_8 = vector.shape_cast %get3A_7 : vector<1x1000x32xf32> to vector<1000x32xf32>
    %concatenate3A = tpu.concatenate %get3A_3, %get3A_8 in 1 : vector<1000x32xf32>, vector<1000x32xf32> -> vector<1000x64xf32>
    %get3A_9 = arith.constant 0 : index
    %get3A_10 = arith.constant 0 : index
    %get3A_11 = vector.load %arg2[%get3A_9, %get3A_10] : memref<1000x1xf32, #tpu.memory_space<vmem>>, vector<1000x1xf32>
    %max3A = arith.constant 1.000000e+00 : f32
    %max3A_12 = vector.broadcast %max3A : f32 to vector<1000x1xf32>
    %max3A_13 = arith.maximumf %get3A_11, %max3A_12 : vector<1000x1xf32>
    %div3A = vector.broadcast %max3A_13 : vector<1000x1xf32> to vector<1000x64xf32>
    %div3A_14 = arith.divf %concatenate3A, %div3A : vector<1000x64xf32>
    %get3A_15 = arith.constant 0 : index
    %get3A_16 = arith.constant 0 : index
    %get3A_17 = vector.load %arg4[%get3A_15, %get3A_16] : memref<64x64xf32, #tpu.memory_space<vmem>>, vector<64x64xf32>
    %dot_general3A = arith.constant dense<0.000000e+00> : vector<1000x64xf32>
    %dot_general3A_18 = tpu.matmul %div3A_14, %get3A_17, %dot_general3A {dimension_numbers = #tpu.dot_dimension_numbers<[1], [0], [0], [1], [0, 0, 1, 1], [], []>, transpose_lhs_hint = false} : vector<1000x64xf32>, vector<64x64xf32>, vector<1000x64xf32> -> vector<1000x64xf32>
    %get3A_19 = arith.constant 0 : index
    %get3A_20 = arith.constant 0 : index
    %get3A_21 = vector.load %arg5[%get3A_19, %get3A_20] : memref<1x64xf32, #tpu.memory_space<vmem>>, vector<1x64xf32>
    %add3A = vector.broadcast %get3A_21 : vector<1x64xf32> to vector<1000x64xf32>
    %add3A_22 = arith.addf %dot_general3A_18, %add3A : vector<1000x64xf32>
    %get3A_23 = arith.constant 0 : index
    %get3A_24 = arith.constant 0 : index
    %get3A_25 = vector.load %arg3[%get3A_23, %get3A_24] : memref<1000x64xf32, #tpu.memory_space<vmem>>, vector<1000x64xf32>
    %get3A_26 = arith.constant 0 : index
    %get3A_27 = arith.constant 0 : index
    %get3A_28 = vector.load %arg6[%get3A_26, %get3A_27] : memref<64x64xf32, #tpu.memory_space<vmem>>, vector<64x64xf32>
    %dot_general3A_29 = arith.constant dense<0.000000e+00> : vector<1000x64xf32>
    %dot_general3A_30 = tpu.matmul %get3A_25, %get3A_28, %dot_general3A_29 {dimension_numbers = #tpu.dot_dimension_numbers<[1], [0], [0], [1], [0, 0, 1, 1], [], []>, transpose_lhs_hint = false} : vector<1000x64xf32>, vector<64x64xf32>, vector<1000x64xf32> -> vector<1000x64xf32>
    %add3A_31 = arith.addf %add3A_22, %dot_general3A_30 : vector<1000x64xf32>
    %max3A_32 = arith.constant 0.000000e+00 : f32
    %max3A_33 = vector.broadcast %max3A_32 : f32 to vector<1000x64xf32>
    %max3A_34 = arith.maximumf %add3A_31, %max3A_33 : vector<1000x64xf32>
    %get3A_35 = arith.constant 0 : index
    %get3A_36 = arith.constant 0 : index
    %get3A_37 = vector.load %arg7[%get3A_35, %get3A_36] : memref<64x64xf32, #tpu.memory_space<vmem>>, vector<64x64xf32>
    %dot_general3A_38 = arith.constant dense<0.000000e+00> : vector<1000x64xf32>
    %dot_general3A_39 = tpu.matmul %max3A_34, %get3A_37, %dot_general3A_38 {dimension_numbers = #tpu.dot_dimension_numbers<[1], [0], [0], [1], [0, 0, 1, 1], [], []>, transpose_lhs_hint = false} : vector<1000x64xf32>, vector<64x64xf32>, vector<1000x64xf32> -> vector<1000x64xf32>
    %get3A_40 = arith.constant 0 : index
    %get3A_41 = arith.constant 0 : index
    %get3A_42 = vector.load %arg8[%get3A_40, %get3A_41] : memref<1x64xf32, #tpu.memory_space<vmem>>, vector<1x64xf32>
    %add3A_43 = vector.broadcast %get3A_42 : vector<1x64xf32> to vector<1000x64xf32>
    %add3A_44 = arith.addf %dot_general3A_39, %add3A_43 : vector<1000x64xf32>
    %max3A_45 = arith.constant 0.000000e+00 : f32
    %max3A_46 = vector.broadcast %max3A_45 : f32 to vector<1000x64xf32>
    %max3A_47 = arith.maximumf %add3A_44, %max3A_46 : vector<1000x64xf32>
    %get3A_48 = arith.constant 0 : index
    %get3A_49 = arith.constant 0 : index
    %get3A_50 = vector.load %arg9[%get3A_48, %get3A_49] : memref<64x1xf32, #tpu.memory_space<vmem>>, vector<64x1xf32>
    %dot_general3A_51 = arith.constant dense<0.000000e+00> : vector<1000x1xf32>
    %dot_general3A_52 = tpu.matmul %max3A_47, %get3A_50, %dot_general3A_51 {dimension_numbers = #tpu.dot_dimension_numbers<[1], [0], [0], [1], [0, 0, 1, 1], [], []>, transpose_lhs_hint = false} : vector<1000x64xf32>, vector<64x1xf32>, vector<1000x1xf32> -> vector<1000x1xf32>
    %get3A_53 = arith.constant 0 : index
    %get3A_54 = arith.constant 0 : index
    %get3A_55 = vector.load %arg10[%get3A_53, %get3A_54] : memref<1x1xf32, #tpu.memory_space<vmem>>, vector<1x1xf32>
    %add3A_56 = vector.broadcast %get3A_55 : vector<1x1xf32> to vector<1000x1xf32>
    %add3A_57 = arith.addf %dot_general3A_52, %add3A_56 : vector<1000x1xf32>
    %swap3A = arith.constant 0 : index
    %swap3A_58 = arith.constant 0 : index
    %swap3A_59 = vector.load %arg11[%swap3A, %swap3A_58] : memref<1000x1xf32, #tpu.memory_space<vmem>>, vector<1000x1xf32>
    tpu.vector_store %arg11[%swap3A, %swap3A_58], %add3A_57 {strides = array<i32>} : memref<1000x1xf32, #tpu.memory_space<vmem>>, vector<1000x1xf32>,
    return
  }
  func.func @transform_0(%arg0: i32) -> (i32, i32, i32) {
    %c0_i32 = arith.constant 0 : i32
    %c0_i32_0 = arith.constant 0 : i32
    %c0_i32_1 = arith.constant 0 : i32
    return %c0_i32, %arg0, %c0_i32_0 : i32, i32, i32
  }
  func.func @transform_1(%arg0: i32) -> (i32, i32) {
    %c0_i32 = arith.constant 0 : i32
    %c0_i32_0 = arith.constant 0 : i32
    return %arg0, %c0_i32 : i32, i32
  }
  func.func @transform_2(%arg0: i32) -> (i32, i32) {
    %c0_i32 = arith.constant 0 : i32
    %c0_i32_0 = arith.constant 0 : i32
    return %arg0, %c0_i32 : i32, i32
  }
  func.func @transform_3(%arg0: i32) -> (i32, i32) {
    %c0_i32 = arith.constant 0 : i32
    %c0_i32_0 = arith.constant 0 : i32
    %c0_i32_1 = arith.constant 0 : i32
    return %c0_i32, %c0_i32_0 : i32, i32
  }
  func.func @transform_4(%arg0: i32) -> (i32, i32) {
    %c0_i32 = arith.constant 0 : i32
    %c0_i32_0 = arith.constant 0 : i32
    %c0_i32_1 = arith.constant 0 : i32
    return %c0_i32, %c0_i32_0 : i32, i32
  }
  func.func @transform_5(%arg0: i32) -> (i32, i32) {
    %c0_i32 = arith.constant 0 : i32
    %c0_i32_0 = arith.constant 0 : i32
    %c0_i32_1 = arith.constant 0 : i32
    return %c0_i32, %c0_i32_0 : i32, i32
  }
  func.func @transform_6(%arg0: i32) -> (i32, i32) {
    %c0_i32 = arith.constant 0 : i32
    %c0_i32_0 = arith.constant 0 : i32
    %c0_i32_1 = arith.constant 0 : i32
    return %c0_i32, %c0_i32_0 : i32, i32
  }
  func.func @transform_7(%arg0: i32) -> (i32, i32) {
    %c0_i32 = arith.constant 0 : i32
    %c0_i32_0 = arith.constant 0 : i32
    %c0_i32_1 = arith.constant 0 : i32
    return %c0_i32, %c0_i32_0 : i32, i32
  }
  func.func @transform_8(%arg0: i32) -> (i32, i32) {
    %c0_i32 = arith.constant 0 : i32
    %c0_i32_0 = arith.constant 0 : i32
    %c0_i32_1 = arith.constant 0 : i32
    return %c0_i32, %c0_i32_0 : i32, i32
  }
  func.func @transform_9(%arg0: i32) -> (i32, i32) {
    %c0_i32 = arith.constant 0 : i32
    %c0_i32_0 = arith.constant 0 : i32
    %c0_i32_1 = arith.constant 0 : i32
    return %c0_i32, %c0_i32_0 : i32, i32
  }
  func.func @transform_10(%arg0: i32) -> (i32, i32) {
    %c0_i32 = arith.constant 0 : i32
    %c0_i32_0 = arith.constant 0 : i32
    return %arg0, %c0_i32 : i32, i32
  }
}

</mosaic_0001>

<sc_bundles>
// kernel: kernel.10.cloned.1.call-start
scs
__scs_entry_jumppad:
0x0: {  	(pc) =	sbr.rel $0x88, $3  }
0x1: {  	(tag) =	ssettag $0x0;
	lr =	simm.s32 $0x1  }
0x2: {  	[smem:$0x3F8F] =	sst lr;
	_ =	strace $0xD0000000  }
0x3: {  	_ = 	snop  }
0x4: {  	_ = 	snop  }
0x5: {  	_ = 	snop  }
0x6: {  	_ = 	snop  }
0x7: {  	_ = 	snop  }
__scs_overlays_trampoline_lowered:
0x8: {  	[smem:$0x3F9E] =	sst s0  }
0x9: {  	[smem:$0x3F9F] =	sst s1  }
0xa: {  	[smem:$0x3FA0] =	sst s2  }
0xb: {  	[smem:$0x3FA1] =	sst s3  }
0xc: {  	[smem:$0x3FA2] =	sst s4  }
0xd: {  	[smem:$0x3FA3] =	sst s5  }
0xe: {  	[smem:$0x3FA4] =	sst s6  }
0xf: {  	[smem:$0x3FA5] =	sst s7  }
0x10: {  	[smem:$0x3FA6] =	sst s8  }
0x11: {  	[smem:$0x3FA7] =	sst s9;
	s0 =	simm.s32 @!p0 $0x0  }
0x12: {  	s1 =	sld [smem:$0x3F8D];
	s0 =	simm.s32 @p0 $0x1  }
0x13: {  	[smem:$0x3FA8] =	sst s0;
	s0 =	simm.s32 @!p1 $0x0  }
0x14: {  	s2 =	sld [smem:$0x3F8C];
	s0 =	simm.s32 @p1 $0x1  }
0x15: {  	[smem:$0x3FA9] =	sst s0;
	s0 =	simm.s32 @!p2 $0x0  }
0x16: {  	s3 =	sld [smem:$0x3FDB];
	s0 =	simm.s32 @p2 $0x1  }
0x17: {  	s4 =	simm.s32 $0x1BF5;
	[smem:$0x3FAB] =	sst s0  }
0x18: {  	s0 =	sld [smem:$0x3F8E];
	_ =	swait.ge [sflag:s4], $0x0  }
0x19: {  	s7 =	sld [smem:$0x3F8F]  }
0x1a: {  	s8 =	sadd.s32 $0xFFFFE003, lr  }
0x1b: {  	s9 =	sadd.s32 $0xFFFFFEF7, lr;
	s5 =	simm.s32 $0xFFFFFFFF;
	p2 =	slt.u32 s8, $0xFFFFF086  }
0x1c: {  	p1 =	slt.u32 s9, $0xF7A;
	s5 =	simm.s32 @!p2 $0x0  }
0x1d: {  	s5 =	simm.s32 @p1 $0x1;
	p0 =	seq.s32 s7, s2  }
0x1e: {  	s7 =	smul.u32 @!p0 $0xF7A, s2;
	p2 =	seq.s32 @!p0 s5, $0x0  }
0x1f: {  	s9 =	smul.u32 $0xF7A, s1;
	s8 =	simm.s32 @!p0 $0x1BF5;
	p2 =	por !p2, p0  }
0x20: {  	[sflag:s8] =	ssyncset.s32 @!p0 $0xFFFFF086;
	s6 =	sadd.s32 @!p0 s3, s7;
	s7 =	simm.s32 @!p0 $0x108  }
0x21: {  	s3 =	sadd.s32 s3, s9;
	s6 =	sadd.s32 @!p0 $0x88, s6;
	s7 =	simm.s32 @p2 $0x1082  }
0x22: {  	[simem:s7], [sflag:s8] =	dma.local @!p0 [hbm:s6], $0xF7A  }
0x23: {  	s9 =	sor.u32 $0xD0000000, s2;
	s6 =	simm.s32 $0x108;
	_ =	swait.ge @!p0 [sflag:s8], $0x0  }
0x24: {  	s3 =	sadd.s32 $0x88, s3;
	s6 =	simm.s32 @!p1 $0x1082;
	[sflag:s4] =	ssyncset.s32 $0xFFFFF086  }
0x25: {  	[simem:s6], [sflag:s4] =	dma.local [hbm:s3], $0xF7A  }
0x26: {  	[smem:$0x3F8F] =	sst s1;
	(tag) =	ssettag s2;
	_ =	strace s9  }
0x27: {  	s1 =	sld [smem:$0x3F9F]  }
0x28: {  	s2 =	sld [smem:$0x3FA0]  }
0x29: {  	s4 =	sld [smem:$0x3FA2]  }
0x2a: {  	p0 =	seq.s32 s5, $0x0;
	s5 =	sld [smem:$0x3FA3]  }
0x2b: {  	s6 =	sld [smem:$0x3FA4]  }
0x2c: {  	s7 =	sld [smem:$0x3FA5]  }
0x2d: {  	s3 =	simm.s32 $0x108;
	s8 =	sld [smem:$0x3FA6]  }
0x2e: {  	s3 =	simm.s32 @!p0 $0x1082;
	s9 =	sld [smem:$0x3FA7]  }
0x2f: {  	lr =	sadd.s32 s0, s3;
	s0 =	sld [smem:$0x3F9E]  }
0x30: {  	s3 =	sld [smem:$0x3FA1]  }
0x31: {  	[smem:$0x3FAA] =	sst s10  }
0x32: {  	s10 =	sld [smem:$0x3FA8];
	_ =	sdelay $0x3  }
0x33: {  	p0 =	seq.s32 s10, $0x1;
	s10 =	sld [smem:$0x3FAA];
	_ =	sdelay $0x3  }
0x34: {  	[smem:$0x3FAA] =	sst s10  }
0x35: {  	s10 =	sld [smem:$0x3FA9];
	_ =	sdelay $0x3  }
0x36: {  	p1 =	seq.s32 s10, $0x1;
	s10 =	sld [smem:$0x3FAA];
	_ =	sdelay $0x3  }
0x37: {  	[smem:$0x3FAA] =	sst s10  }
0x38: {  	s10 =	sld [smem:$0x3FAB]  }
0x39: {  	_ = 	snop;
	(pc) =	sbr.ind lr, $3  }
0x3a: {  	_ = 	snop  }
0x3b: {  	_ = 	snop  }
0x3c: {  	p2 =	seq.s32 s10, $0x1;
	s10 =	sld [smem:$0x3FAA]  }
0x3d: {  	_ =	shalt  }
0x3e: {  	_ =	shalt  }
0x3f: {  	_ =	shalt  }
0x40: {  	_ =	shalt  }
0x41: {  	_ =	shalt  }
0x42: {  	_ =	shalt  }
0x43: {  	_ =	shalt  }
0x44: {  	_ =	shalt  }
0x45: {  	_ =	shalt  }
0x46: {  	_ =	shalt  }
0x47: {  	_ =	shalt  }
0x48: {  	_ =	shalt  }
0x49: {  	_ =	shalt  }
0x4a: {  	_ =	shalt  }
0x4b: {  	_ =	shalt  }
0x4c: {  	_ =	shalt  }
0x4d: {  	_ =	shalt  }
0x4e: {  	_ =	shalt  }
0x4f: {  	_ =	shalt  }
0x50: {  	_ =	shalt  }
0x51: {  	_ =	shalt  }
0x52: {  	_ =	shalt  }
0x53: {  	_ =	shalt  }
0x54: {  	_ =	shalt  }
0x55: {  	_ =	shalt  }
0x56: {  	_ =	shalt  }
0x57: {  	_ =	shalt  }
0x58: {  	_ =	shalt  }
0x59: {  	_ =	shalt  }
0x5a: {  	_ =	shalt  }
0x5b: {  	_ =	shalt  }
0x5c: {  	_ =	shalt  }
0x5d: {  	_ =	shalt  }
0x5e: {  	_ =	shalt  }
0x5f: {  	_ =	shalt  }
0x60: {  	_ =	shalt  }
0x61: {  	_ =	shalt  }
0x62: {  	_ =	shalt  }
0x63: {  	_ =	shalt  }
0x64: {  	_ =	shalt  }
0x65: {  	_ =	shalt  }
0x66: {  	_ =	shalt  }
0x67: {  	_ =	shalt  }
0x68: {  	_ =	shalt  }
0x69: {  	_ =	shalt  }
0x6a: {  	_ =	shalt  }
0x6b: {  	_ =	shalt  }
0x6c: {  	_ =	shalt  }
0x6d: {  	_ =	shalt  }
0x6e: {  	_ =	shalt  }
0x6f: {  	_ =	shalt  }
0x70: {  	_ =	shalt  }
0x71: {  	_ =	shalt  }
0x72: {  	_ =	shalt  }
0x73: {  	_ =	shalt  }
0x74: {  	_ =	shalt  }
0x75: {  	_ =	shalt  }
0x76: {  	_ =	shalt  }
0x77: {  	_ =	shalt  }
0x78: {  	_ =	shalt  }
0x79: {  	_ =	shalt  }
0x7a: {  	_ =	shalt  }
0x7b: {  	_ =	shalt  }
0x7c: {  	_ =	shalt  }
0x7d: {  	_ =	shalt  }
0x7e: {  	_ =	shalt  }
0x7f: {  	_ =	shalt  }
0x80: {  	_ =	shalt  }
0x81: {  	_ =	shalt  }
0x82: {  	_ =	shalt  }
0x83: {  	_ =	shalt  }
0x84: {  	_ =	shalt  }
0x85: {  	_ =	shalt  }
0x86: {  	_ =	shalt  }
0x87: {  	_ =	shalt  }
.Lfunc_end0:
.L_simem_size_0:
called_computation.1_lowered:
.L_overlay_start_0:
0x88: {  	s2 =	sld [smem:$0x3FD9]  }
0x89: {  	s3 =	sld [smem:$0x3FFE];
	_ =	sdelay $0x1  }
0x8a: {  	s1 =	srdreg.scid  }
0x8b: {  	s0 =	sand.u32 $0x1, s1  }
0x8c: {  	s16 =	sshll.u32 s0, $0xA;
	s2 =	sadd.s32 s3, s2  }
0x8d: {  	s2 =	sadd.s32 s2, s16  }
0x8e: {  	[smem:$0x3FB6] =	sst s2  }
0x8f: {  	_ = 	snop  }
0x90: {  	(tm) =	ssettm $0x1  }
0x91: {  	s17 =	sld [smem:$0x3FFB];
	_ =	sdelay $0x3  }
0x92: {  	_ =	strace s17  }
0x93: {  	s2 =	sld [smem:$0x3FFC];
	_ =	sdelay $0x3  }
0x94: {  	_ =	strace s2  }
0x95: {  	s2 =	sld [smem:$0x3FFD];
	_ =	sdelay $0x3  }
0x96: {  	_ =	strace s2  }
0x97: {  	_ =	strace $0x8FFFFFFF  }
0x98: {  	s18 =	sld [smem:$0x3FDB];
	_ =	sdelay $0x1  }
0x99: {  	s19 =	simm.s32 $_scs_section_size  }
0x9a: {  	s4 =	simm.s32 $_size__tile_overlayer_lowered;
	s5 =	simm.s32 $_tile_overlayer_lowered  }
0x9b: {  	s22 =	simm.s32 $0x1BFF;
	s21 =	sshll.u32 s5, $0x1;
	s2 =	sadd.s32 s19, s18  }
0x9c: {  	s6 =	simm.s32 $0x0;
	s20 =	sshll.u32 s4, $0x1;
	s4 =	sadd.s32 s21, s2  }
0x9d: {  	[timem:s6], [sflag:s22] =	dma.local [hbm:s4], s20  }
0x9e: {  	_ =	swait.ge [sflag:s22], s20  }
0x9f: {  	s3 =	ssub.s32 $0x0, s20;
	[sflag:s22] =	ssyncset.done $0x0  }
0xa0: {  	[sflag:s22] =	ssyncadd.s32 s3;
	_ =	sdelay $0x1  }
0xa1: {  	s23 =	simm.s32 $0x1B8B  }
0xa2: {  	_ =	swait.ge [sflag:s23], $0x1  }
0xa3: {  	[sflag:s23] =	ssyncset.done $0x0  }
0xa4: {  	s25 =	simm.s32 $0x1B8E;
	s24 =	sld [smem:$0x3FFE];
	[sflag:s23] =	ssyncadd.s32 $0xFFFFFFFF  }
0xa5: {  	s26 =	simm.s32 $execute0_lowered;
	[smem:$0x3FD2] =	sst s25  }
0xa6: {  	s4 =	sshll.u32 s26, $0x1;
	_ =	strace $0x80000049;
	[dreg:$0x1] =	wrdreg $0xFFFFFFFF  }
0xa7: {  	s28 =	simm.s32 $_size_execute0_lowered;
	s2 =	sadd.s32 s2, s4;
	[dreg:$0x0] =	wrdreg $0x0  }
0xa8: {  	s4 =	sshll.u32 s28, $0x1;
	[dreg:$0x2] =	wrdreg s2  }
0xa9: {  	[dreg:$0x3] =	wrdreg s4  }
0xaa: {  	[dreg:$0x4] =	wrdreg $0xC0  }
0xab: {  	_ =	task [dreg:s6], $0x5FFFF  }
0xac: {  	[dreg:$0x1] =	wrdreg $0xFFFFFFFF  }
0xad: {  	[dreg:$0x0] =	wrdreg $0x60  }
0xae: {  	[dreg:$0x2] =	wrdreg s24  }
0xaf: {  	[dreg:$0x3] =	wrdreg $0x0  }
0xb0: {  	[dreg:$0x4] =	wrdreg $0x9  }
0xb1: {  	_ =	task.clear_ibuf [dreg:s6], $0x5FFFF;
	_ =	strace $0x90000049  }
0xb2: {  	s29 =	simm.s32 $0x9;
	_ =	strace $0x8000004B  }
0xb3: {  	_ =	swait.ge [sflag:s29], $0x1  }
0xb4: {  	[sflag:s29] =	ssyncadd.s32 $0xFFFFFFFF  }
0xb5: {  	_ =	strace $0x9000004B  }
0xb6: {  	_ =	sfence  }
0xb7: {  	s30 =	sld [smem:$0x0];
	_ =	sdelay $0x2  }
0xb8: {  	s31 =	sshll.u32 s1, $0xD;
	s1 =	sshrl.u32 s1, $0x2  }
0xb9: {  	s3 =	sand.u32 $0x4000, s31;
	s1 =	sadd.s32 s1, s30  }
0xba: {  	s0 =	sor.u32 s3, s0;
	s1 =	sshll.u32 s1, $0x11  }
0xbb: {  	s0 =	sor.u32 s1, s0  }
0xbc: {  	s0 =	sadd.s32 $0x8F2B, s0  }
0xbd: {  	[sflag:s0] =	ssyncadd.remote.s32 $0x1  }
0xbe: {  	_ =	sfence.sel $0xFFFF  }
0xbf: {  	[dreg:$0x0] =	wrdreg $0xFFFFFFFF;
	(pc) =	sbr.abs _section_cstart, $3  }
0xc0: {  	[dreg:$0x1] =	wrdreg $0xFFFFFFFF  }
0xc1: {  	_ =	task.clear_ibuf [dreg:s6], $0x2FFFF;
	_ =	strace $0x9FFFFFFF  }
0xc2: {  	(tm) =	ssettm $0x7FFFFFFF  }
0xc3: {  	_ =	shalt  }
tec
execute0_lowered:
.L_overlay_start_1:
0x0: {  	(tag) =	ssettag $0x1  }
0x1: {  	s0 =	rddreg [dreg:$0x0]  }
0x2: {  	s2 =	rddreg [dreg:$0x1];
	s3 =	simm.s32 $0x0  }
0x3: {  	s1 =	stileid.u32;
	s4 =	srdreg.scid;
	s11 =	simm.s32 $0x7  }
0x4: {  	s14 =	simm.s32 $0x18700;
	s15 =	simm.s32 $0x18B00;
	s16 =	simm.s32 $0x18900  }
0x5: {  	s17 =	simm.s32 $0x18D00;
	s18 =	simm.s32 $0x100;
	s19 =	simm.s32 $0x18F00  }
0x6: {  	s20 =	simm.s32 $0x18800;
	s22 =	simm.s32 $0x18C00;
	s21 =	simm.s32 $0x1  }
0x7: {  	s23 =	simm.s32 $0x18A00;
	s31 =	simm.s32 $0x18E00;
	s25 =	simm.s32 $0x4  }
0x8: {  	s26 =	simm.s32 $0x6;
	s28 =	simm.s32 $0x0;
	s5 =	smul.u32 $0x1900, s1  }
0x9: {  	[smem:$0x7FF] =	sst s3;
	s4 =	sand.u32 $0x1, s4;
	s9 =	smul.u32 $0x18700, s1  }
0xa: {  	s12 =	sshll.u32 s1, $0x6;
	_ =	strace $0x8000004A;
	[dreg:$0x3] =	wrdreg s20  }
0xb: {  	s6 =	smul.u32 $0x30E00, s4;
	s8 =	ssub.s32 $0x2, s4;
	[dreg:$0x4] =	wrdreg s22  }
0xc: {  	s4 =	sadd.s32 $0x96E00, s0;
	s12 =	sor.u32 $0x1C07, s12;
	[dreg:$0x5] =	wrdreg s23  }
0xd: {  	s20 =	simm.s32 $0x1AF00;
	s22 =	simm.s32 $0x2;
	[dreg:$0x6] =	wrdreg s31  }
0xe: {  	s23 =	simm.s32 $0x3;
	s7 =	sadd.s32 s5, s0;
	s5 =	sadd.s32 $0x9A000, s0  }
0xf: {  	s10 =	sshrl.u32 s8, $0x1;
	s13 =	sadd.s32 s9, s2;
	s24 =	sshrl.u32 s9, $0x3  }
0x10: {  	s0 =	sadd.s32 s6, s0;
	s10 =	ssub.s32 s8, s10;
	s6 =	sadd.s32 $0x7DE00, s7  }
0x11: {  	s7 =	sadd.s32 $0x64E00, s7;
	s8 =	sadd.s32 $0x3200, s0;
	s0 =	sadd.s32 $0x9A200, s0  }
0x12: {  	s13 =	sshrl.u32 s13, $0x3;
	s9 =	smax.u32 s10, $0x1;
	s24 =	sadd.s32 s24, s0  }
.LBB2_1:
0x13: {  	s0 =	simm.s32 $0x1CF00  }
0x14: {  	[tilespmem:s0], [sflag:$0x7] =	stream.linear.gather [hbm4b:s5+s3], $0x100, $0x38;
	[tilespmem:$0x1D000] =	vst v63  }
0x15: {  	_ =	swait.ge [sflag:s11], $0x100  }
0x16: {  	[sflag:s11] =	ssyncset.done $0x0  }
0x17: {  	[sflag:s11] =	ssyncadd.s32 $0xFFFFFF00  }
0x18: {  	[spmem:s13], [sflag:s12] =	dma.local [hbm:s4], $0x30E0  }
0x19: {  	_ =	swait.ge [sflag:s11], $0x30E0  }
0x1a: {  	[sflag:s11] =	ssyncset.done $0x0  }
0x1b: {  	[sflag:s11] =	ssyncadd.s32 $0xFFFFCF20  }
0x1c: {  	[bflag:$0x0] =	sbarrier.arrive $0xFFFF  }
0x1d: {  	[tilespmem:s14], [sflag:$0x7] =	stream.linear.gather [hbm4b:s6+s3], $0x200, $0x38;
	[tilespmem:$0x1D000] =	vst v63  }
0x1e: {  	_ =	swait.ge [sflag:s11], $0x200  }
0x1f: {  	[sflag:s11] =	ssyncset.done $0x0  }
0x20: {  	[sflag:s11] =	ssyncadd.s32 $0xFFFFFE00  }
0x21: {  	[tilespmem:s15], [sflag:$0x7] =	stream.linear.gather [hbm4b:s7+s3], $0x200, $0x38;
	[tilespmem:$0x1D000] =	vst v63  }
0x22: {  	p0 =	por $0x1, $0x1;
	_ =	swait.ge [sflag:s11], $0x200  }
0x23: {  	p0 =	por p0, p0;
	[sflag:s11] =	ssyncset.done $0x0  }
0x24: {  	s0 =	simm.s32 @!p0 $0x3;
	[sflag:s11] =	ssyncadd.s32 $0xFFFFFE00  }
0x25: {  	_ =	swait.ge @!p0 [sflag:s0], $0x2000  }
0x26: {  	[sflag:s0] =	ssyncset.done @!p0 $0x0  }
0x27: {  	[sflag:s0] =	ssyncadd.s32 @!p0 $0xFFFFE000;
	s0 =	simm.s32 @!p0 $0x4  }
0x28: {  	_ =	swait.ge @!p0 [sflag:s0], $0x2000  }
0x29: {  	[sflag:s0] =	ssyncset.done @!p0 $0x0  }
0x2a: {  	[sflag:s0] =	ssyncadd.s32 @!p0 $0xFFFFE000;
	s0 =	simm.s32 @!p0 $0x5  }
0x2b: {  	_ =	swait.ge @!p0 [sflag:s0], $0x200  }
0x2c: {  	[sflag:s0] =	ssyncset.done @!p0 $0x0  }
0x2d: {  	[sflag:s0] =	ssyncadd.s32 @!p0 $0xFFFFFE00  }
0x2e: {  	_ =	swait.ge @!p0 [sflag:s0], $0x200  }
0x2f: {  	s29 =	sadd.s32 $0x0, s6;
	[sflag:s0] =	ssyncset.done @!p0 $0x0  }
0x30: {  	s10 =	sadd.s32 $0x40, s29;
	s29 =	sadd.s32 $0x0, s7;
	[sflag:s0] =	ssyncadd.s32 @!p0 $0xFFFFFE00  }
0x31: {  	[tilespmem:s16], [sflag:$0x6] =	stream.linear.gather [hbm4b:s10+s3], $0x200, $0x38;
	[tilespmem:$0x1D000] =	vst v63  }
0x32: {  	s31 =	sadd.s32 $0x40, s29  }
0x33: {  	[tilespmem:s17], [sflag:$0x6] =	stream.linear.gather [hbm4b:s31+s3], $0x200, $0x38;
	[tilespmem:$0x1D000] =	vst v63  }
0x34: {  	_ = 	snop  }
0x35: {  	[tilespmem:s19], [sflag:$0x1] =	stream.indirect.gather [hbm4b:s8+s18], $0x20, s14, s18, $0xb8;
	[tilespmem:$0x1D000] =	vst v63  }
0x36: {  	s1 =	rddreg [dreg:$0x3]  }
0x37: {  	[tilespmem:s20], [sflag:$0x2] =	stream.indirect.gather [hbm4b:s8+s18], $0x20, s1, s18, $0xb8;
	[tilespmem:$0x1D000] =	vst v63  }
0x38: {  	_ =	swait.ge [sflag:s21], $0x2000  }
0x39: {  	[sflag:s21] =	ssyncset.done $0x0  }
0x3a: {  	[sflag:s21] =	ssyncadd.s32 $0xFFFFE000  }
0x3b: {  	[spmem:s2] =	stream.indirect.scatter.add.f32 [tilespmem:s19], [sflag:$0x3], $0x20, s15, s18, $0xb8;
	[tilespmem:$0x1D000] =	vst v63  }
0x3c: {  	_ =	swait.ge [sflag:s22], $0x2000  }
0x3d: {  	[sflag:s22] =	ssyncset.done $0x0  }
0x3e: {  	s10 =	rddreg [dreg:$0x4];
	[sflag:s22] =	ssyncadd.s32 $0xFFFFE000  }
0x3f: {  	[spmem:s2] =	stream.indirect.scatter.add.f32 [tilespmem:s20], [sflag:$0x4], $0x20, s10, s18, $0xb8;
	[tilespmem:$0x1D000] =	vst v63  }
0x40: {  	_ =	swait.ge [sflag:s23], $0x2000  }
0x41: {  	[sflag:s23] =	ssyncset.done $0x0  }
0x42: {  	[sflag:s23] =	ssyncadd.s32 $0xFFFFE000  }
0x43: {  	_ =	swait.ge [sflag:s25], $0x2000  }
0x44: {  	[sflag:s25] =	ssyncset.done $0x0  }
0x45: {  	[sflag:s25] =	ssyncadd.s32 $0xFFFFE000  }
0x46: {  	_ =	swait.ge [sflag:s26], $0x200  }
0x47: {  	[sflag:s26] =	ssyncset.done $0x0  }
0x48: {  	[sflag:s26] =	ssyncadd.s32 $0xFFFFFE00  }
0x49: {  	p0 =	por $0x0, $0x0;
	_ =	swait.ge [sflag:s26], $0x200  }
0x4a: {  	s0 =	sadd.s32 @!p0 $0x0, s6;
	s29 =	simm.s32 @!p0 $0x0;
	[sflag:s26] =	ssyncset.done $0x0  }
0x4b: {  	s30 =	simm.s32 @!p0 $0x18700;
	s0 =	sadd.s32 @!p0 $0x80, s0;
	[sflag:s26] =	ssyncadd.s32 $0xFFFFFE00  }
0x4c: {  	[tilespmem:s30], [sflag:$0x5] =	stream.linear.gather @!p0 [hbm4b:s0+s29], $0x200, $0x38;
	[tilespmem:$0x1D000] =	vst v63  }
0x4d: {  	s0 =	sadd.s32 @!p0 $0x0, s7  }
0x4e: {  	s30 =	simm.s32 @!p0 $0x18B00;
	s0 =	sadd.s32 @!p0 $0x80, s0  }
0x4f: {  	[tilespmem:s30], [sflag:$0x5] =	stream.linear.gather @!p0 [hbm4b:s0+s29], $0x200, $0x38;
	[tilespmem:$0x1D000] =	vst v63  }
0x50: {  	_ = 	snop  }
0x51: {  	[tilespmem:s19], [sflag:$0x1] =	stream.indirect.gather [hbm4b:s8+s18], $0x20, s16, s18, $0xb8;
	[tilespmem:$0x1D000] =	vst v63  }
0x52: {  	s31 =	rddreg [dreg:$0x5]  }
0x53: {  	[tilespmem:s20], [sflag:$0x2] =	stream.indirect.gather [hbm4b:s8+s18], $0x20, s31, s18, $0xb8;
	[tilespmem:$0x1D000] =	vst v63  }
0x54: {  	_ =	swait.ge [sflag:s21], $0x2000  }
0x55: {  	[sflag:s21] =	ssyncset.done $0x0  }
0x56: {  	[sflag:s21] =	ssyncadd.s32 $0xFFFFE000  }
0x57: {  	[spmem:s2] =	stream.indirect.scatter.add.f32 [tilespmem:s19], [sflag:$0x3], $0x20, s17, s18, $0xb8;
	[tilespmem:$0x1D000] =	vst v63  }
0x58: {  	p6 =	por $0x0, $0x0;
	_ =	swait.ge [sflag:s22], $0x2000  }
0x59: {  	s29 =	simm.s32 $0x80;
	s30 =	simm.s32 $0x100;
	[sflag:s22] =	ssyncset.done $0x0  }
0x5a: {  	p0 =	por p6, p6;
	s0 =	rddreg [dreg:$0x6];
	[sflag:s22] =	ssyncadd.s32 $0xFFFFE000  }
.LBB2_2:
0x5b: {  	s1 =	simm.s32 @!p0 $0x3  }
0x5c: {  	[spmem:s2] =	stream.indirect.scatter.add.f32 [tilespmem:s20], [sflag:$0x4], $0x20, s0, s18, $0xb8;
	[tilespmem:$0x1D000] =	vst v63  }
0x5d: {  	_ =	swait.ge @!p0 [sflag:s1], $0x2000  }
0x5e: {  	[sflag:s1] =	ssyncset.done @!p0 $0x0  }
0x5f: {  	s0 =	simm.s32 @!p0 $0x4;
	[sflag:s1] =	ssyncadd.s32 @!p0 $0xFFFFE000  }
0x60: {  	_ =	swait.ge @!p0 [sflag:s0], $0x2000  }
0x61: {  	[sflag:s0] =	ssyncset.done @!p0 $0x0  }
0x62: {  	[sflag:s0] =	ssyncadd.s32 @!p0 $0xFFFFE000;
	s0 =	simm.s32 @!p0 $0x5  }
0x63: {  	_ =	swait.ge @!p0 [sflag:s0], $0x200  }
0x64: {  	[sflag:s0] =	ssyncset.done @!p0 $0x0  }
0x65: {  	[sflag:s0] =	ssyncadd.s32 @!p0 $0xFFFFFE00  }
0x66: {  	_ =	swait.ge @!p0 [sflag:s0], $0x200  }
0x67: {  	s10 =	sadd.s32 s29, s6;
	[sflag:s0] =	ssyncset.done @!p0 $0x0  }
0x68: {  	s1 =	sadd.s32 $0x40, s10;
	s10 =	sadd.s32 s29, s7;
	[sflag:s0] =	ssyncadd.s32 @!p0 $0xFFFFFE00  }
0x69: {  	[tilespmem:s16], [sflag:$0x6] =	stream.linear.gather [hbm4b:s1+s3], $0x200, $0x38;
	[tilespmem:$0x1D000] =	vst v63  }
0x6a: {  	s10 =	sadd.s32 $0x40, s10  }
0x6b: {  	[tilespmem:s17], [sflag:$0x6] =	stream.linear.gather [hbm4b:s10+s3], $0x200, $0x38;
	[tilespmem:$0x1D000] =	vst v63  }
0x6c: {  	_ = 	snop  }
0x6d: {  	[tilespmem:s19], [sflag:$0x1] =	stream.indirect.gather [hbm4b:s8+s18], $0x20, s14, s18, $0xb8;
	[tilespmem:$0x1D000] =	vst v63  }
0x6e: {  	s1 =	rddreg [dreg:$0x3]  }
0x6f: {  	[tilespmem:s20], [sflag:$0x2] =	stream.indirect.gather [hbm4b:s8+s18], $0x20, s1, s18, $0xb8;
	[tilespmem:$0x1D000] =	vst v63  }
0x70: {  	_ =	swait.ge [sflag:s21], $0x2000  }
0x71: {  	[sflag:s21] =	ssyncset.done $0x0  }
0x72: {  	[sflag:s21] =	ssyncadd.s32 $0xFFFFE000  }
0x73: {  	[spmem:s2] =	stream.indirect.scatter.add.f32 [tilespmem:s19], [sflag:$0x3], $0x20, s15, s18, $0xb8;
	[tilespmem:$0x1D000] =	vst v63  }
0x74: {  	_ =	swait.ge [sflag:s22], $0x2000  }
0x75: {  	[sflag:s22] =	ssyncset.done $0x0  }
0x76: {  	s10 =	rddreg [dreg:$0x4];
	[sflag:s22] =	ssyncadd.s32 $0xFFFFE000  }
0x77: {  	[spmem:s2] =	stream.indirect.scatter.add.f32 [tilespmem:s20], [sflag:$0x4], $0x20, s10, s18, $0xb8;
	[tilespmem:$0x1D000] =	vst v63  }
0x78: {  	_ =	swait.ge [sflag:s23], $0x2000  }
0x79: {  	[sflag:s23] =	ssyncset.done $0x0  }
0x7a: {  	[sflag:s23] =	ssyncadd.s32 $0xFFFFE000  }
0x7b: {  	_ =	swait.ge [sflag:s25], $0x2000  }
0x7c: {  	[sflag:s25] =	ssyncset.done $0x0  }
0x7d: {  	[sflag:s25] =	ssyncadd.s32 $0xFFFFE000  }
0x7e: {  	_ =	swait.ge [sflag:s26], $0x200  }
0x7f: {  	p2 =	seq.s32 s30, $0x0;
	[sflag:s26] =	ssyncset.done $0x0  }
0x80: {  	p0 =	por p2, p2;
	p2 =	seq.s32 s29, $0x1880;
	[sflag:s26] =	ssyncadd.s32 $0xFFFFFE00  }
0x81: {  	s0 =	sadd.s32 @!p2 s29, s6;
	_ =	swait.ge [sflag:s26], $0x200  }
0x82: {  	s0 =	sadd.s32 @!p2 $0x80, s0;
	[sflag:s26] =	ssyncset.done $0x0  }
0x83: {  	s1 =	simm.s32 @!p2 $0x0;
	s10 =	simm.s32 @!p2 $0x18700;
	[sflag:s26] =	ssyncadd.s32 $0xFFFFFE00  }
0x84: {  	[tilespmem:s10], [sflag:$0x5] =	stream.linear.gather @!p2 [hbm4b:s0+s1], $0x200, $0x38;
	[tilespmem:$0x1D000] =	vst v63  }
0x85: {  	s0 =	sadd.s32 @!p2 s29, s7  }
0x86: {  	s10 =	simm.s32 @!p2 $0x18B00;
	s0 =	sadd.s32 @!p2 $0x80, s0  }
0x87: {  	[tilespmem:s10], [sflag:$0x5] =	stream.linear.gather @!p2 [hbm4b:s0+s1], $0x200, $0x38;
	[tilespmem:$0x1D000] =	vst v63  }
0x88: {  	s31 =	smov.u32 s30  }
0x89: {  	[tilespmem:s19], [sflag:$0x1] =	stream.indirect.gather [hbm4b:s8+s18], $0x20, s16, s18, $0xb8;
	[tilespmem:$0x1D000] =	vst v63  }
0x8a: {  	s29 =	smov.u32 s31;
	s31 =	rddreg [dreg:$0x5]  }
0x8b: {  	[tilespmem:s20], [sflag:$0x2] =	stream.indirect.gather [hbm4b:s8+s18], $0x20, s31, s18, $0xb8;
	[tilespmem:$0x1D000] =	vst v63  }
0x8c: {  	s30 =	sadd.s32 $0x80, s30;
	_ =	swait.ge [sflag:s21], $0x2000  }
0x8d: {  	p1 =	sne.s32 s30, $0x1900;
	[sflag:s21] =	ssyncset.done $0x0  }
.Ltmp0:
0x8e: {  	[sflag:s21] =	ssyncadd.s32 $0xFFFFE000;
	(pc) =	sbr.rel @p1 .LBB2_2-.Ltmp0, $4  }
0x8f: {  	[spmem:s2] =	stream.indirect.scatter.add.f32 [tilespmem:s19], [sflag:$0x3], $0x20, s17, s18, $0xb8;
	[tilespmem:$0x1D000] =	vst v63  }
0x90: {  	_ =	swait.ge [sflag:s22], $0x2000  }
0x91: {  	[sflag:s22] =	ssyncset.done $0x0  }
0x92: {  	s0 =	rddreg [dreg:$0x6];
	[sflag:s22] =	ssyncadd.s32 $0xFFFFE000  }
0x93: {  	s1 =	simm.s32 @!p0 $0x3  }
0x94: {  	[spmem:s2] =	stream.indirect.scatter.add.f32 [tilespmem:s20], [sflag:$0x4], $0x20, s0, s18, $0xb8;
	[tilespmem:$0x1D000] =	vst v63  }
0x95: {  	_ =	swait.ge @!p0 [sflag:s1], $0x2000  }
0x96: {  	[sflag:s1] =	ssyncset.done @!p0 $0x0  }
0x97: {  	s0 =	simm.s32 @!p0 $0x4;
	[sflag:s1] =	ssyncadd.s32 @!p0 $0xFFFFE000  }
0x98: {  	_ =	swait.ge @!p0 [sflag:s0], $0x2000  }
0x99: {  	[sflag:s0] =	ssyncset.done @!p0 $0x0  }
0x9a: {  	[sflag:s0] =	ssyncadd.s32 @!p0 $0xFFFFE000;
	s0 =	simm.s32 @!p0 $0x5  }
0x9b: {  	_ =	swait.ge @!p0 [sflag:s0], $0x200  }
0x9c: {  	[sflag:s0] =	ssyncset.done @!p0 $0x0  }
0x9d: {  	[sflag:s0] =	ssyncadd.s32 @!p0 $0xFFFFFE00  }
0x9e: {  	_ =	swait.ge @!p0 [sflag:s0], $0x200  }
0x9f: {  	s31 =	sadd.s32 s29, s6;
	[sflag:s0] =	ssyncset.done @!p0 $0x0  }
0xa0: {  	s30 =	sadd.s32 s29, s7;
	s10 =	sadd.s32 $0x40, s31;
	[sflag:s0] =	ssyncadd.s32 @!p0 $0xFFFFFE00  }
0xa1: {  	[tilespmem:s16], [sflag:$0x6] =	stream.linear.gather [hbm4b:s10+s3], $0x200, $0x38;
	[tilespmem:$0x1D000] =	vst v63  }
0xa2: {  	s31 =	sadd.s32 $0x40, s30  }
0xa3: {  	[tilespmem:s17], [sflag:$0x6] =	stream.linear.gather [hbm4b:s31+s3], $0x200, $0x38;
	[tilespmem:$0x1D000] =	vst v63  }
0xa4: {  	_ = 	snop  }
0xa5: {  	[tilespmem:s19], [sflag:$0x1] =	stream.indirect.gather [hbm4b:s8+s18], $0x20, s14, s18, $0xb8;
	[tilespmem:$0x1D000] =	vst v63  }
0xa6: {  	s1 =	rddreg [dreg:$0x3]  }
0xa7: {  	[tilespmem:s20], [sflag:$0x2] =	stream.indirect.gather [hbm4b:s8+s18], $0x20, s1, s18, $0xb8;
	[tilespmem:$0x1D000] =	vst v63  }
0xa8: {  	_ =	swait.ge [sflag:s21], $0x2000  }
0xa9: {  	[sflag:s21] =	ssyncset.done $0x0  }
0xaa: {  	[sflag:s21] =	ssyncadd.s32 $0xFFFFE000  }
0xab: {  	[spmem:s2] =	stream.indirect.scatter.add.f32 [tilespmem:s19], [sflag:$0x3], $0x20, s15, s18, $0xb8;
	[tilespmem:$0x1D000] =	vst v63  }
0xac: {  	_ =	swait.ge [sflag:s22], $0x2000  }
0xad: {  	[sflag:s22] =	ssyncset.done $0x0  }
0xae: {  	s10 =	rddreg [dreg:$0x4];
	[sflag:s22] =	ssyncadd.s32 $0xFFFFE000  }
0xaf: {  	[spmem:s2] =	stream.indirect.scatter.add.f32 [tilespmem:s20], [sflag:$0x4], $0x20, s10, s18, $0xb8;
	[tilespmem:$0x1D000] =	vst v63  }
0xb0: {  	_ =	swait.ge [sflag:s23], $0x2000  }
0xb1: {  	[sflag:s23] =	ssyncset.done $0x0  }
0xb2: {  	[sflag:s23] =	ssyncadd.s32 $0xFFFFE000  }
0xb3: {  	_ =	swait.ge [sflag:s25], $0x2000  }
0xb4: {  	[sflag:s25] =	ssyncset.done $0x0  }
0xb5: {  	[sflag:s25] =	ssyncadd.s32 $0xFFFFE000  }
0xb6: {  	_ =	swait.ge [sflag:s26], $0x200  }
0xb7: {  	[sflag:s26] =	ssyncset.done $0x0  }
0xb8: {  	p0 =	seq.s32 s29, $0x1880;
	[sflag:s26] =	ssyncadd.s32 $0xFFFFFE00  }
0xb9: {  	s0 =	sadd.s32 @!p0 s29, s6;
	_ =	swait.ge [sflag:s26], $0x200  }
0xba: {  	s0 =	sadd.s32 @!p0 $0x80, s0;
	[sflag:s26] =	ssyncset.done $0x0  }
0xbb: {  	s1 =	simm.s32 @!p0 $0x0;
	s10 =	simm.s32 @!p0 $0x18700;
	[sflag:s26] =	ssyncadd.s32 $0xFFFFFE00  }
0xbc: {  	[tilespmem:s10], [sflag:$0x5] =	stream.linear.gather @!p0 [hbm4b:s0+s1], $0x200, $0x38;
	[tilespmem:$0x1D000] =	vst v63  }
0xbd: {  	s0 =	sadd.s32 @!p0 s29, s7  }
0xbe: {  	s10 =	simm.s32 @!p0 $0x18B00;
	s0 =	sadd.s32 @!p0 $0x80, s0  }
0xbf: {  	[tilespmem:s10], [sflag:$0x5] =	stream.linear.gather @!p0 [hbm4b:s0+s1], $0x200, $0x38;
	[tilespmem:$0x1D000] =	vst v63  }
0xc0: {  	_ = 	snop  }
0xc1: {  	[tilespmem:s19], [sflag:$0x1] =	stream.indirect.gather [hbm4b:s8+s18], $0x20, s16, s18, $0xb8;
	[tilespmem:$0x1D000] =	vst v63  }
0xc2: {  	s30 =	rddreg [dreg:$0x5]  }
0xc3: {  	[tilespmem:s20], [sflag:$0x2] =	stream.indirect.gather [hbm4b:s8+s18], $0x20, s30, s18, $0xb8;
	[tilespmem:$0x1D000] =	vst v63  }
0xc4: {  	_ =	swait.ge [sflag:s21], $0x2000  }
0xc5: {  	[sflag:s21] =	ssyncset.done $0x0  }
0xc6: {  	[sflag:s21] =	ssyncadd.s32 $0xFFFFE000  }
0xc7: {  	[spmem:s2] =	stream.indirect.scatter.add.f32 [tilespmem:s19], [sflag:$0x3], $0x20, s17, s18, $0xb8;
	[tilespmem:$0x1D000] =	vst v63  }
0xc8: {  	_ =	swait.ge [sflag:s22], $0x2000  }
0xc9: {  	[sflag:s22] =	ssyncset.done $0x0  }
0xca: {  	s31 =	rddreg [dreg:$0x6];
	[sflag:s22] =	ssyncadd.s32 $0xFFFFE000  }
0xcb: {  	[spmem:s2] =	stream.indirect.scatter.add.f32 [tilespmem:s20], [sflag:$0x4], $0x20, s31, s18, $0xb8;
	[tilespmem:$0x1D000] =	vst v63  }
0xcc: {  	_ =	swait.ge [sflag:s23], $0x2000  }
0xcd: {  	[sflag:s23] =	ssyncset.done $0x0  }
0xce: {  	[sflag:s23] =	ssyncadd.s32 $0xFFFFE000  }
0xcf: {  	_ =	swait.ge [sflag:s25], $0x2000  }
0xd0: {  	[sflag:s25] =	ssyncset.done $0x0  }
0xd1: {  	s28 =	sadd.s32 $0x1, s28;
	[sflag:s25] =	ssyncadd.s32 $0xFFFFE000  }
0xd2: {  	p0 =	sne.s32 s28, s9;
	[bflag:$0x0] =	sbarrier.arrive $0xFFFF  }
0xd3: {  	[hbm:s24], [sflag:s12] =	dma.local [spmem:s13], $0x30E0  }
.Ltmp1:
0xd4: {  	_ =	swait.ge [sflag:s11], $0x30E0;
	(pc) =	sbr.rel @p0 .LBB2_1-.Ltmp1, $3  }
0xd5: {  	[sflag:s11] =	ssyncset.done $0x0  }
0xd6: {  	[sflag:s11] =	ssyncadd.s32 $0xFFFFCF20  }
0xd7: {  	[bflag:$0x0] =	sbarrier.arrive $0xFFFF;
	_ =	sdelay $0x1  }
0xd8: {  	_ =	sfence.sel $0x180000  }
0xd9: {  	[bflag:$0x0] =	sbarrier.arrive $0xFFFF  }
0xda: {  	_ =	strace $0x9000004A  }
0xdb: {  	s0 =	stileid.u32;
	[bflag:$0x2] =	sbarrier.arrive $0xFFFF  }
0xdc: {  	p0 =	sne.s32 s0, $0x0;
	s0 =	rddreg [dreg:$0x2]  }
0xdd: {  	s0 =	sadd.s32 @!p0 $0x100000, s0  }
0xde: {  	[sflag:s0] =	ssyncadd.tile.s32 @!p0 $0x1;
	_ =	shalt  }
.Lfunc_end2:
_tile_overlayer_lowered:
.L_overlay_start_2:
0xdf: {  	(tag) =	ssettag $0x2  }
0xe0: {  	s0 =	rddreg [dreg:$0x0];
	s2 =	stileid.u32  }
0xe1: {  	s1 =	rddreg [dreg:$0x1];
	p0 =	sne.s32 s2, $0x0  }
0xe2: {  	s3 =	rddreg [dreg:$0x2];
	[bflag:$0x3] =	sbarrier.arrive $0xFFFF;
	s2 =	simm.s32 @!p0 $0x1C07  }
0xe3: {  	[timem:s3], [sflag:s2] =	dma.local @!p0 [hbm:s0], s1  }
0xe4: {  	s0 =	simm.s32 @!p0 $0x7  }
0xe5: {  	_ =	swait.ge @!p0 [sflag:s0], s1  }
0xe6: {  	s1 =	ssub.s32 @!p0 $0x0, s1;
	[sflag:s0] =	ssyncset.done @!p0 $0x0  }
0xe7: {  	[sflag:s0] =	ssyncadd.s32 @!p0 s1  }
0xe8: {  	[bflag:$0x3] =	sbarrier.arrive $0xFFFF  }
0xe9: {  	_ =	shalt  }

// kernel: kernel.7.cloned.1.call-start
scs
__scs_entry_jumppad:
0x0: {  	(pc) =	sbr.rel $0x88, $3  }
0x1: {  	(tag) =	ssettag $0x0;
	lr =	simm.s32 $0x1  }
0x2: {  	[smem:$0x3F8F] =	sst lr;
	_ =	strace $0xD0000000  }
0x3: {  	_ = 	snop  }
0x4: {  	_ = 	snop  }
0x5: {  	_ = 	snop  }
0x6: {  	_ = 	snop  }
0x7: {  	_ = 	snop  }
__scs_overlays_trampoline_lowered:
0x8: {  	[smem:$0x3F9E] =	sst s0  }
0x9: {  	[smem:$0x3F9F] =	sst s1  }
0xa: {  	[smem:$0x3FA0] =	sst s2  }
0xb: {  	[smem:$0x3FA1] =	sst s3  }
0xc: {  	[smem:$0x3FA2] =	sst s4  }
0xd: {  	[smem:$0x3FA3] =	sst s5  }
0xe: {  	[smem:$0x3FA4] =	sst s6  }
0xf: {  	[smem:$0x3FA5] =	sst s7  }
0x10: {  	[smem:$0x3FA6] =	sst s8  }
0x11: {  	[smem:$0x3FA7] =	sst s9;
	s0 =	simm.s32 @!p0 $0x0  }
0x12: {  	s1 =	sld [smem:$0x3F8D];
	s0 =	simm.s32 @p0 $0x1  }
0x13: {  	[smem:$0x3FA8] =	sst s0;
	s0 =	simm.s32 @!p1 $0x0  }
0x14: {  	s2 =	sld [smem:$0x3F8C];
	s0 =	simm.s32 @p1 $0x1  }
0x15: {  	[smem:$0x3FA9] =	sst s0;
	s0 =	simm.s32 @!p2 $0x0  }
0x16: {  	s3 =	sld [smem:$0x3FDB];
	s0 =	simm.s32 @p2 $0x1  }
0x17: {  	s4 =	simm.s32 $0x1BF5;
	[smem:$0x3FAB] =	sst s0  }
0x18: {  	s0 =	sld [smem:$0x3F8E];
	_ =	swait.ge [sflag:s4], $0x0  }
0x19: {  	s7 =	sld [smem:$0x3F8F]  }
0x1a: {  	s8 =	sadd.s32 $0xFFFFE003, lr  }
0x1b: {  	s9 =	sadd.s32 $0xFFFFFEF7, lr;
	s5 =	simm.s32 $0xFFFFFFFF;
	p2 =	slt.u32 s8, $0xFFFFF086  }
0x1c: {  	p1 =	slt.u32 s9, $0xF7A;
	s5 =	simm.s32 @!p2 $0x0  }
0x1d: {  	s5 =	simm.s32 @p1 $0x1;
	p0 =	seq.s32 s7, s2  }
0x1e: {  	s7 =	smul.u32 @!p0 $0xF7A, s2;
	p2 =	seq.s32 @!p0 s5, $0x0  }
0x1f: {  	s9 =	smul.u32 $0xF7A, s1;
	s8 =	simm.s32 @!p0 $0x1BF5;
	p2 =	por !p2, p0  }
0x20: {  	[sflag:s8] =	ssyncset.s32 @!p0 $0xFFFFF086;
	s6 =	sadd.s32 @!p0 s3, s7;
	s7 =	simm.s32 @!p0 $0x108  }
0x21: {  	s3 =	sadd.s32 s3, s9;
	s6 =	sadd.s32 @!p0 $0x88, s6;
	s7 =	simm.s32 @p2 $0x1082  }
0x22: {  	[simem:s7], [sflag:s8] =	dma.local @!p0 [hbm:s6], $0xF7A  }
0x23: {  	s9 =	sor.u32 $0xD0000000, s2;
	s6 =	simm.s32 $0x108;
	_ =	swait.ge @!p0 [sflag:s8], $0x0  }
0x24: {  	s3 =	sadd.s32 $0x88, s3;
	s6 =	simm.s32 @!p1 $0x1082;
	[sflag:s4] =	ssyncset.s32 $0xFFFFF086  }
0x25: {  	[simem:s6], [sflag:s4] =	dma.local [hbm:s3], $0xF7A  }
0x26: {  	[smem:$0x3F8F] =	sst s1;
	(tag) =	ssettag s2;
	_ =	strace s9  }
0x27: {  	s1 =	sld [smem:$0x3F9F]  }
0x28: {  	s2 =	sld [smem:$0x3FA0]  }
0x29: {  	s4 =	sld [smem:$0x3FA2]  }
0x2a: {  	p0 =	seq.s32 s5, $0x0;
	s5 =	sld [smem:$0x3FA3]  }
0x2b: {  	s6 =	sld [smem:$0x3FA4]  }
0x2c: {  	s7 =	sld [smem:$0x3FA5]  }
0x2d: {  	s3 =	simm.s32 $0x108;
	s8 =	sld [smem:$0x3FA6]  }
0x2e: {  	s3 =	simm.s32 @!p0 $0x1082;
	s9 =	sld [smem:$0x3FA7]  }
0x2f: {  	lr =	sadd.s32 s0, s3;
	s0 =	sld [smem:$0x3F9E]  }
0x30: {  	s3 =	sld [smem:$0x3FA1]  }
0x31: {  	[smem:$0x3FAA] =	sst s10  }
0x32: {  	s10 =	sld [smem:$0x3FA8];
	_ =	sdelay $0x3  }
0x33: {  	p0 =	seq.s32 s10, $0x1;
	s10 =	sld [smem:$0x3FAA];
	_ =	sdelay $0x3  }
0x34: {  	[smem:$0x3FAA] =	sst s10  }
0x35: {  	s10 =	sld [smem:$0x3FA9];
	_ =	sdelay $0x3  }
0x36: {  	p1 =	seq.s32 s10, $0x1;
	s10 =	sld [smem:$0x3FAA];
	_ =	sdelay $0x3  }
0x37: {  	[smem:$0x3FAA] =	sst s10  }
0x38: {  	s10 =	sld [smem:$0x3FAB]  }
0x39: {  	_ = 	snop;
	(pc) =	sbr.ind lr, $3  }
0x3a: {  	_ = 	snop  }
0x3b: {  	_ = 	snop  }
0x3c: {  	p2 =	seq.s32 s10, $0x1;
	s10 =	sld [smem:$0x3FAA]  }
0x3d: {  	_ =	shalt  }
0x3e: {  	_ =	shalt  }
0x3f: {  	_ =	shalt  }
0x40: {  	_ =	shalt  }
0x41: {  	_ =	shalt  }
0x42: {  	_ =	shalt  }
0x43: {  	_ =	shalt  }
0x44: {  	_ =	shalt  }
0x45: {  	_ =	shalt  }
0x46: {  	_ =	shalt  }
0x47: {  	_ =	shalt  }
0x48: {  	_ =	shalt  }
0x49: {  	_ =	shalt  }
0x4a: {  	_ =	shalt  }
0x4b: {  	_ =	shalt  }
0x4c: {  	_ =	shalt  }
0x4d: {  	_ =	shalt  }
0x4e: {  	_ =	shalt  }
0x4f: {  	_ =	shalt  }
0x50: {  	_ =	shalt  }
0x51: {  	_ =	shalt  }
0x52: {  	_ =	shalt  }
0x53: {  	_ =	shalt  }
0x54: {  	_ =	shalt  }
0x55: {  	_ =	shalt  }
0x56: {  	_ =	shalt  }
0x57: {  	_ =	shalt  }
0x58: {  	_ =	shalt  }
0x59: {  	_ =	shalt  }
0x5a: {  	_ =	shalt  }
0x5b: {  	_ =	shalt  }
0x5c: {  	_ =	shalt  }
0x5d: {  	_ =	shalt  }
0x5e: {  	_ =	shalt  }
0x5f: {  	_ =	shalt  }
0x60: {  	_ =	shalt  }
0x61: {  	_ =	shalt  }
0x62: {  	_ =	shalt  }
0x63: {  	_ =	shalt  }
0x64: {  	_ =	shalt  }
0x65: {  	_ =	shalt  }
0x66: {  	_ =	shalt  }
0x67: {  	_ =	shalt  }
0x68: {  	_ =	shalt  }
0x69: {  	_ =	shalt  }
0x6a: {  	_ =	shalt  }
0x6b: {  	_ =	shalt  }
0x6c: {  	_ =	shalt  }
0x6d: {  	_ =	shalt  }
0x6e: {  	_ =	shalt  }
0x6f: {  	_ =	shalt  }
0x70: {  	_ =	shalt  }
0x71: {  	_ =	shalt  }
0x72: {  	_ =	shalt  }
0x73: {  	_ =	shalt  }
0x74: {  	_ =	shalt  }
0x75: {  	_ =	shalt  }
0x76: {  	_ =	shalt  }
0x77: {  	_ =	shalt  }
0x78: {  	_ =	shalt  }
0x79: {  	_ =	shalt  }
0x7a: {  	_ =	shalt  }
0x7b: {  	_ =	shalt  }
0x7c: {  	_ =	shalt  }
0x7d: {  	_ =	shalt  }
0x7e: {  	_ =	shalt  }
0x7f: {  	_ =	shalt  }
0x80: {  	_ =	shalt  }
0x81: {  	_ =	shalt  }
0x82: {  	_ =	shalt  }
0x83: {  	_ =	shalt  }
0x84: {  	_ =	shalt  }
0x85: {  	_ =	shalt  }
0x86: {  	_ =	shalt  }
0x87: {  	_ =	shalt  }
.Lfunc_end0:
.L_simem_size_0:
called_computation_lowered:
.L_overlay_start_0:
0x88: {  	s2 =	sld [smem:$0x3FD9]  }
0x89: {  	s3 =	sld [smem:$0x3FFE];
	_ =	sdelay $0x1  }
0x8a: {  	s1 =	srdreg.scid  }
0x8b: {  	s0 =	sand.u32 $0x1, s1  }
0x8c: {  	s17 =	sshll.u32 s0, $0xA;
	s2 =	sadd.s32 s3, s2  }
0x8d: {  	s2 =	sadd.s32 s2, s17  }
0x8e: {  	[smem:$0x3FB6] =	sst s2  }
0x8f: {  	_ = 	snop  }
0x90: {  	s2 =	sld [smem:$0x3FD0];
	(tm) =	ssettm $0x1  }
0x91: {  	s18 =	sld [smem:$0x3FFB];
	_ =	sdelay $0x3  }
0x92: {  	_ =	strace s18  }
0x93: {  	s3 =	sld [smem:$0x3FFC];
	_ =	sdelay $0x3  }
0x94: {  	_ =	strace s3  }
0x95: {  	s3 =	sld [smem:$0x3FFD];
	_ =	sdelay $0x3  }
0x96: {  	_ =	strace s3  }
0x97: {  	_ =	strace $0x8FFFFFFF  }
0x98: {  	s19 =	sld [smem:$0x3FDB];
	_ =	sdelay $0x1  }
0x99: {  	s4 =	simm.s32 $_scs_section_size  }
0x9a: {  	s5 =	simm.s32 $_size__tile_overlayer_lowered;
	s6 =	simm.s32 $_tile_overlayer_lowered  }
0x9b: {  	s22 =	simm.s32 $0x1BFF;
	s21 =	sshll.u32 s6, $0x1;
	s3 =	sadd.s32 s4, s19  }
0x9c: {  	s7 =	simm.s32 $0x0;
	s20 =	sshll.u32 s5, $0x1;
	s5 =	sadd.s32 s21, s3  }
0x9d: {  	[timem:s7], [sflag:s22] =	dma.local [hbm:s5], s20  }
0x9e: {  	_ =	swait.ge [sflag:s22], s20  }
0x9f: {  	s4 =	ssub.s32 $0x0, s20;
	[sflag:s22] =	ssyncset.done $0x0  }
0xa0: {  	[sflag:s22] =	ssyncadd.s32 s4;
	_ =	sdelay $0x1  }
0xa1: {  	s23 =	simm.s32 $0x1B8B  }
0xa2: {  	_ =	swait.ge [sflag:s23], $0x1  }
0xa3: {  	[sflag:s23] =	ssyncset.done $0x0  }
0xa4: {  	s25 =	simm.s32 $0x1B8E;
	s24 =	sld [smem:$0x3FFE];
	[sflag:s23] =	ssyncadd.s32 $0xFFFFFFFF  }
0xa5: {  	s26 =	simm.s32 $execute0_lowered;
	[smem:$0x3FD2] =	sst s25  }
0xa6: {  	s5 =	sshll.u32 s26, $0x1;
	_ =	strace $0x80000046;
	[dreg:$0x1] =	wrdreg $0xFFFFFFFF  }
0xa7: {  	s28 =	simm.s32 $_size_execute0_lowered;
	s3 =	sadd.s32 s3, s5;
	[dreg:$0x0] =	wrdreg $0x0  }
0xa8: {  	s5 =	sshll.u32 s28, $0x1;
	[dreg:$0x2] =	wrdreg s3  }
0xa9: {  	[dreg:$0x3] =	wrdreg s5  }
0xaa: {  	[dreg:$0x4] =	wrdreg $0xC0  }
0xab: {  	_ =	task [dreg:s7], $0x5FFFF  }
0xac: {  	[dreg:$0x1] =	wrdreg $0xFFFFFFFF  }
0xad: {  	[dreg:$0x0] =	wrdreg $0x60  }
0xae: {  	[dreg:$0x2] =	wrdreg s24  }
0xaf: {  	[dreg:$0x3] =	wrdreg s2  }
0xb0: {  	[dreg:$0x4] =	wrdreg $0x0  }
0xb1: {  	[dreg:$0x5] =	wrdreg $0x187000  }
0xb2: {  	[dreg:$0x6] =	wrdreg $0x9  }
0xb3: {  	_ =	task.clear_ibuf [dreg:s7], $0x7FFFF;
	_ =	strace $0x90000046  }
0xb4: {  	s29 =	simm.s32 $0x9;
	_ =	strace $0x80000048  }
0xb5: {  	_ =	swait.ge [sflag:s29], $0x1  }
0xb6: {  	[sflag:s29] =	ssyncadd.s32 $0xFFFFFFFF  }
0xb7: {  	_ =	strace $0x90000048  }
0xb8: {  	_ =	sfence  }
0xb9: {  	s30 =	sld [smem:$0x0];
	_ =	sdelay $0x2  }
0xba: {  	s31 =	sshll.u32 s1, $0xD;
	s1 =	sshrl.u32 s1, $0x2  }
0xbb: {  	s3 =	sand.u32 $0x4000, s31;
	s1 =	sadd.s32 s1, s30  }
0xbc: {  	s0 =	sor.u32 s3, s0;
	s1 =	sshll.u32 s1, $0x11  }
0xbd: {  	s0 =	sor.u32 s1, s0  }
0xbe: {  	s0 =	sadd.s32 $0x8F2B, s0  }
0xbf: {  	[sflag:s0] =	ssyncadd.remote.s32 $0x1  }
0xc0: {  	_ =	sfence.sel $0xFFFF  }
0xc1: {  	[dreg:$0x0] =	wrdreg $0xFFFFFFFF;
	(pc) =	sbr.abs _section_cstart, $3  }
0xc2: {  	[dreg:$0x1] =	wrdreg $0xFFFFFFFF  }
0xc3: {  	_ =	task.clear_ibuf [dreg:s7], $0x2FFFF;
	_ =	strace $0x9FFFFFFF  }
0xc4: {  	(tm) =	ssettm $0x7FFFFFFF  }
0xc5: {  	_ =	shalt  }
tec
execute0_lowered:
.L_overlay_start_1:
0x0: {  	(tag) =	ssettag $0x1  }
0x1: {  	s0 =	rddreg [dreg:$0x0]  }
0x2: {  	s3 =	rddreg [dreg:$0x2]  }
0x3: {  	s4 =	rddreg [dreg:$0x3];
	s5 =	simm.s32 $0x0;
	s10 =	stileid.u32  }
0x4: {  	s1 =	srdreg.scid;
	s14 =	simm.s32 $0x19838;
	s17 =	simm.s32 $0x19938  }
0x5: {  	s22 =	simm.s32 $0x19A38;
	s28 =	simm.s32 $0x19B38;
	s29 =	simm.s32 $0x19438  }
0x6: {  	s30 =	simm.s32 $0x1BB38;
	s31 =	simm.s32 $0x1;
	s2 =	smul.u32 $0x1900, s10  }
0x7: {  	s15 =	simm.s32 $0x0;
	[smem:$0x7FF] =	sst s5;
	s8 =	smul.u32 $0xC38, s10  }
0x8: {  	s1 =	sand.u32 $0x1, s1;
	s16 =	sadd.s32 $0x96E00, s0;
	s13 =	smul.u32 $0x18700, s10  }
0x9: {  	s18 =	sadd.s32 $0x9A000, s0;
	_ =	strace $0x80000047;
	s6 =	smul.u32 $0x30E00, s1  }
0xa: {  	s7 =	ssub.s32 $0x2, s1;
	[dreg:$0xa] =	wrdreg s18;
	p0 =	seq.s32 s1, $0x0  }
0xb: {  	p1 =	seq.s32 s1, $0x1;
	s18 =	simm.s32 $0x19838;
	s1 =	simm.s32 $0x3  }
0xc: {  	[dreg:$0x9] =	wrdreg s16;
	s2 =	sadd.s32 s2, s0;
	s9 =	sshrl.u32 s7, $0x1  }
0xd: {  	s19 =	sadd.s32 s13, s3;
	s20 =	sadd.s32 s8, s4;
	s23 =	sshrl.u32 s13, $0x3  }
0xe: {  	s24 =	sshrl.u32 s8, $0x3;
	s8 =	simm.s32 $0x19738;
	s14 =	simm.s32 @!p0 $0x19438  }
0xf: {  	s6 =	sadd.s32 s6, s0;
	s7 =	ssub.s32 s7, s9;
	[dreg:$0xb] =	wrdreg s19  }
0x10: {  	[dreg:$0xc] =	wrdreg s20;
	s10 =	sadd.s32 $0x7DE00, s2;
	s11 =	sadd.s32 $0x64E00, s2  }
0x11: {  	s8 =	simm.s32 @!p0 $0x19338;
	[dreg:$0x6] =	wrdreg s14;
	s14 =	simm.s32 $0x19A38  }
0x12: {  	s20 =	simm.s32 $0x1DB38;
	s2 =	simm.s32 $0x4;
	s9 =	simm.s32 $0x19638  }
0x13: {  	s12 =	sadd.s32 $0x3D4800, s6;
	s21 =	sadd.s32 $0x498000, s6;
	s13 =	sadd.s32 $0x3200, s6  }
0x14: {  	s6 =	sadd.s32 $0x436400, s6;
	s7 =	smax.u32 s7, $0x1;
	[dreg:$0x5] =	wrdreg s8  }
0x15: {  	s8 =	simm.s32 $0x9BC00;
	s14 =	simm.s32 @!p0 $0x19638;
	[dreg:$0xd] =	wrdreg s7  }
0x16: {  	s7 =	simm.s32 $0x19938;
	s8 =	simm.s32 @!p1 $0x9A200;
	[dreg:$0x8] =	wrdreg s14  }
0x17: {  	s14 =	simm.s32 $0x8;
	s25 =	sadd.s32 s23, s21;
	s26 =	sadd.s32 s23, s6  }
0x18: {  	s7 =	simm.s32 @!p0 $0x19538;
	s0 =	sadd.s32 s8, s0;
	[dreg:$0xf] =	wrdreg s25  }
0x19: {  	[dreg:$0x10] =	wrdreg s26;
	s25 =	simm.s32 $0x19538;
	s26 =	simm.s32 $0x100  }
0x1a: {  	s8 =	simm.s32 $0x6;
	[dreg:$0x7] =	wrdreg s7;
	s0 =	sadd.s32 s0, s24  }
0x1b: {  	s7 =	simm.s32 $0x7;
	[dreg:$0xe] =	wrdreg s0;
	s0 =	simm.s32 $0x2  }
.LBB2_1:
0x1c: {  	[dreg:$0x11] =	wrdreg s15  }
0x1d: {  	s6 =	rddreg [dreg:$0xa]  }
0x1e: {  	[tilespmem:s20], [sflag:$0x8] =	stream.linear.gather [hbm4b:s6+s5], $0x100, $0x38;
	[tilespmem:$0x1DC38] =	vst v63  }
0x1f: {  	s19 =	stileid.u32;
	_ =	swait.ge [sflag:s14], $0x100  }
0x20: {  	s6 =	sshll.u32 s19, $0x6;
	s23 =	rddreg [dreg:$0xb]  }
0x21: {  	s21 =	sor.u32 $0x1C08, s6;
	[sflag:s14] =	ssyncset.done $0x0;
	s6 =	sshrl.u32 s23, $0x3  }
0x22: {  	[sflag:s14] =	ssyncadd.s32 $0xFFFFFF00;
	[dreg:$0x13] =	wrdreg s6  }
0x23: {  	[spmem:s6], [sflag:s21] =	dma.local [hbm:s16], $0x30E0  }
0x24: {  	_ =	swait.ge [sflag:s14], $0x30E0  }
0x25: {  	[dreg:$0x12] =	wrdreg s21;
	[sflag:s14] =	ssyncset.done $0x0  }
0x26: {  	s24 =	rddreg [dreg:$0xc];
	[sflag:s14] =	ssyncadd.s32 $0xFFFFCF20  }
0x27: {  	s6 =	sshrl.u32 s24, $0x3;
	s19 =	rddreg [dreg:$0x1]  }
0x28: {  	[dreg:$0x14] =	wrdreg s6  }
0x29: {  	[spmem:s6], [sflag:s21] =	dma.local [hbm:s19], $0x187  }
0x2a: {  	_ =	swait.ge [sflag:s14], $0x187  }
0x2b: {  	[sflag:s14] =	ssyncset.done $0x0  }
0x2c: {  	[sflag:s14] =	ssyncadd.s32 $0xFFFFFE79  }
0x2d: {  	s15 =	simm.s32 $0x19338;
	[bflag:$0x0] =	sbarrier.arrive $0xFFFF  }
0x2e: {  	[tilespmem:s15], [sflag:$0x8] =	stream.linear.gather [hbm4b:s10+s5], $0x200, $0x38;
	[tilespmem:$0x1DC38] =	vst v63  }
0x2f: {  	_ =	swait.ge [sflag:s14], $0x200  }
0x30: {  	[sflag:s14] =	ssyncset.done $0x0  }
0x31: {  	s19 =	simm.s32 $0x19738;
	[sflag:s14] =	ssyncadd.s32 $0xFFFFFE00  }
0x32: {  	[tilespmem:s19], [sflag:$0x8] =	stream.linear.gather [hbm4b:s11+s5], $0x200, $0x38;
	[tilespmem:$0x1DC38] =	vst v63  }
0x33: {  	p0 =	por $0x1, $0x1;
	_ =	swait.ge [sflag:s14], $0x200  }
0x34: {  	p0 =	por p0, p0;
	[sflag:s14] =	ssyncset.done $0x0  }
0x35: {  	s6 =	simm.s32 @!p0 $0x3;
	[sflag:s14] =	ssyncadd.s32 $0xFFFFFE00  }
0x36: {  	_ =	swait.ge @!p0 [sflag:s6], $0x2000  }
0x37: {  	[sflag:s6] =	ssyncset.done @!p0 $0x0  }
0x38: {  	[sflag:s6] =	ssyncadd.s32 @!p0 $0xFFFFE000;
	s6 =	simm.s32 @!p0 $0x4  }
0x39: {  	_ =	swait.ge @!p0 [sflag:s6], $0x2000  }
0x3a: {  	[sflag:s6] =	ssyncset.done @!p0 $0x0  }
0x3b: {  	[sflag:s6] =	ssyncadd.s32 @!p0 $0xFFFFE000;
	s6 =	simm.s32 @!p0 $0x7  }
0x3c: {  	_ =	swait.ge @!p0 [sflag:s6], $0x100  }
0x3d: {  	[sflag:s6] =	ssyncset.done @!p0 $0x0  }
0x3e: {  	[sflag:s6] =	ssyncadd.s32 @!p0 $0xFFFFFF00  }
0x3f: {  	_ =	swait.ge @!p0 [sflag:s6], $0x100  }
0x40: {  	[sflag:s6] =	ssyncset.done @!p0 $0x0  }
0x41: {  	[sflag:s6] =	ssyncadd.s32 @!p0 $0xFFFFFF00;
	s6 =	simm.s32 @!p0 $0x5  }
0x42: {  	_ =	swait.ge @!p0 [sflag:s6], $0x200  }
0x43: {  	[sflag:s6] =	ssyncset.done @!p0 $0x0  }
0x44: {  	[sflag:s6] =	ssyncadd.s32 @!p0 $0xFFFFFE00  }
0x45: {  	_ =	swait.ge @!p0 [sflag:s6], $0x200  }
0x46: {  	s21 =	sadd.s32 $0x0, s10;
	[sflag:s6] =	ssyncset.done @!p0 $0x0  }
0x47: {  	s24 =	sadd.s32 $0x0, s11;
	s23 =	sadd.s32 $0x40, s21;
	[sflag:s6] =	ssyncadd.s32 @!p0 $0xFFFFFE00  }
0x48: {  	[tilespmem:s25], [sflag:$0x6] =	stream.linear.gather [hbm4b:s23+s5], $0x200, $0x38;
	[tilespmem:$0x1DC38] =	vst v63  }
0x49: {  	s16 =	sadd.s32 $0x40, s24  }
0x4a: {  	[tilespmem:s17], [sflag:$0x6] =	stream.linear.gather [hbm4b:s16+s5], $0x200, $0x38;
	[tilespmem:$0x1DC38] =	vst v63  }
0x4b: {  	_ = 	snop  }
0x4c: {  	[tilespmem:s28], [sflag:$0x1] =	stream.indirect.gather [hbm4b:s12+s26], $0x20, s15, s26, $0xb8;
	[tilespmem:$0x1DC38] =	vst v63  }
0x4d: {  	_ = 	snop  }
0x4e: {  	[tilespmem:s30], [sflag:$0x2] =	stream.indirect.gather [hbm4b:s12+s26], $0x20, s29, s26, $0xb8;
	[tilespmem:$0x1DC38] =	vst v63  }
0x4f: {  	_ =	swait.ge [sflag:s31], $0x2000  }
0x50: {  	[sflag:s31] =	ssyncset.done $0x0  }
0x51: {  	[sflag:s31] =	ssyncadd.s32 $0xFFFFE000  }
0x52: {  	[spmem:s3] =	stream.indirect.scatter.add.f32 [tilespmem:s28], [sflag:$0x3], $0x20, s19, s26, $0xb8;
	[tilespmem:$0x1DC38] =	vst v63  }
0x53: {  	s21 =	rddreg [dreg:$0x5]  }
0x54: {  	[spmem:s4] =	stream.indirect.scatter.add.f32 [tilespmem:s20], [sflag:$0x7], $0x1, s21, s26, $0xb8;
	[tilespmem:$0x1DC38] =	vst v63  }
0x55: {  	_ =	swait.ge [sflag:s0], $0x2000  }
0x56: {  	[sflag:s0] =	ssyncset.done $0x0  }
0x57: {  	[sflag:s0] =	ssyncadd.s32 $0xFFFFE000  }
0x58: {  	[spmem:s3] =	stream.indirect.scatter.add.f32 [tilespmem:s30], [sflag:$0x4], $0x20, s18, s26, $0xb8;
	[tilespmem:$0x1DC38] =	vst v63  }
0x59: {  	s23 =	rddreg [dreg:$0x6]  }
0x5a: {  	[spmem:s4] =	stream.indirect.scatter.add.f32 [tilespmem:s20], [sflag:$0x7], $0x1, s23, s26, $0xb8;
	[tilespmem:$0x1DC38] =	vst v63  }
0x5b: {  	_ =	swait.ge [sflag:s1], $0x2000  }
0x5c: {  	[sflag:s1] =	ssyncset.done $0x0  }
0x5d: {  	[sflag:s1] =	ssyncadd.s32 $0xFFFFE000  }
0x5e: {  	_ =	swait.ge [sflag:s2], $0x2000  }
0x5f: {  	[sflag:s2] =	ssyncset.done $0x0  }
0x60: {  	[sflag:s2] =	ssyncadd.s32 $0xFFFFE000  }
0x61: {  	_ =	swait.ge [sflag:s7], $0x100  }
0x62: {  	[sflag:s7] =	ssyncset.done $0x0  }
0x63: {  	[sflag:s7] =	ssyncadd.s32 $0xFFFFFF00  }
0x64: {  	_ =	swait.ge [sflag:s7], $0x100  }
0x65: {  	[sflag:s7] =	ssyncset.done $0x0  }
0x66: {  	[sflag:s7] =	ssyncadd.s32 $0xFFFFFF00  }
0x67: {  	_ =	swait.ge [sflag:s8], $0x200  }
0x68: {  	[sflag:s8] =	ssyncset.done $0x0  }
0x69: {  	[sflag:s8] =	ssyncadd.s32 $0xFFFFFE00  }
0x6a: {  	p0 =	por $0x0, $0x0;
	_ =	swait.ge [sflag:s8], $0x200  }
0x6b: {  	s6 =	sadd.s32 @!p0 $0x0, s10;
	s14 =	simm.s32 @!p0 $0x0;
	[sflag:s8] =	ssyncset.done $0x0  }
0x6c: {  	s6 =	sadd.s32 @!p0 $0x80, s6;
	s23 =	simm.s32 @!p0 $0x19338;
	[sflag:s8] =	ssyncadd.s32 $0xFFFFFE00  }
0x6d: {  	[tilespmem:s23], [sflag:$0x5] =	stream.linear.gather @!p0 [hbm4b:s6+s14], $0x200, $0x38;
	[tilespmem:$0x1DC38] =	vst v63  }
0x6e: {  	s6 =	sadd.s32 @!p0 $0x0, s11  }
0x6f: {  	s23 =	simm.s32 @!p0 $0x19738;
	s6 =	sadd.s32 @!p0 $0x80, s6  }
0x70: {  	[tilespmem:s23], [sflag:$0x5] =	stream.linear.gather @!p0 [hbm4b:s6+s14], $0x200, $0x38;
	[tilespmem:$0x1DC38] =	vst v63  }
0x71: {  	_ = 	snop  }
0x72: {  	[tilespmem:s28], [sflag:$0x1] =	stream.indirect.gather [hbm4b:s12+s26], $0x20, s25, s26, $0xb8;
	[tilespmem:$0x1DC38] =	vst v63  }
0x73: {  	_ = 	snop  }
0x74: {  	[tilespmem:s30], [sflag:$0x2] =	stream.indirect.gather [hbm4b:s12+s26], $0x20, s9, s26, $0xb8;
	[tilespmem:$0x1DC38] =	vst v63  }
0x75: {  	_ =	swait.ge [sflag:s31], $0x2000  }
0x76: {  	[sflag:s31] =	ssyncset.done $0x0  }
0x77: {  	[sflag:s31] =	ssyncadd.s32 $0xFFFFE000  }
0x78: {  	[spmem:s3] =	stream.indirect.scatter.add.f32 [tilespmem:s28], [sflag:$0x3], $0x20, s17, s26, $0xb8;
	[tilespmem:$0x1DC38] =	vst v63  }
0x79: {  	p6 =	por $0x0, $0x0;
	s24 =	rddreg [dreg:$0x7]  }
0x7a: {  	[spmem:s4] =	stream.indirect.scatter.add.f32 [tilespmem:s20], [sflag:$0x7], $0x1, s24, s26, $0xb8;
	[tilespmem:$0x1DC38] =	vst v63  }
0x7b: {  	s16 =	simm.s32 $0x19338;
	s15 =	simm.s32 $0x19738;
	_ =	swait.ge [sflag:s0], $0x2000  }
0x7c: {  	s6 =	simm.s32 $0x80;
	s23 =	simm.s32 $0x100;
	[sflag:s0] =	ssyncset.done $0x0  }
0x7d: {  	p0 =	por p6, p6;
	s14 =	rddreg [dreg:$0x8];
	[sflag:s0] =	ssyncadd.s32 $0xFFFFE000  }
0x7e: {  	[spmem:s3] =	stream.indirect.scatter.add.f32 [tilespmem:s30], [sflag:$0x4], $0x20, s22, s26, $0xb8;
	[tilespmem:$0x1DC38] =	vst v63  }
.LBB2_2:
0x7f: {  	s19 =	simm.s32 @!p0 $0x3  }
0x80: {  	[spmem:s4] =	stream.indirect.scatter.add.f32 [tilespmem:s20], [sflag:$0x7], $0x1, s14, s26, $0xb8;
	[tilespmem:$0x1DC38] =	vst v63  }
0x81: {  	_ =	swait.ge @!p0 [sflag:s19], $0x2000  }
0x82: {  	[sflag:s19] =	ssyncset.done @!p0 $0x0  }
0x83: {  	s14 =	simm.s32 @!p0 $0x4;
	[sflag:s19] =	ssyncadd.s32 @!p0 $0xFFFFE000  }
0x84: {  	_ =	swait.ge @!p0 [sflag:s14], $0x2000  }
0x85: {  	[sflag:s14] =	ssyncset.done @!p0 $0x0  }
0x86: {  	[sflag:s14] =	ssyncadd.s32 @!p0 $0xFFFFE000;
	s14 =	simm.s32 @!p0 $0x7  }
0x87: {  	_ =	swait.ge @!p0 [sflag:s14], $0x100  }
0x88: {  	[sflag:s14] =	ssyncset.done @!p0 $0x0  }
0x89: {  	[sflag:s14] =	ssyncadd.s32 @!p0 $0xFFFFFF00  }
0x8a: {  	_ =	swait.ge @!p0 [sflag:s14], $0x100  }
0x8b: {  	[sflag:s14] =	ssyncset.done @!p0 $0x0  }
0x8c: {  	[sflag:s14] =	ssyncadd.s32 @!p0 $0xFFFFFF00;
	s14 =	simm.s32 @!p0 $0x5  }
0x8d: {  	_ =	swait.ge @!p0 [sflag:s14], $0x200  }
0x8e: {  	[sflag:s14] =	ssyncset.done @!p0 $0x0  }
0x8f: {  	[sflag:s14] =	ssyncadd.s32 @!p0 $0xFFFFFE00  }
0x90: {  	_ =	swait.ge @!p0 [sflag:s14], $0x200  }
0x91: {  	s21 =	sadd.s32 s6, s10;
	[sflag:s14] =	ssyncset.done @!p0 $0x0  }
0x92: {  	s19 =	sadd.s32 $0x40, s21;
	s21 =	sadd.s32 s6, s11;
	[sflag:s14] =	ssyncadd.s32 @!p0 $0xFFFFFE00  }
0x93: {  	[tilespmem:s25], [sflag:$0x6] =	stream.linear.gather [hbm4b:s19+s5], $0x200, $0x38;
	[tilespmem:$0x1DC38] =	vst v63  }
0x94: {  	s21 =	sadd.s32 $0x40, s21  }
0x95: {  	[tilespmem:s17], [sflag:$0x6] =	stream.linear.gather [hbm4b:s21+s5], $0x200, $0x38;
	[tilespmem:$0x1DC38] =	vst v63  }
0x96: {  	_ = 	snop  }
0x97: {  	[tilespmem:s28], [sflag:$0x1] =	stream.indirect.gather [hbm4b:s12+s26], $0x20, s16, s26, $0xb8;
	[tilespmem:$0x1DC38] =	vst v63  }
0x98: {  	_ = 	snop  }
0x99: {  	[tilespmem:s30], [sflag:$0x2] =	stream.indirect.gather [hbm4b:s12+s26], $0x20, s29, s26, $0xb8;
	[tilespmem:$0x1DC38] =	vst v63  }
0x9a: {  	_ =	swait.ge [sflag:s31], $0x2000  }
0x9b: {  	[sflag:s31] =	ssyncset.done $0x0  }
0x9c: {  	[sflag:s31] =	ssyncadd.s32 $0xFFFFE000  }
0x9d: {  	[spmem:s3] =	stream.indirect.scatter.add.f32 [tilespmem:s28], [sflag:$0x3], $0x20, s15, s26, $0xb8;
	[tilespmem:$0x1DC38] =	vst v63  }
0x9e: {  	s19 =	rddreg [dreg:$0x5]  }
0x9f: {  	[spmem:s4] =	stream.indirect.scatter.add.f32 [tilespmem:s20], [sflag:$0x7], $0x1, s19, s26, $0xb8;
	[tilespmem:$0x1DC38] =	vst v63  }
0xa0: {  	_ =	swait.ge [sflag:s0], $0x2000  }
0xa1: {  	[sflag:s0] =	ssyncset.done $0x0  }
0xa2: {  	[sflag:s0] =	ssyncadd.s32 $0xFFFFE000  }
0xa3: {  	[spmem:s3] =	stream.indirect.scatter.add.f32 [tilespmem:s30], [sflag:$0x4], $0x20, s18, s26, $0xb8;
	[tilespmem:$0x1DC38] =	vst v63  }
0xa4: {  	s21 =	rddreg [dreg:$0x6]  }
0xa5: {  	[spmem:s4] =	stream.indirect.scatter.add.f32 [tilespmem:s20], [sflag:$0x7], $0x1, s21, s26, $0xb8;
	[tilespmem:$0x1DC38] =	vst v63  }
0xa6: {  	_ =	swait.ge [sflag:s1], $0x2000  }
0xa7: {  	[sflag:s1] =	ssyncset.done $0x0  }
0xa8: {  	[sflag:s1] =	ssyncadd.s32 $0xFFFFE000  }
0xa9: {  	_ =	swait.ge [sflag:s2], $0x2000  }
0xaa: {  	[sflag:s2] =	ssyncset.done $0x0  }
0xab: {  	[sflag:s2] =	ssyncadd.s32 $0xFFFFE000  }
0xac: {  	_ =	swait.ge [sflag:s7], $0x100  }
0xad: {  	[sflag:s7] =	ssyncset.done $0x0  }
0xae: {  	[sflag:s7] =	ssyncadd.s32 $0xFFFFFF00  }
0xaf: {  	_ =	swait.ge [sflag:s7], $0x100  }
0xb0: {  	[sflag:s7] =	ssyncset.done $0x0  }
0xb1: {  	[sflag:s7] =	ssyncadd.s32 $0xFFFFFF00  }
0xb2: {  	_ =	swait.ge [sflag:s8], $0x200  }
0xb3: {  	p2 =	seq.s32 s23, $0x0;
	[sflag:s8] =	ssyncset.done $0x0  }
0xb4: {  	p0 =	por p2, p2;
	p2 =	seq.s32 s6, $0x1880;
	[sflag:s8] =	ssyncadd.s32 $0xFFFFFE00  }
0xb5: {  	s14 =	sadd.s32 @!p2 s6, s10;
	_ =	swait.ge [sflag:s8], $0x200  }
0xb6: {  	s14 =	sadd.s32 @!p2 $0x80, s14;
	[sflag:s8] =	ssyncset.done $0x0  }
0xb7: {  	s19 =	simm.s32 @!p2 $0x0;
	s21 =	simm.s32 @!p2 $0x19338;
	[sflag:s8] =	ssyncadd.s32 $0xFFFFFE00  }
0xb8: {  	[tilespmem:s21], [sflag:$0x5] =	stream.linear.gather @!p2 [hbm4b:s14+s19], $0x200, $0x38;
	[tilespmem:$0x1DC38] =	vst v63  }
0xb9: {  	s14 =	sadd.s32 @!p2 s6, s11  }
0xba: {  	s21 =	simm.s32 @!p2 $0x19738;
	s14 =	sadd.s32 @!p2 $0x80, s14  }
0xbb: {  	[tilespmem:s21], [sflag:$0x5] =	stream.linear.gather @!p2 [hbm4b:s14+s19], $0x200, $0x38;
	[tilespmem:$0x1DC38] =	vst v63  }
0xbc: {  	_ = 	snop  }
0xbd: {  	[tilespmem:s28], [sflag:$0x1] =	stream.indirect.gather [hbm4b:s12+s26], $0x20, s25, s26, $0xb8;
	[tilespmem:$0x1DC38] =	vst v63  }
0xbe: {  	_ = 	snop  }
0xbf: {  	[tilespmem:s30], [sflag:$0x2] =	stream.indirect.gather [hbm4b:s12+s26], $0x20, s9, s26, $0xb8;
	[tilespmem:$0x1DC38] =	vst v63  }
0xc0: {  	_ =	swait.ge [sflag:s31], $0x2000  }
0xc1: {  	[sflag:s31] =	ssyncset.done $0x0  }
0xc2: {  	s24 =	smov.u32 s23;
	s23 =	sadd.s32 $0x80, s23;
	[sflag:s31] =	ssyncadd.s32 $0xFFFFE000  }
0xc3: {  	[spmem:s3] =	stream.indirect.scatter.add.f32 [tilespmem:s28], [sflag:$0x3], $0x20, s17, s26, $0xb8;
	[tilespmem:$0x1DC38] =	vst v63  }
0xc4: {  	p1 =	sne.s32 s23, $0x1900;
	s6 =	smov.u32 s24;
	s24 =	rddreg [dreg:$0x7]  }
0xc5: {  	[spmem:s4] =	stream.indirect.scatter.add.f32 [tilespmem:s20], [sflag:$0x7], $0x1, s24, s26, $0xb8;
	[tilespmem:$0x1DC38] =	vst v63  }
.Ltmp0:
0xc6: {  	_ = 	snop;
	(pc) =	sbr.rel @p1 .LBB2_2-.Ltmp0, $4  }
0xc7: {  	_ =	swait.ge [sflag:s0], $0x2000  }
0xc8: {  	[sflag:s0] =	ssyncset.done $0x0  }
0xc9: {  	s14 =	rddreg [dreg:$0x8];
	[sflag:s0] =	ssyncadd.s32 $0xFFFFE000  }
0xca: {  	[spmem:s3] =	stream.indirect.scatter.add.f32 [tilespmem:s30], [sflag:$0x4], $0x20, s22, s26, $0xb8;
	[tilespmem:$0x1DC38] =	vst v63  }
0xcb: {  	s19 =	simm.s32 @!p0 $0x3  }
0xcc: {  	[spmem:s4] =	stream.indirect.scatter.add.f32 [tilespmem:s20], [sflag:$0x7], $0x1, s14, s26, $0xb8;
	[tilespmem:$0x1DC38] =	vst v63  }
0xcd: {  	_ =	swait.ge @!p0 [sflag:s19], $0x2000  }
0xce: {  	[sflag:s19] =	ssyncset.done @!p0 $0x0  }
0xcf: {  	s14 =	simm.s32 @!p0 $0x4;
	[sflag:s19] =	ssyncadd.s32 @!p0 $0xFFFFE000  }
0xd0: {  	_ =	swait.ge @!p0 [sflag:s14], $0x2000  }
0xd1: {  	[sflag:s14] =	ssyncset.done @!p0 $0x0  }
0xd2: {  	[sflag:s14] =	ssyncadd.s32 @!p0 $0xFFFFE000;
	s14 =	simm.s32 @!p0 $0x7  }
0xd3: {  	_ =	swait.ge @!p0 [sflag:s14], $0x100  }
0xd4: {  	[sflag:s14] =	ssyncset.done @!p0 $0x0  }
0xd5: {  	[sflag:s14] =	ssyncadd.s32 @!p0 $0xFFFFFF00  }
0xd6: {  	_ =	swait.ge @!p0 [sflag:s14], $0x100  }
0xd7: {  	[sflag:s14] =	ssyncset.done @!p0 $0x0  }
0xd8: {  	[sflag:s14] =	ssyncadd.s32 @!p0 $0xFFFFFF00;
	s14 =	simm.s32 @!p0 $0x5  }
0xd9: {  	_ =	swait.ge @!p0 [sflag:s14], $0x200  }
0xda: {  	[sflag:s14] =	ssyncset.done @!p0 $0x0  }
0xdb: {  	[sflag:s14] =	ssyncadd.s32 @!p0 $0xFFFFFE00  }
0xdc: {  	_ =	swait.ge @!p0 [sflag:s14], $0x200  }
0xdd: {  	s15 =	sadd.s32 s6, s10;
	[sflag:s14] =	ssyncset.done @!p0 $0x0  }
0xde: {  	s18 =	sadd.s32 s6, s11;
	s16 =	sadd.s32 $0x40, s15;
	[sflag:s14] =	ssyncadd.s32 @!p0 $0xFFFFFE00  }
0xdf: {  	[tilespmem:s25], [sflag:$0x6] =	stream.linear.gather [hbm4b:s16+s5], $0x200, $0x38;
	[tilespmem:$0x1DC38] =	vst v63  }
0xe0: {  	s21 =	sadd.s32 $0x40, s18  }
0xe1: {  	[tilespmem:s17], [sflag:$0x6] =	stream.linear.gather [hbm4b:s21+s5], $0x200, $0x38;
	[tilespmem:$0x1DC38] =	vst v63  }
0xe2: {  	s16 =	simm.s32 $0x19338  }
0xe3: {  	[tilespmem:s28], [sflag:$0x1] =	stream.indirect.gather [hbm4b:s12+s26], $0x20, s16, s26, $0xb8;
	[tilespmem:$0x1DC38] =	vst v63  }
0xe4: {  	_ = 	snop  }
0xe5: {  	[tilespmem:s30], [sflag:$0x2] =	stream.indirect.gather [hbm4b:s12+s26], $0x20, s29, s26, $0xb8;
	[tilespmem:$0x1DC38] =	vst v63  }
0xe6: {  	_ =	swait.ge [sflag:s31], $0x2000  }
0xe7: {  	[sflag:s31] =	ssyncset.done $0x0  }
0xe8: {  	s15 =	simm.s32 $0x19738;
	[sflag:s31] =	ssyncadd.s32 $0xFFFFE000  }
0xe9: {  	[spmem:s3] =	stream.indirect.scatter.add.f32 [tilespmem:s28], [sflag:$0x3], $0x20, s15, s26, $0xb8;
	[tilespmem:$0x1DC38] =	vst v63  }
0xea: {  	s23 =	rddreg [dreg:$0x5]  }
0xeb: {  	[spmem:s4] =	stream.indirect.scatter.add.f32 [tilespmem:s20], [sflag:$0x7], $0x1, s23, s26, $0xb8;
	[tilespmem:$0x1DC38] =	vst v63  }
0xec: {  	_ =	swait.ge [sflag:s0], $0x2000  }
0xed: {  	[sflag:s0] =	ssyncset.done $0x0  }
0xee: {  	s23 =	simm.s32 $0x19838;
	[sflag:s0] =	ssyncadd.s32 $0xFFFFE000  }
0xef: {  	[spmem:s3] =	stream.indirect.scatter.add.f32 [tilespmem:s30], [sflag:$0x4], $0x20, s23, s26, $0xb8;
	[tilespmem:$0x1DC38] =	vst v63  }
0xf0: {  	s24 =	rddreg [dreg:$0x6]  }
0xf1: {  	[spmem:s4] =	stream.indirect.scatter.add.f32 [tilespmem:s20], [sflag:$0x7], $0x1, s24, s26, $0xb8;
	[tilespmem:$0x1DC38] =	vst v63  }
0xf2: {  	_ =	swait.ge [sflag:s1], $0x2000  }
0xf3: {  	[sflag:s1] =	ssyncset.done $0x0  }
0xf4: {  	[sflag:s1] =	ssyncadd.s32 $0xFFFFE000  }
0xf5: {  	_ =	swait.ge [sflag:s2], $0x2000  }
0xf6: {  	[sflag:s2] =	ssyncset.done $0x0  }
0xf7: {  	[sflag:s2] =	ssyncadd.s32 $0xFFFFE000  }
0xf8: {  	_ =	swait.ge [sflag:s7], $0x100  }
0xf9: {  	[sflag:s7] =	ssyncset.done $0x0  }
0xfa: {  	[sflag:s7] =	ssyncadd.s32 $0xFFFFFF00  }
0xfb: {  	_ =	swait.ge [sflag:s7], $0x100  }
0xfc: {  	[sflag:s7] =	ssyncset.done $0x0  }
0xfd: {  	[sflag:s7] =	ssyncadd.s32 $0xFFFFFF00  }
0xfe: {  	_ =	swait.ge [sflag:s8], $0x200  }
0xff: {  	[sflag:s8] =	ssyncset.done $0x0  }
0x100: {  	p0 =	seq.s32 s6, $0x1880;
	[sflag:s8] =	ssyncadd.s32 $0xFFFFFE00  }
0x101: {  	s14 =	sadd.s32 @!p0 s6, s10;
	_ =	swait.ge [sflag:s8], $0x200  }
0x102: {  	s19 =	simm.s32 @!p0 $0x0;
	s6 =	sadd.s32 @!p0 s6, s11;
	[sflag:s8] =	ssyncset.done $0x0  }
0x103: {  	s14 =	sadd.s32 @!p0 $0x80, s14;
	s21 =	simm.s32 @!p0 $0x19338;
	[sflag:s8] =	ssyncadd.s32 $0xFFFFFE00  }
0x104: {  	[tilespmem:s21], [sflag:$0x5] =	stream.linear.gather @!p0 [hbm4b:s14+s19], $0x200, $0x38;
	[tilespmem:$0x1DC38] =	vst v63  }
0x105: {  	s6 =	sadd.s32 @!p0 $0x80, s6;
	s14 =	simm.s32 @!p0 $0x19738  }
0x106: {  	[tilespmem:s14], [sflag:$0x5] =	stream.linear.gather @!p0 [hbm4b:s6+s19], $0x200, $0x38;
	[tilespmem:$0x1DC38] =	vst v63  }
0x107: {  	_ = 	snop  }
0x108: {  	[tilespmem:s28], [sflag:$0x1] =	stream.indirect.gather [hbm4b:s12+s26], $0x20, s25, s26, $0xb8;
	[tilespmem:$0x1DC38] =	vst v63  }
0x109: {  	_ = 	snop  }
0x10a: {  	[tilespmem:s30], [sflag:$0x2] =	stream.indirect.gather [hbm4b:s12+s26], $0x20, s9, s26, $0xb8;
	[tilespmem:$0x1DC38] =	vst v63  }
0x10b: {  	_ =	swait.ge [sflag:s31], $0x2000  }
0x10c: {  	[sflag:s31] =	ssyncset.done $0x0  }
0x10d: {  	[sflag:s31] =	ssyncadd.s32 $0xFFFFE000  }
0x10e: {  	[spmem:s3] =	stream.indirect.scatter.add.f32 [tilespmem:s28], [sflag:$0x3], $0x20, s17, s26, $0xb8;
	[tilespmem:$0x1DC38] =	vst v63  }
0x10f: {  	s14 =	rddreg [dreg:$0x7]  }
0x110: {  	[spmem:s4] =	stream.indirect.scatter.add.f32 [tilespmem:s20], [sflag:$0x7], $0x1, s14, s26, $0xb8;
	[tilespmem:$0x1DC38] =	vst v63  }
0x111: {  	_ =	swait.ge [sflag:s0], $0x2000  }
0x112: {  	[sflag:s0] =	ssyncset.done $0x0  }
0x113: {  	[sflag:s0] =	ssyncadd.s32 $0xFFFFE000  }
0x114: {  	[spmem:s3] =	stream.indirect.scatter.add.f32 [tilespmem:s30], [sflag:$0x4], $0x20, s22, s26, $0xb8;
	[tilespmem:$0x1DC38] =	vst v63  }
0x115: {  	s18 =	rddreg [dreg:$0x8]  }
0x116: {  	[spmem:s4] =	stream.indirect.scatter.add.f32 [tilespmem:s20], [sflag:$0x7], $0x1, s18, s26, $0xb8;
	[tilespmem:$0x1DC38] =	vst v63  }
0x117: {  	_ =	swait.ge [sflag:s1], $0x2000  }
0x118: {  	[sflag:s1] =	ssyncset.done $0x0  }
0x119: {  	[sflag:s1] =	ssyncadd.s32 $0xFFFFE000  }
0x11a: {  	_ =	swait.ge [sflag:s2], $0x2000  }
0x11b: {  	[sflag:s2] =	ssyncset.done $0x0  }
0x11c: {  	[sflag:s2] =	ssyncadd.s32 $0xFFFFE000  }
0x11d: {  	_ =	swait.ge [sflag:s7], $0x100  }
0x11e: {  	[sflag:s7] =	ssyncset.done $0x0  }
0x11f: {  	[sflag:s7] =	ssyncadd.s32 $0xFFFFFF00  }
0x120: {  	_ =	swait.ge [sflag:s7], $0x100  }
0x121: {  	[sflag:s7] =	ssyncset.done $0x0  }
0x122: {  	[sflag:s7] =	ssyncadd.s32 $0xFFFFFF00  }
0x123: {  	[bflag:$0x0] =	sbarrier.arrive $0xFFFF  }
0x124: {  	s19 =	rddreg [dreg:$0xf]  }
0x125: {  	s9 =	rddreg [dreg:$0x12]  }
0x126: {  	s14 =	simm.s32 $0x8;
	s18 =	rddreg [dreg:$0x13]  }
0x127: {  	[hbm:s19], [sflag:s9] =	dma.local [spmem:s18], $0x30E0  }
0x128: {  	_ =	swait.ge [sflag:s14], $0x30E0  }
0x129: {  	[sflag:s14] =	ssyncset.done $0x0;
	s21 =	rddreg [dreg:$0xe]  }
0x12a: {  	s24 =	rddreg [dreg:$0x14];
	[sflag:s14] =	ssyncadd.s32 $0xFFFFCF20  }
0x12b: {  	[hbm:s21], [sflag:s9] =	dma.local [spmem:s24], $0x187  }
0x12c: {  	_ =	swait.ge [sflag:s14], $0x187  }
0x12d: {  	[sflag:s14] =	ssyncset.done $0x0  }
0x12e: {  	[sflag:s14] =	ssyncadd.s32 $0xFFFFFE79  }
0x12f: {  	[bflag:$0x0] =	sbarrier.arrive $0xFFFF  }
0x130: {  	s21 =	rddreg [dreg:$0x9]  }
0x131: {  	[spmem:s18], [sflag:s9] =	dma.local [hbm:s21], $0x30E0  }
0x132: {  	_ =	swait.ge [sflag:s14], $0x30E0  }
0x133: {  	[sflag:s14] =	ssyncset.done $0x0  }
0x134: {  	[sflag:s14] =	ssyncadd.s32 $0xFFFFCF20  }
0x135: {  	s24 =	simm.s32 $0x0;
	[bflag:$0x0] =	sbarrier.arrive $0xFFFF  }
0x136: {  	[tilespmem:s16], [sflag:$0x8] =	stream.linear.gather [hbm4b:s11+s24], $0x200, $0x38;
	[tilespmem:$0x1DC38] =	vst v63  }
0x137: {  	_ =	swait.ge [sflag:s14], $0x200  }
0x138: {  	[sflag:s14] =	ssyncset.done $0x0  }
0x139: {  	[sflag:s14] =	ssyncadd.s32 $0xFFFFFE00  }
0x13a: {  	[tilespmem:s15], [sflag:$0x8] =	stream.linear.gather [hbm4b:s10+s24], $0x200, $0x38;
	[tilespmem:$0x1DC38] =	vst v63  }
0x13b: {  	_ =	swait.ge [sflag:s14], $0x200  }
0x13c: {  	p0 =	por $0x1, $0x1;
	[sflag:s14] =	ssyncset.done $0x0  }
0x13d: {  	s6 =	simm.s32 @!p0 $0x3;
	[sflag:s14] =	ssyncadd.s32 $0xFFFFFE00  }
0x13e: {  	_ =	swait.ge @!p0 [sflag:s6], $0x2000  }
0x13f: {  	[sflag:s6] =	ssyncset.done @!p0 $0x0  }
0x140: {  	s14 =	simm.s32 @!p0 $0x4;
	[sflag:s6] =	ssyncadd.s32 @!p0 $0xFFFFE000  }
0x141: {  	_ =	swait.ge @!p0 [sflag:s14], $0x2000  }
0x142: {  	[sflag:s14] =	ssyncset.done @!p0 $0x0  }
0x143: {  	s6 =	simm.s32 @!p0 $0x5;
	[sflag:s14] =	ssyncadd.s32 @!p0 $0xFFFFE000  }
0x144: {  	_ =	swait.ge @!p0 [sflag:s6], $0x200  }
0x145: {  	[sflag:s6] =	ssyncset.done @!p0 $0x0  }
0x146: {  	[sflag:s6] =	ssyncadd.s32 @!p0 $0xFFFFFE00  }
0x147: {  	_ =	swait.ge @!p0 [sflag:s6], $0x200  }
0x148: {  	s9 =	sadd.s32 $0x0, s11;
	[sflag:s6] =	ssyncset.done @!p0 $0x0  }
0x149: {  	s18 =	sadd.s32 $0x0, s10;
	s14 =	sadd.s32 $0x40, s9;
	[sflag:s6] =	ssyncadd.s32 @!p0 $0xFFFFFE00  }
0x14a: {  	[tilespmem:s25], [sflag:$0x6] =	stream.linear.gather [hbm4b:s14+s5], $0x200, $0x38;
	[tilespmem:$0x1DC38] =	vst v63  }
0x14b: {  	s19 =	sadd.s32 $0x40, s18  }
0x14c: {  	[tilespmem:s17], [sflag:$0x6] =	stream.linear.gather [hbm4b:s19+s5], $0x200, $0x38;
	[tilespmem:$0x1DC38] =	vst v63  }
0x14d: {  	_ = 	snop  }
0x14e: {  	[tilespmem:s28], [sflag:$0x1] =	stream.indirect.gather [hbm4b:s13+s26], $0x20, s16, s26, $0xb8;
	[tilespmem:$0x1DC38] =	vst v63  }
0x14f: {  	s21 =	simm.s32 $0x19438  }
0x150: {  	[tilespmem:s30], [sflag:$0x2] =	stream.indirect.gather [hbm4b:s13+s26], $0x20, s21, s26, $0xb8;
	[tilespmem:$0x1DC38] =	vst v63  }
0x151: {  	_ =	swait.ge [sflag:s31], $0x2000  }
0x152: {  	[sflag:s31] =	ssyncset.done $0x0  }
0x153: {  	[sflag:s31] =	ssyncadd.s32 $0xFFFFE000  }
0x154: {  	[spmem:s3] =	stream.indirect.scatter.add.f32 [tilespmem:s28], [sflag:$0x3], $0x20, s15, s26, $0xb8;
	[tilespmem:$0x1DC38] =	vst v63  }
0x155: {  	_ =	swait.ge [sflag:s0], $0x2000  }
0x156: {  	[sflag:s0] =	ssyncset.done $0x0  }
0x157: {  	[sflag:s0] =	ssyncadd.s32 $0xFFFFE000  }
0x158: {  	[spmem:s3] =	stream.indirect.scatter.add.f32 [tilespmem:s30], [sflag:$0x4], $0x20, s23, s26, $0xb8;
	[tilespmem:$0x1DC38] =	vst v63  }
0x159: {  	_ =	swait.ge [sflag:s1], $0x2000  }
0x15a: {  	[sflag:s1] =	ssyncset.done $0x0  }
0x15b: {  	[sflag:s1] =	ssyncadd.s32 $0xFFFFE000  }
0x15c: {  	_ =	swait.ge [sflag:s2], $0x2000  }
0x15d: {  	[sflag:s2] =	ssyncset.done $0x0  }
0x15e: {  	[sflag:s2] =	ssyncadd.s32 $0xFFFFE000  }
0x15f: {  	_ =	swait.ge [sflag:s8], $0x200  }
0x160: {  	[sflag:s8] =	ssyncset.done $0x0  }
0x161: {  	[sflag:s8] =	ssyncadd.s32 $0xFFFFFE00  }
0x162: {  	p0 =	por $0x0, $0x0;
	_ =	swait.ge [sflag:s8], $0x200  }
0x163: {  	s6 =	sadd.s32 @!p0 $0x0, s11;
	s14 =	simm.s32 @!p0 $0x0;
	[sflag:s8] =	ssyncset.done $0x0  }
0x164: {  	s6 =	sadd.s32 @!p0 $0x80, s6;
	s19 =	simm.s32 @!p0 $0x19338;
	[sflag:s8] =	ssyncadd.s32 $0xFFFFFE00  }
0x165: {  	[tilespmem:s19], [sflag:$0x5] =	stream.linear.gather @!p0 [hbm4b:s6+s14], $0x200, $0x38;
	[tilespmem:$0x1DC38] =	vst v63  }
0x166: {  	s6 =	sadd.s32 @!p0 $0x0, s10  }
0x167: {  	s19 =	simm.s32 @!p0 $0x19738;
	s6 =	sadd.s32 @!p0 $0x80, s6  }
0x168: {  	[tilespmem:s19], [sflag:$0x5] =	stream.linear.gather @!p0 [hbm4b:s6+s14], $0x200, $0x38;
	[tilespmem:$0x1DC38] =	vst v63  }
0x169: {  	_ = 	snop  }
0x16a: {  	[tilespmem:s28], [sflag:$0x1] =	stream.indirect.gather [hbm4b:s13+s26], $0x20, s25, s26, $0xb8;
	[tilespmem:$0x1DC38] =	vst v63  }
0x16b: {  	s24 =	simm.s32 $0x19638  }
0x16c: {  	[tilespmem:s30], [sflag:$0x2] =	stream.indirect.gather [hbm4b:s13+s26], $0x20, s24, s26, $0xb8;
	[tilespmem:$0x1DC38] =	vst v63  }
0x16d: {  	p1 =	por $0x0, $0x0;
	_ =	swait.ge [sflag:s31], $0x2000  }
0x16e: {  	s29 =	simm.s32 $0x19338;
	s18 =	simm.s32 $0x19838;
	[sflag:s31] =	ssyncset.done $0x0  }
0x16f: {  	s9 =	simm.s32 $0x19438;
	s16 =	simm.s32 $0x19638;
	[sflag:s31] =	ssyncadd.s32 $0xFFFFE000  }
0x170: {  	[spmem:s3] =	stream.indirect.scatter.add.f32 [tilespmem:s28], [sflag:$0x3], $0x20, s17, s26, $0xb8;
	[tilespmem:$0x1DC38] =	vst v63  }
0x171: {  	s23 =	simm.s32 $0x100;
	s6 =	simm.s32 $0x80;
	_ =	swait.ge [sflag:s0], $0x2000  }
.LBB2_4:
0x172: {  	s14 =	simm.s32 @!p1 $0x3  }
0x173: {  	[sflag:s0] =	ssyncset.done $0x0;
	s24 =	smov.u32 s23;
	s23 =	sadd.s32 $0x80, s23  }
0x174: {  	p0 =	sne.s32 s23, $0x1900;
	[sflag:s0] =	ssyncadd.s32 $0xFFFFE000  }
0x175: {  	[spmem:s3] =	stream.indirect.scatter.add.f32 [tilespmem:s30], [sflag:$0x4], $0x20, s22, s26, $0xb8;
	[tilespmem:$0x1DC38] =	vst v63  }
0x176: {  	_ =	swait.ge @!p1 [sflag:s14], $0x2000  }
0x177: {  	s19 =	simm.s32 @!p1 $0x4;
	[sflag:s14] =	ssyncset.done @!p1 $0x0  }
0x178: {  	[sflag:s14] =	ssyncadd.s32 @!p1 $0xFFFFE000  }
0x179: {  	_ =	swait.ge @!p1 [sflag:s19], $0x2000  }
0x17a: {  	s14 =	simm.s32 @!p1 $0x5;
	[sflag:s19] =	ssyncset.done @!p1 $0x0  }
0x17b: {  	[sflag:s19] =	ssyncadd.s32 @!p1 $0xFFFFE000  }
0x17c: {  	_ =	swait.ge @!p1 [sflag:s14], $0x200  }
0x17d: {  	[sflag:s14] =	ssyncset.done @!p1 $0x0  }
0x17e: {  	[sflag:s14] =	ssyncadd.s32 @!p1 $0xFFFFFE00  }
0x17f: {  	s19 =	sadd.s32 s6, s11;
	_ =	swait.ge @!p1 [sflag:s14], $0x200  }
0x180: {  	s21 =	sadd.s32 s6, s10;
	s19 =	sadd.s32 $0x40, s19;
	[sflag:s14] =	ssyncset.done @!p1 $0x0  }
0x181: {  	[sflag:s14] =	ssyncadd.s32 @!p1 $0xFFFFFE00  }
0x182: {  	[tilespmem:s25], [sflag:$0x6] =	stream.linear.gather [hbm4b:s19+s5], $0x200, $0x38;
	[tilespmem:$0x1DC38] =	vst v63  }
0x183: {  	s14 =	sadd.s32 $0x40, s21  }
0x184: {  	[tilespmem:s17], [sflag:$0x6] =	stream.linear.gather [hbm4b:s14+s5], $0x200, $0x38;
	[tilespmem:$0x1DC38] =	vst v63  }
0x185: {  	_ = 	snop  }
0x186: {  	[tilespmem:s28], [sflag:$0x1] =	stream.indirect.gather [hbm4b:s13+s26], $0x20, s29, s26, $0xb8;
	[tilespmem:$0x1DC38] =	vst v63  }
0x187: {  	_ = 	snop  }
0x188: {  	[tilespmem:s30], [sflag:$0x2] =	stream.indirect.gather [hbm4b:s13+s26], $0x20, s9, s26, $0xb8;
	[tilespmem:$0x1DC38] =	vst v63  }
0x189: {  	_ =	swait.ge [sflag:s31], $0x2000  }
0x18a: {  	[sflag:s31] =	ssyncset.done $0x0  }
0x18b: {  	s14 =	simm.s32 $0x19738;
	[sflag:s31] =	ssyncadd.s32 $0xFFFFE000  }
0x18c: {  	[spmem:s3] =	stream.indirect.scatter.add.f32 [tilespmem:s28], [sflag:$0x3], $0x20, s14, s26, $0xb8;
	[tilespmem:$0x1DC38] =	vst v63  }
0x18d: {  	_ =	swait.ge [sflag:s0], $0x2000  }
0x18e: {  	[sflag:s0] =	ssyncset.done $0x0  }
0x18f: {  	[sflag:s0] =	ssyncadd.s32 $0xFFFFE000  }
0x190: {  	[spmem:s3] =	stream.indirect.scatter.add.f32 [tilespmem:s30], [sflag:$0x4], $0x20, s18, s26, $0xb8;
	[tilespmem:$0x1DC38] =	vst v63  }
0x191: {  	_ =	swait.ge [sflag:s1], $0x2000  }
0x192: {  	[sflag:s1] =	ssyncset.done $0x0  }
0x193: {  	[sflag:s1] =	ssyncadd.s32 $0xFFFFE000  }
0x194: {  	_ =	swait.ge [sflag:s2], $0x2000  }
0x195: {  	[sflag:s2] =	ssyncset.done $0x0  }
0x196: {  	[sflag:s2] =	ssyncadd.s32 $0xFFFFE000  }
0x197: {  	_ =	swait.ge [sflag:s8], $0x200  }
0x198: {  	[sflag:s8] =	ssyncset.done $0x0  }
0x199: {  	p1 =	seq.s32 s6, $0x1880;
	[sflag:s8] =	ssyncadd.s32 $0xFFFFFE00  }
0x19a: {  	s19 =	simm.s32 @!p1 $0x0;
	s14 =	sadd.s32 @!p1 s6, s11;
	_ =	swait.ge [sflag:s8], $0x200  }
0x19b: {  	s21 =	simm.s32 @!p1 $0x19338;
	s14 =	sadd.s32 @!p1 $0x80, s14;
	[sflag:s8] =	ssyncset.done $0x0  }
0x19c: {  	s15 =	simm.s32 @!p1 $0x19738;
	s6 =	sadd.s32 @!p1 s6, s10;
	[sflag:s8] =	ssyncadd.s32 $0xFFFFFE00  }
0x19d: {  	[tilespmem:s21], [sflag:$0x5] =	stream.linear.gather @!p1 [hbm4b:s14+s19], $0x200, $0x38;
	[tilespmem:$0x1DC38] =	vst v63  }
0x19e: {  	s14 =	sadd.s32 @!p1 $0x80, s6;
	s6 =	smov.u32 s24  }
0x19f: {  	[tilespmem:s15], [sflag:$0x5] =	stream.linear.gather @!p1 [hbm4b:s14+s19], $0x200, $0x38;
	[tilespmem:$0x1DC38] =	vst v63  }
0x1a0: {  	_ = 	snop  }
0x1a1: {  	[tilespmem:s28], [sflag:$0x1] =	stream.indirect.gather [hbm4b:s13+s26], $0x20, s25, s26, $0xb8;
	[tilespmem:$0x1DC38] =	vst v63  }
0x1a2: {  	_ = 	snop  }
0x1a3: {  	[tilespmem:s30], [sflag:$0x2] =	stream.indirect.gather [hbm4b:s13+s26], $0x20, s16, s26, $0xb8;
	[tilespmem:$0x1DC38] =	vst v63  }
.Ltmp1:
0x1a4: {  	_ =	swait.ge [sflag:s31], $0x2000;
	(pc) =	sbr.rel @p0 .LBB2_4-.Ltmp1, $4  }
0x1a5: {  	[sflag:s31] =	ssyncset.done $0x0  }
0x1a6: {  	[sflag:s31] =	ssyncadd.s32 $0xFFFFE000  }
0x1a7: {  	[spmem:s3] =	stream.indirect.scatter.add.f32 [tilespmem:s28], [sflag:$0x3], $0x20, s17, s26, $0xb8;
	[tilespmem:$0x1DC38] =	vst v63  }
0x1a8: {  	p1 =	seq.s32 s6, $0x0;
	_ =	swait.ge [sflag:s0], $0x2000  }
0x1a9: {  	[sflag:s0] =	ssyncset.done $0x0  }
0x1aa: {  	s14 =	simm.s32 @!p1 $0x3;
	s21 =	simm.s32 $0x19A38;
	[sflag:s0] =	ssyncadd.s32 $0xFFFFE000  }
0x1ab: {  	[spmem:s3] =	stream.indirect.scatter.add.f32 [tilespmem:s30], [sflag:$0x4], $0x20, s21, s26, $0xb8;
	[tilespmem:$0x1DC38] =	vst v63  }
0x1ac: {  	_ =	swait.ge @!p1 [sflag:s14], $0x2000  }
0x1ad: {  	[sflag:s14] =	ssyncset.done @!p1 $0x0  }
0x1ae: {  	s15 =	simm.s32 @!p1 $0x4;
	[sflag:s14] =	ssyncadd.s32 @!p1 $0xFFFFE000  }
0x1af: {  	_ =	swait.ge @!p1 [sflag:s15], $0x2000  }
0x1b0: {  	[sflag:s15] =	ssyncset.done @!p1 $0x0  }
0x1b1: {  	s14 =	simm.s32 @!p1 $0x5;
	[sflag:s15] =	ssyncadd.s32 @!p1 $0xFFFFE000  }
0x1b2: {  	_ =	swait.ge @!p1 [sflag:s14], $0x200  }
0x1b3: {  	[sflag:s14] =	ssyncset.done @!p1 $0x0  }
0x1b4: {  	[sflag:s14] =	ssyncadd.s32 @!p1 $0xFFFFFE00  }
0x1b5: {  	_ =	swait.ge @!p1 [sflag:s14], $0x200  }
0x1b6: {  	s9 =	sadd.s32 s6, s11;
	[sflag:s14] =	ssyncset.done @!p1 $0x0  }
0x1b7: {  	s19 =	sadd.s32 s6, s10;
	s15 =	sadd.s32 $0x40, s9;
	[sflag:s14] =	ssyncadd.s32 @!p1 $0xFFFFFE00  }
0x1b8: {  	[tilespmem:s25], [sflag:$0x6] =	stream.linear.gather [hbm4b:s15+s5], $0x200, $0x38;
	[tilespmem:$0x1DC38] =	vst v63  }
0x1b9: {  	s15 =	sadd.s32 $0x40, s19  }
0x1ba: {  	[tilespmem:s17], [sflag:$0x6] =	stream.linear.gather [hbm4b:s15+s5], $0x200, $0x38;
	[tilespmem:$0x1DC38] =	vst v63  }
0x1bb: {  	_ = 	snop  }
0x1bc: {  	[tilespmem:s28], [sflag:$0x1] =	stream.indirect.gather [hbm4b:s13+s26], $0x20, s29, s26, $0xb8;
	[tilespmem:$0x1DC38] =	vst v63  }
0x1bd: {  	s29 =	simm.s32 $0x19438  }
0x1be: {  	[tilespmem:s30], [sflag:$0x2] =	stream.indirect.gather [hbm4b:s13+s26], $0x20, s29, s26, $0xb8;
	[tilespmem:$0x1DC38] =	vst v63  }
0x1bf: {  	_ =	swait.ge [sflag:s31], $0x2000  }
0x1c0: {  	[sflag:s31] =	ssyncset.done $0x0  }
0x1c1: {  	s9 =	simm.s32 $0x19738;
	[sflag:s31] =	ssyncadd.s32 $0xFFFFE000  }
0x1c2: {  	[spmem:s3] =	stream.indirect.scatter.add.f32 [tilespmem:s28], [sflag:$0x3], $0x20, s9, s26, $0xb8;
	[tilespmem:$0x1DC38] =	vst v63  }
0x1c3: {  	_ =	swait.ge [sflag:s0], $0x2000  }
0x1c4: {  	[sflag:s0] =	ssyncset.done $0x0  }
0x1c5: {  	[sflag:s0] =	ssyncadd.s32 $0xFFFFE000  }
0x1c6: {  	[spmem:s3] =	stream.indirect.scatter.add.f32 [tilespmem:s30], [sflag:$0x4], $0x20, s18, s26, $0xb8;
	[tilespmem:$0x1DC38] =	vst v63  }
0x1c7: {  	_ =	swait.ge [sflag:s1], $0x2000  }
0x1c8: {  	[sflag:s1] =	ssyncset.done $0x0  }
0x1c9: {  	[sflag:s1] =	ssyncadd.s32 $0xFFFFE000  }
0x1ca: {  	_ =	swait.ge [sflag:s2], $0x2000  }
0x1cb: {  	[sflag:s2] =	ssyncset.done $0x0  }
0x1cc: {  	[sflag:s2] =	ssyncadd.s32 $0xFFFFE000  }
0x1cd: {  	_ =	swait.ge [sflag:s8], $0x200  }
0x1ce: {  	[sflag:s8] =	ssyncset.done $0x0  }
0x1cf: {  	p0 =	seq.s32 s6, $0x1880;
	[sflag:s8] =	ssyncadd.s32 $0xFFFFFE00  }
0x1d0: {  	s14 =	sadd.s32 @!p0 s6, s11;
	_ =	swait.ge [sflag:s8], $0x200  }
0x1d1: {  	s6 =	sadd.s32 @!p0 s6, s10;
	s14 =	sadd.s32 @!p0 $0x80, s14;
	[sflag:s8] =	ssyncset.done $0x0  }
0x1d2: {  	s19 =	simm.s32 @!p0 $0x19338;
	s15 =	simm.s32 @!p0 $0x0;
	[sflag:s8] =	ssyncadd.s32 $0xFFFFFE00  }
0x1d3: {  	[tilespmem:s19], [sflag:$0x5] =	stream.linear.gather @!p0 [hbm4b:s14+s15], $0x200, $0x38;
	[tilespmem:$0x1DC38] =	vst v63  }
0x1d4: {  	s6 =	sadd.s32 @!p0 $0x80, s6;
	s14 =	simm.s32 @!p0 $0x19738  }
0x1d5: {  	[tilespmem:s14], [sflag:$0x5] =	stream.linear.gather @!p0 [hbm4b:s6+s15], $0x200, $0x38;
	[tilespmem:$0x1DC38] =	vst v63  }
0x1d6: {  	_ = 	snop  }
0x1d7: {  	[tilespmem:s28], [sflag:$0x1] =	stream.indirect.gather [hbm4b:s13+s26], $0x20, s25, s26, $0xb8;
	[tilespmem:$0x1DC38] =	vst v63  }
0x1d8: {  	s9 =	simm.s32 $0x19638  }
0x1d9: {  	[tilespmem:s30], [sflag:$0x2] =	stream.indirect.gather [hbm4b:s13+s26], $0x20, s9, s26, $0xb8;
	[tilespmem:$0x1DC38] =	vst v63  }
0x1da: {  	_ =	swait.ge [sflag:s31], $0x2000  }
0x1db: {  	[sflag:s31] =	ssyncset.done $0x0  }
0x1dc: {  	[sflag:s31] =	ssyncadd.s32 $0xFFFFE000  }
0x1dd: {  	[spmem:s3] =	stream.indirect.scatter.add.f32 [tilespmem:s28], [sflag:$0x3], $0x20, s17, s26, $0xb8;
	[tilespmem:$0x1DC38] =	vst v63  }
0x1de: {  	_ =	swait.ge [sflag:s0], $0x2000  }
0x1df: {  	[sflag:s0] =	ssyncset.done $0x0  }
0x1e0: {  	[sflag:s0] =	ssyncadd.s32 $0xFFFFE000  }
0x1e1: {  	[spmem:s3] =	stream.indirect.scatter.add.f32 [tilespmem:s30], [sflag:$0x4], $0x20, s21, s26, $0xb8;
	[tilespmem:$0x1DC38] =	vst v63  }
0x1e2: {  	_ =	swait.ge [sflag:s1], $0x2000  }
0x1e3: {  	[sflag:s1] =	ssyncset.done $0x0  }
0x1e4: {  	[sflag:s1] =	ssyncadd.s32 $0xFFFFE000  }
0x1e5: {  	_ =	swait.ge [sflag:s2], $0x2000  }
0x1e6: {  	[sflag:s2] =	ssyncset.done $0x0  }
0x1e7: {  	[sflag:s2] =	ssyncadd.s32 $0xFFFFE000  }
0x1e8: {  	[bflag:$0x0] =	sbarrier.arrive $0xFFFF  }
0x1e9: {  	s16 =	rddreg [dreg:$0x10]  }
0x1ea: {  	s19 =	rddreg [dreg:$0x12]  }
0x1eb: {  	s14 =	simm.s32 $0x8;
	s21 =	rddreg [dreg:$0x13]  }
0x1ec: {  	[hbm:s16], [sflag:s19] =	dma.local [spmem:s21], $0x30E0  }
0x1ed: {  	_ =	swait.ge [sflag:s14], $0x30E0  }
0x1ee: {  	s23 =	rddreg [dreg:$0x11]  }
0x1ef: {  	s24 =	rddreg [dreg:$0xd];
	s15 =	sadd.s32 $0x1, s23  }
0x1f0: {  	p0 =	sne.s32 s15, s24  }
.Ltmp2:
0x1f1: {  	_ = 	snop;
	(pc) =	sbr.rel @p0 .LBB2_1-.Ltmp2, $4  }
0x1f2: {  	[sflag:s14] =	ssyncset.done $0x0  }
0x1f3: {  	[sflag:s14] =	ssyncadd.s32 $0xFFFFCF20  }
0x1f4: {  	[bflag:$0x0] =	sbarrier.arrive $0xFFFF  }
0x1f5: {  	s22 =	simm.s32 $0x19A38;
	s16 =	rddreg [dreg:$0x9]  }
0x1f6: {  	_ =	sfence.sel $0x180000  }
0x1f7: {  	[bflag:$0x0] =	sbarrier.arrive $0xFFFF  }
0x1f8: {  	_ =	strace $0x90000047  }
0x1f9: {  	s0 =	stileid.u32;
	[bflag:$0x2] =	sbarrier.arrive $0xFFFF  }
0x1fa: {  	p0 =	sne.s32 s0, $0x0;
	s0 =	rddreg [dreg:$0x4]  }
0x1fb: {  	s0 =	sadd.s32 @!p0 $0x100000, s0  }
0x1fc: {  	[sflag:s0] =	ssyncadd.tile.s32 @!p0 $0x1;
	_ =	shalt  }
.Lfunc_end2:
_tile_overlayer_lowered:
.L_overlay_start_2:
0x1fd: {  	(tag) =	ssettag $0x2  }
0x1fe: {  	s0 =	rddreg [dreg:$0x0];
	s2 =	stileid.u32  }
0x1ff: {  	s1 =	rddreg [dreg:$0x1];
	p0 =	sne.s32 s2, $0x0  }
0x200: {  	s3 =	rddreg [dreg:$0x2];
	[bflag:$0x3] =	sbarrier.arrive $0xFFFF;
	s2 =	simm.s32 @!p0 $0x1C08  }
0x201: {  	[timem:s3], [sflag:s2] =	dma.local @!p0 [hbm:s0], s1  }
0x202: {  	s0 =	simm.s32 @!p0 $0x8  }
0x203: {  	_ =	swait.ge @!p0 [sflag:s0], s1  }
0x204: {  	s1 =	ssub.s32 @!p0 $0x0, s1;
	[sflag:s0] =	ssyncset.done @!p0 $0x0  }
0x205: {  	[sflag:s0] =	ssyncadd.s32 @!p0 s1  }
0x206: {  	[bflag:$0x3] =	sbarrier.arrive $0xFFFF  }
0x207: {  	_ =	shalt  }

</sc_bundles>
